<compile_context>
chip_gen: v7x
topology: tpu7x:2x2x1
jax: 0.10.2.dev20260603
libtpu: 0.0.44.dev20260713+nightly
codegen_flags: <defaults>
</compile_context>

<pallas_src>
import functools

import jax
import jax.numpy as jnp
from jax import lax
from jax.experimental import pallas as pl
from jax.experimental.pallas import tpu as pltpu, tpu_sc as plsc

N_NODES = 100000
N_EDGES = 6400000
ROW = 8

NUM_CORES = 2
NUM_SUBCORES = 16
LANES = 16
NW = NUM_CORES * NUM_SUBCORES

E_PER_W = N_EDGES // NW
CHUNK = 800
N_CHUNKS = E_PER_W // CHUNK
NPHASE = 3
ROUNDS = (N_CHUNKS + NPHASE - 1) // NPHASE

_VEC_SCRATCH = [
    pltpu.VMEM((CHUNK,), jnp.int32),
    pltpu.VMEM((CHUNK,), jnp.int32),
    pltpu.VMEM((CHUNK, ROW), jnp.float32),
    pltpu.VMEM((CHUNK, ROW), jnp.float32),
    pltpu.VMEM((CHUNK,), jnp.float32),
    pltpu.VMEM((CHUNK,), jnp.float32),
    pltpu.VMEM((CHUNK,), jnp.float32),
    pltpu.VMEM((CHUNK,), jnp.float32),
    pltpu.VMEM((CHUNK,), jnp.float32),
    pltpu.VMEM((CHUNK,), jnp.float32),
]


def _edge_kernel(pos_hbm, ii_hbm, ij_hbm, o0_hbm, o1_hbm, o2_hbm,
                 u0_hbm, u1_hbm, u2_hbm, tab_s, *scratch):
    sid = lax.axis_index("s")
    wid = sid * NUM_CORES + lax.axis_index("c")
    w_base = wid * E_PER_W

    nper = len(_VEC_SCRATCH)
    sem = scratch[-1]
    sets = [scratch[p * nper:(p + 1) * nper] + (sem.at[p, 0], sem.at[p, 1],
                                                sem.at[p, 2], sem.at[p, 3])
            for p in range(NPHASE)]

    @pl.when(sid == 0)
    def _():
        pltpu.sync_copy(pos_hbm, tab_s)

    plsc.subcore_barrier()

    def clamp(c):
        return jnp.minimum(c, N_CHUNKS - 1)

    def in_copies(s, c):
        (ii_v, ij_v, _, _, b0, b1, b2, _, _, _,
         sem_idx, sem_off, _, _) = s
        ld = pl.ds(w_base + clamp(c) * CHUNK, CHUNK)
        return (
            (pltpu.make_async_copy(ii_hbm.at[ld], ii_v, sem_idx),
             pltpu.make_async_copy(ij_hbm.at[ld], ij_v, sem_idx)),
            (pltpu.make_async_copy(o0_hbm.at[ld], b0, sem_off),
             pltpu.make_async_copy(o1_hbm.at[ld], b1, sem_off),
             pltpu.make_async_copy(o2_hbm.at[ld], b2, sem_off)),
        )

    def out_copies(s, c):
        (_, _, _, _, _, _, _, r0, r1, r2, _, _, _, sem_out) = s
        ld = pl.ds(w_base + clamp(c) * CHUNK, CHUNK)
        return (pltpu.make_async_copy(r0, u0_hbm.at[ld], sem_out),
                pltpu.make_async_copy(r1, u1_hbm.at[ld], sem_out),
                pltpu.make_async_copy(r2, u2_hbm.at[ld], sem_out))

    def gather_copies(s):
        (ii_v, ij_v, gi_v, gj_v, _, _, _, _, _, _, _, _, sem_g, _) = s
        return (pltpu.make_async_copy(tab_s.at[ii_v], gi_v, sem_g),
                pltpu.make_async_copy(tab_s.at[ij_v], gj_v, sem_g))

    def start_in(s, c):
        idx, off = in_copies(s, c)
        for cp in idx + off:
            cp.start()

    def wait_idx(s, c):
        for cp in in_copies(s, c)[0]:
            cp.wait()

    def wait_off(s, c):
        for cp in in_copies(s, c)[1]:
            cp.wait()

    def start_gather(s):
        for cp in gather_copies(s):
            cp.start()

    def wait_gather(s):
        for cp in gather_copies(s):
            cp.wait()

    def compute(s):
        (_, _, gi_v, gj_v, b0, b1, b2, r0, r1, r2, _, _, _, _) = s
        bs = (b0, b1, b2)
        rs = (r0, r1, r2)

        def vec_body(t, carry):
            e0 = t * LANES
            ev = e0 + lax.iota(jnp.int32, LANES)
            for k in range(3):
                ck = jnp.full((LANES,), k, jnp.int32)
                pi = plsc.load_gather(gi_v, [ev, ck])
                pj = plsc.load_gather(gj_v, [ev, ck])
                rs[k][pl.ds(e0, LANES)] = bs[k][pl.ds(e0, LANES)] + pj - pi
            return carry

        lax.fori_loop(0, CHUNK // LANES, vec_body, 0, unroll=4)

    def phase(p, s, g3, c):
        wait_gather(s)
        wait_off(s, c)

        @pl.when(g3 > 0)
        def _():
            for cp in out_copies(s, c - NPHASE):
                cp.wait()

        compute(s)
        for cp in out_copies(s, c):
            cp.start()
        start_in(s, c + NPHASE)

    start_in(sets[0], 0)
    start_in(sets[1], 1)
    start_in(sets[2], 2)
    wait_idx(sets[0], 0)
    start_gather(sets[0])

    def round_body(g3, carry):
        cA = g3 * NPHASE
        wait_idx(sets[1], cA + 1)
        start_gather(sets[1])
        phase(0, sets[0], g3, cA)
        wait_idx(sets[2], cA + 2)
        start_gather(sets[2])
        phase(1, sets[1], g3, cA + 1)
        wait_idx(sets[0], cA + 3)
        start_gather(sets[0])
        phase(2, sets[2], g3, cA + 2)
        return carry

    lax.fori_loop(0, ROUNDS, round_body, 0)

    last = ROUNDS * NPHASE
    wait_gather(sets[0])
    wait_off(sets[0], last)
    wait_idx(sets[1], last + 1)
    wait_off(sets[1], last + 1)
    wait_idx(sets[2], last + 2)
    wait_off(sets[2], last + 2)
    for p in range(NPHASE):
        for cp in out_copies(sets[p], last - NPHASE + p):
            cp.wait()


@jax.jit
def kernel(positions, indeces_i, indeces_j, offsets):
    mesh = plsc.VectorSubcoreMesh(core_axis_name="c", subcore_axis_name="s")
    vec = jax.ShapeDtypeStruct((N_EDGES,), jnp.float32)
    run = pl.kernel(
        _edge_kernel,
        out_type=(vec, vec, vec),
        mesh=mesh,
        compiler_params=pltpu.CompilerParams(
            needs_layout_passes=False, use_tc_tiling_on_sc=False),
        scratch_types=(
            [pltpu.VMEM_SHARED((N_NODES, ROW), jnp.float32)]
            + _VEC_SCRATCH * NPHASE
            + [pltpu.SemaphoreType.DMA((NPHASE, 4))]
        ),
    )
    pos_pad = jnp.pad(positions, ((0, 0), (0, ROW - 3)))
    u0, u1, u2 = run(
        pos_pad,
        indeces_i.astype(jnp.int32),
        indeces_j.astype(jnp.int32),
        offsets[:, 0],
        offsets[:, 1],
        offsets[:, 2],
    )
    return jnp.stack([u0, u1, u2], axis=1)

# --- scband reference (transcript-rebuilt; emitter-appended) ---
"""Pipeline reference for scband-pairwise-distances-index-48026324304300 (READ-ONLY COPY).

The authoritative reference and input builder live on the scoring server;
editing this copy changes nothing except your own understanding.
"""

import jax, jax.numpy as jnp
import numpy as np

N_NODES = 100000
N_EDGES = 6400000

def setup_inputs(seed: int = 0) -> dict:
    key = jax.random.key(seed)
    k1, k2, k3, k4 = jax.random.split(key, 4)
    positions = jax.random.normal(k1, (N_NODES, 3), dtype=jnp.float32)
    indeces_i = jax.random.randint(k2, (N_EDGES,), 0, N_NODES, dtype=jnp.int64)
    indeces_j = jax.random.randint(k3, (N_EDGES,), 0, N_NODES, dtype=jnp.int64)
    offsets = jax.random.normal(k4, (N_EDGES, 3), dtype=jnp.float32)
    return {"positions": positions, "indeces_i": indeces_i, "indeces_j": indeces_j, "offsets": offsets}

def reference(positions, indeces_i, indeces_j, offsets):
    pos_i = jnp.take(positions, indeces_i, axis=0)
    pos_j = jnp.take(positions, indeces_j, axis=0)
    Rij = pos_j - pos_i + offsets
    return Rij

if __name__ == "__main__":
    import jax
    _d = setup_inputs()
    print(jax.jit(kernel)(*tuple(_d.values())))

</pallas_src>

<mosaic_0001>
#map = affine_map<(d0, d1) -> (0, 0)>
#map1 = affine_map<(d0, d1) -> (0)>
module attributes {stable_mosaic.version = 14 : i64} {
  func.func @_edge_kernel(%arg0: i32, %arg1: i32, %arg2: memref<100000x8xf32, #tpu.memory_space<hbm>>, %arg3: memref<6400000xi32, #tpu.memory_space<hbm>>, %arg4: memref<6400000xi32, #tpu.memory_space<hbm>>, %arg5: memref<6400000xf32, #tpu.memory_space<hbm>>, %arg6: memref<6400000xf32, #tpu.memory_space<hbm>>, %arg7: memref<6400000xf32, #tpu.memory_space<hbm>>, %arg8: memref<6400000xf32, #tpu.memory_space<hbm>>, %arg9: memref<6400000xf32, #tpu.memory_space<hbm>>, %arg10: memref<6400000xf32, #tpu.memory_space<hbm>>, %arg11: memref<100000x8xf32, #tpu.memory_space<vmem_shared>>, %arg12: memref<800xi32, #tpu.memory_space<vmem>>, %arg13: memref<800xi32, #tpu.memory_space<vmem>>, %arg14: memref<800x8xf32, #tpu.memory_space<vmem>>, %arg15: memref<800x8xf32, #tpu.memory_space<vmem>>, %arg16: memref<800xf32, #tpu.memory_space<vmem>>, %arg17: memref<800xf32, #tpu.memory_space<vmem>>, %arg18: memref<800xf32, #tpu.memory_space<vmem>>, %arg19: memref<800xf32, #tpu.memory_space<vmem>>, %arg20: memref<800xf32, #tpu.memory_space<vmem>>, %arg21: memref<800xf32, #tpu.memory_space<vmem>>, %arg22: memref<800xi32, #tpu.memory_space<vmem>>, %arg23: memref<800xi32, #tpu.memory_space<vmem>>, %arg24: memref<800x8xf32, #tpu.memory_space<vmem>>, %arg25: memref<800x8xf32, #tpu.memory_space<vmem>>, %arg26: memref<800xf32, #tpu.memory_space<vmem>>, %arg27: memref<800xf32, #tpu.memory_space<vmem>>, %arg28: memref<800xf32, #tpu.memory_space<vmem>>, %arg29: memref<800xf32, #tpu.memory_space<vmem>>, %arg30: memref<800xf32, #tpu.memory_space<vmem>>, %arg31: memref<800xf32, #tpu.memory_space<vmem>>, %arg32: memref<800xi32, #tpu.memory_space<vmem>>, %arg33: memref<800xi32, #tpu.memory_space<vmem>>, %arg34: memref<800x8xf32, #tpu.memory_space<vmem>>, %arg35: memref<800x8xf32, #tpu.memory_space<vmem>>, %arg36: memref<800xf32, #tpu.memory_space<vmem>>, %arg37: memref<800xf32, #tpu.memory_space<vmem>>, %arg38: memref<800xf32, #tpu.memory_space<vmem>>, %arg39: memref<800xf32, #tpu.memory_space<vmem>>, %arg40: memref<800xf32, #tpu.memory_space<vmem>>, %arg41: memref<800xf32, #tpu.memory_space<vmem>>, %arg42: memref<3x4x!tpu.dma_semaphore, #tpu.memory_space<semaphore_mem>>) attributes {dimension_semantics = [#tpu.dimension_semantics<core_parallel>, #tpu.dimension_semantics<subcore_parallel>], iteration_bounds = array<i64: 2, 16>, scalar_prefetch = 0 : i64, scratch_operands = 32 : i64, tpu.core_type = #tpu.core_type<sc_vector_subcore>, window_params = [{transform_indices = #map}, {transform_indices = #map1}, {transform_indices = #map1}, {transform_indices = #map1}, {transform_indices = #map1}, {transform_indices = #map1}, {transform_indices = #map1}, {transform_indices = #map1}, {transform_indices = #map1}]} {
    %mul3A = arith.constant 2 : i32
    %mul3A_0 = arith.muli %arg1, %mul3A : i32
    %add3A = arith.addi %mul3A_0, %arg0 : i32
    %mul3A_1 = arith.constant 200000 : i32
    %mul3A_2 = arith.muli %add3A, %mul3A_1 : i32
    %eq3A = arith.constant 0 : i32
    %eq3A_3 = arith.cmpi eq, %arg1, %eq3A : i32
    %convert_element_type3A = arith.extui %eq3A_3 : i1 to i32
    %cond3A = arith.constant 0 : i32
    %cond3A_4 = arith.cmpi ne, %convert_element_type3A, %cond3A : i32
    scf.if %cond3A_4 {
      "tpu.region"() ({
        %run_scoped3A = tpu.sem_alloc : memref<!tpu.dma_semaphore, #tpu.memory_space<semaphore_mem>>
        tpu.enqueue_dma source(%arg2 : memref<100000x8xf32, #tpu.memory_space<hbm>>) target(%arg11 : memref<100000x8xf32, #tpu.memory_space<vmem_shared>>) target_semaphore(%run_scoped3A : memref<!tpu.dma_semaphore, #tpu.memory_space<semaphore_mem>>)
        tpu.wait_dma2 semaphore(%run_scoped3A : memref<!tpu.dma_semaphore, #tpu.memory_space<semaphore_mem>>) src(%arg2 : memref<100000x8xf32, #tpu.memory_space<hbm>>) dst(%arg11 : memref<100000x8xf32, #tpu.memory_space<vmem_shared>>)
        tpu.yield
      }) : () -> ()
    } else {
    }
    %barrier3A = arith.constant 0 : index
    tpu.barrier barrier_id(%barrier3A)
    %min3A = arith.constant 0 : i32
    %min3A_5 = arith.constant 249 : i32
    %min3A_6 = arith.minsi %min3A, %min3A_5 : i32
    %mul3A_7 = arith.constant 800 : i32
    %mul3A_8 = arith.muli %min3A_6, %mul3A_7 : i32
    %add3A_9 = arith.addi %mul3A_2, %mul3A_8 : i32
    %dma_start3A = arith.constant 0 : i32
    %dma_start3A_10 = arith.constant 0 : i32
    %dma_start3A_11 = tpu.memref_slice %arg3[%add3A_9] : memref<6400000xi32, #tpu.memory_space<hbm>> -> memref<800xi32, #tpu.memory_space<hbm>>
    %dma_start3A_12 = tpu.memref_slice %arg42[%dma_start3A, %dma_start3A_10] : memref<3x4x!tpu.dma_semaphore, #tpu.memory_space<semaphore_mem>> -> memref<1x1x!tpu.dma_semaphore, #tpu.memory_space<semaphore_mem>>
    %dma_start3A_13 = tpu.memref_squeeze %dma_start3A_12 : memref<1x1x!tpu.dma_semaphore, #tpu.memory_space<semaphore_mem>> -> memref<!tpu.dma_semaphore, #tpu.memory_space<semaphore_mem>>
    %dma_start3A_14 = tpu.memref_slice %arg3[%add3A_9] : memref<6400000xi32, #tpu.memory_space<hbm>> -> memref<800xi32, #tpu.memory_space<hbm>>
    tpu.enqueue_dma source(%dma_start3A_14 : memref<800xi32, #tpu.memory_space<hbm>>) target(%arg12 : memref<800xi32, #tpu.memory_space<vmem>>) target_semaphore(%dma_start3A_13 : memref<!tpu.dma_semaphore, #tpu.memory_space<semaphore_mem>>)
    %dma_start3A_15 = arith.constant 0 : i32
    %dma_start3A_16 = arith.constant 0 : i32
    %dma_start3A_17 = tpu.memref_slice %arg4[%add3A_9] : memref<6400000xi32, #tpu.memory_space<hbm>> -> memref<800xi32, #tpu.memory_space<hbm>>
    %dma_start3A_18 = tpu.memref_slice %arg42[%dma_start3A_15, %dma_start3A_16] : memref<3x4x!tpu.dma_semaphore, #tpu.memory_space<semaphore_mem>> -> memref<1x1x!tpu.dma_semaphore, #tpu.memory_space<semaphore_mem>>
    %dma_start3A_19 = tpu.memref_squeeze %dma_start3A_18 : memref<1x1x!tpu.dma_semaphore, #tpu.memory_space<semaphore_mem>> -> memref<!tpu.dma_semaphore, #tpu.memory_space<semaphore_mem>>
    %dma_start3A_20 = tpu.memref_slice %arg4[%add3A_9] : memref<6400000xi32, #tpu.memory_space<hbm>> -> memref<800xi32, #tpu.memory_space<hbm>>
    tpu.enqueue_dma source(%dma_start3A_20 : memref<800xi32, #tpu.memory_space<hbm>>) target(%arg13 : memref<800xi32, #tpu.memory_space<vmem>>) target_semaphore(%dma_start3A_19 : memref<!tpu.dma_semaphore, #tpu.memory_space<semaphore_mem>>)
    %dma_start3A_21 = arith.constant 0 : i32
    %dma_start3A_22 = arith.constant 1 : i32
    %dma_start3A_23 = tpu.memref_slice %arg5[%add3A_9] : memref<6400000xf32, #tpu.memory_space<hbm>> -> memref<800xf32, #tpu.memory_space<hbm>>
    %dma_start3A_24 = tpu.memref_slice %arg42[%dma_start3A_21, %dma_start3A_22] : memref<3x4x!tpu.dma_semaphore, #tpu.memory_space<semaphore_mem>> -> memref<1x1x!tpu.dma_semaphore, #tpu.memory_space<semaphore_mem>>
    %dma_start3A_25 = tpu.memref_squeeze %dma_start3A_24 : memref<1x1x!tpu.dma_semaphore, #tpu.memory_space<semaphore_mem>> -> memref<!tpu.dma_semaphore, #tpu.memory_space<semaphore_mem>>
    %dma_start3A_26 = tpu.memref_slice %arg5[%add3A_9] : memref<6400000xf32, #tpu.memory_space<hbm>> -> memref<800xf32, #tpu.memory_space<hbm>>
    tpu.enqueue_dma source(%dma_start3A_26 : memref<800xf32, #tpu.memory_space<hbm>>) target(%arg16 : memref<800xf32, #tpu.memory_space<vmem>>) target_semaphore(%dma_start3A_25 : memref<!tpu.dma_semaphore, #tpu.memory_space<semaphore_mem>>)
    %dma_start3A_27 = arith.constant 0 : i32
    %dma_start3A_28 = arith.constant 1 : i32
    %dma_start3A_29 = tpu.memref_slice %arg6[%add3A_9] : memref<6400000xf32, #tpu.memory_space<hbm>> -> memref<800xf32, #tpu.memory_space<hbm>>
    %dma_start3A_30 = tpu.memref_slice %arg42[%dma_start3A_27, %dma_start3A_28] : memref<3x4x!tpu.dma_semaphore, #tpu.memory_space<semaphore_mem>> -> memref<1x1x!tpu.dma_semaphore, #tpu.memory_space<semaphore_mem>>
    %dma_start3A_31 = tpu.memref_squeeze %dma_start3A_30 : memref<1x1x!tpu.dma_semaphore, #tpu.memory_space<semaphore_mem>> -> memref<!tpu.dma_semaphore, #tpu.memory_space<semaphore_mem>>
    %dma_start3A_32 = tpu.memref_slice %arg6[%add3A_9] : memref<6400000xf32, #tpu.memory_space<hbm>> -> memref<800xf32, #tpu.memory_space<hbm>>
    tpu.enqueue_dma source(%dma_start3A_32 : memref<800xf32, #tpu.memory_space<hbm>>) target(%arg17 : memref<800xf32, #tpu.memory_space<vmem>>) target_semaphore(%dma_start3A_31 : memref<!tpu.dma_semaphore, #tpu.memory_space<semaphore_mem>>)
    %dma_start3A_33 = arith.constant 0 : i32
    %dma_start3A_34 = arith.constant 1 : i32
    %dma_start3A_35 = tpu.memref_slice %arg7[%add3A_9] : memref<6400000xf32, #tpu.memory_space<hbm>> -> memref<800xf32, #tpu.memory_space<hbm>>
    %dma_start3A_36 = tpu.memref_slice %arg42[%dma_start3A_33, %dma_start3A_34] : memref<3x4x!tpu.dma_semaphore, #tpu.memory_space<semaphore_mem>> -> memref<1x1x!tpu.dma_semaphore, #tpu.memory_space<semaphore_mem>>
    %dma_start3A_37 = tpu.memref_squeeze %dma_start3A_36 : memref<1x1x!tpu.dma_semaphore, #tpu.memory_space<semaphore_mem>> -> memref<!tpu.dma_semaphore, #tpu.memory_space<semaphore_mem>>
    %dma_start3A_38 = tpu.memref_slice %arg7[%add3A_9] : memref<6400000xf32, #tpu.memory_space<hbm>> -> memref<800xf32, #tpu.memory_space<hbm>>
    tpu.enqueue_dma source(%dma_start3A_38 : memref<800xf32, #tpu.memory_space<hbm>>) target(%arg18 : memref<800xf32, #tpu.memory_space<vmem>>) target_semaphore(%dma_start3A_37 : memref<!tpu.dma_semaphore, #tpu.memory_space<semaphore_mem>>)
    %min3A_39 = arith.constant 1 : i32
    %min3A_40 = arith.constant 249 : i32
    %min3A_41 = arith.minsi %min3A_39, %min3A_40 : i32
    %mul3A_42 = arith.constant 800 : i32
    %mul3A_43 = arith.muli %min3A_41, %mul3A_42 : i32
    %add3A_44 = arith.addi %mul3A_2, %mul3A_43 : i32
    %dma_start3A_45 = arith.constant 1 : i32
    %dma_start3A_46 = arith.constant 0 : i32
    %dma_start3A_47 = tpu.memref_slice %arg3[%add3A_44] : memref<6400000xi32, #tpu.memory_space<hbm>> -> memref<800xi32, #tpu.memory_space<hbm>>
    %dma_start3A_48 = tpu.memref_slice %arg42[%dma_start3A_45, %dma_start3A_46] : memref<3x4x!tpu.dma_semaphore, #tpu.memory_space<semaphore_mem>> -> memref<1x1x!tpu.dma_semaphore, #tpu.memory_space<semaphore_mem>>
    %dma_start3A_49 = tpu.memref_squeeze %dma_start3A_48 : memref<1x1x!tpu.dma_semaphore, #tpu.memory_space<semaphore_mem>> -> memref<!tpu.dma_semaphore, #tpu.memory_space<semaphore_mem>>
    %dma_start3A_50 = tpu.memref_slice %arg3[%add3A_44] : memref<6400000xi32, #tpu.memory_space<hbm>> -> memref<800xi32, #tpu.memory_space<hbm>>
    tpu.enqueue_dma source(%dma_start3A_50 : memref<800xi32, #tpu.memory_space<hbm>>) target(%arg22 : memref<800xi32, #tpu.memory_space<vmem>>) target_semaphore(%dma_start3A_49 : memref<!tpu.dma_semaphore, #tpu.memory_space<semaphore_mem>>)
    %dma_start3A_51 = arith.constant 1 : i32
    %dma_start3A_52 = arith.constant 0 : i32
    %dma_start3A_53 = tpu.memref_slice %arg4[%add3A_44] : memref<6400000xi32, #tpu.memory_space<hbm>> -> memref<800xi32, #tpu.memory_space<hbm>>
    %dma_start3A_54 = tpu.memref_slice %arg42[%dma_start3A_51, %dma_start3A_52] : memref<3x4x!tpu.dma_semaphore, #tpu.memory_space<semaphore_mem>> -> memref<1x1x!tpu.dma_semaphore, #tpu.memory_space<semaphore_mem>>
    %dma_start3A_55 = tpu.memref_squeeze %dma_start3A_54 : memref<1x1x!tpu.dma_semaphore, #tpu.memory_space<semaphore_mem>> -> memref<!tpu.dma_semaphore, #tpu.memory_space<semaphore_mem>>
    %dma_start3A_56 = tpu.memref_slice %arg4[%add3A_44] : memref<6400000xi32, #tpu.memory_space<hbm>> -> memref<800xi32, #tpu.memory_space<hbm>>
    tpu.enqueue_dma source(%dma_start3A_56 : memref<800xi32, #tpu.memory_space<hbm>>) target(%arg23 : memref<800xi32, #tpu.memory_space<vmem>>) target_semaphore(%dma_start3A_55 : memref<!tpu.dma_semaphore, #tpu.memory_space<semaphore_mem>>)
    %dma_start3A_57 = arith.constant 1 : i32
    %dma_start3A_58 = arith.constant 1 : i32
    %dma_start3A_59 = tpu.memref_slice %arg5[%add3A_44] : memref<6400000xf32, #tpu.memory_space<hbm>> -> memref<800xf32, #tpu.memory_space<hbm>>
    %dma_start3A_60 = tpu.memref_slice %arg42[%dma_start3A_57, %dma_start3A_58] : memref<3x4x!tpu.dma_semaphore, #tpu.memory_space<semaphore_mem>> -> memref<1x1x!tpu.dma_semaphore, #tpu.memory_space<semaphore_mem>>
    %dma_start3A_61 = tpu.memref_squeeze %dma_start3A_60 : memref<1x1x!tpu.dma_semaphore, #tpu.memory_space<semaphore_mem>> -> memref<!tpu.dma_semaphore, #tpu.memory_space<semaphore_mem>>
    %dma_start3A_62 = tpu.memref_slice %arg5[%add3A_44] : memref<6400000xf32, #tpu.memory_space<hbm>> -> memref<800xf32, #tpu.memory_space<hbm>>
    tpu.enqueue_dma source(%dma_start3A_62 : memref<800xf32, #tpu.memory_space<hbm>>) target(%arg26 : memref<800xf32, #tpu.memory_space<vmem>>) target_semaphore(%dma_start3A_61 : memref<!tpu.dma_semaphore, #tpu.memory_space<semaphore_mem>>)
    %dma_start3A_63 = arith.constant 1 : i32
    %dma_start3A_64 = arith.constant 1 : i32
    %dma_start3A_65 = tpu.memref_slice %arg6[%add3A_44] : memref<6400000xf32, #tpu.memory_space<hbm>> -> memref<800xf32, #tpu.memory_space<hbm>>
    %dma_start3A_66 = tpu.memref_slice %arg42[%dma_start3A_63, %dma_start3A_64] : memref<3x4x!tpu.dma_semaphore, #tpu.memory_space<semaphore_mem>> -> memref<1x1x!tpu.dma_semaphore, #tpu.memory_space<semaphore_mem>>
    %dma_start3A_67 = tpu.memref_squeeze %dma_start3A_66 : memref<1x1x!tpu.dma_semaphore, #tpu.memory_space<semaphore_mem>> -> memref<!tpu.dma_semaphore, #tpu.memory_space<semaphore_mem>>
    %dma_start3A_68 = tpu.memref_slice %arg6[%add3A_44] : memref<6400000xf32, #tpu.memory_space<hbm>> -> memref<800xf32, #tpu.memory_space<hbm>>
    tpu.enqueue_dma source(%dma_start3A_68 : memref<800xf32, #tpu.memory_space<hbm>>) target(%arg27 : memref<800xf32, #tpu.memory_space<vmem>>) target_semaphore(%dma_start3A_67 : memref<!tpu.dma_semaphore, #tpu.memory_space<semaphore_mem>>)
    %dma_start3A_69 = arith.constant 1 : i32
    %dma_start3A_70 = arith.constant 1 : i32
    %dma_start3A_71 = tpu.memref_slice %arg7[%add3A_44] : memref<6400000xf32, #tpu.memory_space<hbm>> -> memref<800xf32, #tpu.memory_space<hbm>>
    %dma_start3A_72 = tpu.memref_slice %arg42[%dma_start3A_69, %dma_start3A_70] : memref<3x4x!tpu.dma_semaphore, #tpu.memory_space<semaphore_mem>> -> memref<1x1x!tpu.dma_semaphore, #tpu.memory_space<semaphore_mem>>
    %dma_start3A_73 = tpu.memref_squeeze %dma_start3A_72 : memref<1x1x!tpu.dma_semaphore, #tpu.memory_space<semaphore_mem>> -> memref<!tpu.dma_semaphore, #tpu.memory_space<semaphore_mem>>
    %dma_start3A_74 = tpu.memref_slice %arg7[%add3A_44] : memref<6400000xf32, #tpu.memory_space<hbm>> -> memref<800xf32, #tpu.memory_space<hbm>>
    tpu.enqueue_dma source(%dma_start3A_74 : memref<800xf32, #tpu.memory_space<hbm>>) target(%arg28 : memref<800xf32, #tpu.memory_space<vmem>>) target_semaphore(%dma_start3A_73 : memref<!tpu.dma_semaphore, #tpu.memory_space<semaphore_mem>>)
    %min3A_75 = arith.constant 2 : i32
    %min3A_76 = arith.constant 249 : i32
    %min3A_77 = arith.minsi %min3A_75, %min3A_76 : i32
    %mul3A_78 = arith.constant 800 : i32
    %mul3A_79 = arith.muli %min3A_77, %mul3A_78 : i32
    %add3A_80 = arith.addi %mul3A_2, %mul3A_79 : i32
    %dma_start3A_81 = arith.constant 2 : i32
    %dma_start3A_82 = arith.constant 0 : i32
    %dma_start3A_83 = tpu.memref_slice %arg3[%add3A_80] : memref<6400000xi32, #tpu.memory_space<hbm>> -> memref<800xi32, #tpu.memory_space<hbm>>
    %dma_start3A_84 = tpu.memref_slice %arg42[%dma_start3A_81, %dma_start3A_82] : memref<3x4x!tpu.dma_semaphore, #tpu.memory_space<semaphore_mem>> -> memref<1x1x!tpu.dma_semaphore, #tpu.memory_space<semaphore_mem>>
    %dma_start3A_85 = tpu.memref_squeeze %dma_start3A_84 : memref<1x1x!tpu.dma_semaphore, #tpu.memory_space<semaphore_mem>> -> memref<!tpu.dma_semaphore, #tpu.memory_space<semaphore_mem>>
    %dma_start3A_86 = tpu.memref_slice %arg3[%add3A_80] : memref<6400000xi32, #tpu.memory_space<hbm>> -> memref<800xi32, #tpu.memory_space<hbm>>
    tpu.enqueue_dma source(%dma_start3A_86 : memref<800xi32, #tpu.memory_space<hbm>>) target(%arg32 : memref<800xi32, #tpu.memory_space<vmem>>) target_semaphore(%dma_start3A_85 : memref<!tpu.dma_semaphore, #tpu.memory_space<semaphore_mem>>)
    %dma_start3A_87 = arith.constant 2 : i32
    %dma_start3A_88 = arith.constant 0 : i32
    %dma_start3A_89 = tpu.memref_slice %arg4[%add3A_80] : memref<6400000xi32, #tpu.memory_space<hbm>> -> memref<800xi32, #tpu.memory_space<hbm>>
    %dma_start3A_90 = tpu.memref_slice %arg42[%dma_start3A_87, %dma_start3A_88] : memref<3x4x!tpu.dma_semaphore, #tpu.memory_space<semaphore_mem>> -> memref<1x1x!tpu.dma_semaphore, #tpu.memory_space<semaphore_mem>>
    %dma_start3A_91 = tpu.memref_squeeze %dma_start3A_90 : memref<1x1x!tpu.dma_semaphore, #tpu.memory_space<semaphore_mem>> -> memref<!tpu.dma_semaphore, #tpu.memory_space<semaphore_mem>>
    %dma_start3A_92 = tpu.memref_slice %arg4[%add3A_80] : memref<6400000xi32, #tpu.memory_space<hbm>> -> memref<800xi32, #tpu.memory_space<hbm>>
    tpu.enqueue_dma source(%dma_start3A_92 : memref<800xi32, #tpu.memory_space<hbm>>) target(%arg33 : memref<800xi32, #tpu.memory_space<vmem>>) target_semaphore(%dma_start3A_91 : memref<!tpu.dma_semaphore, #tpu.memory_space<semaphore_mem>>)
    %dma_start3A_93 = arith.constant 2 : i32
    %dma_start3A_94 = arith.constant 1 : i32
    %dma_start3A_95 = tpu.memref_slice %arg5[%add3A_80] : memref<6400000xf32, #tpu.memory_space<hbm>> -> memref<800xf32, #tpu.memory_space<hbm>>
    %dma_start3A_96 = tpu.memref_slice %arg42[%dma_start3A_93, %dma_start3A_94] : memref<3x4x!tpu.dma_semaphore, #tpu.memory_space<semaphore_mem>> -> memref<1x1x!tpu.dma_semaphore, #tpu.memory_space<semaphore_mem>>
    %dma_start3A_97 = tpu.memref_squeeze %dma_start3A_96 : memref<1x1x!tpu.dma_semaphore, #tpu.memory_space<semaphore_mem>> -> memref<!tpu.dma_semaphore, #tpu.memory_space<semaphore_mem>>
    %dma_start3A_98 = tpu.memref_slice %arg5[%add3A_80] : memref<6400000xf32, #tpu.memory_space<hbm>> -> memref<800xf32, #tpu.memory_space<hbm>>
    tpu.enqueue_dma source(%dma_start3A_98 : memref<800xf32, #tpu.memory_space<hbm>>) target(%arg36 : memref<800xf32, #tpu.memory_space<vmem>>) target_semaphore(%dma_start3A_97 : memref<!tpu.dma_semaphore, #tpu.memory_space<semaphore_mem>>)
    %dma_start3A_99 = arith.constant 2 : i32
    %dma_start3A_100 = arith.constant 1 : i32
    %dma_start3A_101 = tpu.memref_slice %arg6[%add3A_80] : memref<6400000xf32, #tpu.memory_space<hbm>> -> memref<800xf32, #tpu.memory_space<hbm>>
    %dma_start3A_102 = tpu.memref_slice %arg42[%dma_start3A_99, %dma_start3A_100] : memref<3x4x!tpu.dma_semaphore, #tpu.memory_space<semaphore_mem>> -> memref<1x1x!tpu.dma_semaphore, #tpu.memory_space<semaphore_mem>>
    %dma_start3A_103 = tpu.memref_squeeze %dma_start3A_102 : memref<1x1x!tpu.dma_semaphore, #tpu.memory_space<semaphore_mem>> -> memref<!tpu.dma_semaphore, #tpu.memory_space<semaphore_mem>>
    %dma_start3A_104 = tpu.memref_slice %arg6[%add3A_80] : memref<6400000xf32, #tpu.memory_space<hbm>> -> memref<800xf32, #tpu.memory_space<hbm>>
    tpu.enqueue_dma source(%dma_start3A_104 : memref<800xf32, #tpu.memory_space<hbm>>) target(%arg37 : memref<800xf32, #tpu.memory_space<vmem>>) target_semaphore(%dma_start3A_103 : memref<!tpu.dma_semaphore, #tpu.memory_space<semaphore_mem>>)
    %dma_start3A_105 = arith.constant 2 : i32
    %dma_start3A_106 = arith.constant 1 : i32
    %dma_start3A_107 = tpu.memref_slice %arg7[%add3A_80] : memref<6400000xf32, #tpu.memory_space<hbm>> -> memref<800xf32, #tpu.memory_space<hbm>>
    %dma_start3A_108 = tpu.memref_slice %arg42[%dma_start3A_105, %dma_start3A_106] : memref<3x4x!tpu.dma_semaphore, #tpu.memory_space<semaphore_mem>> -> memref<1x1x!tpu.dma_semaphore, #tpu.memory_space<semaphore_mem>>
    %dma_start3A_109 = tpu.memref_squeeze %dma_start3A_108 : memref<1x1x!tpu.dma_semaphore, #tpu.memory_space<semaphore_mem>> -> memref<!tpu.dma_semaphore, #tpu.memory_space<semaphore_mem>>
    %dma_start3A_110 = tpu.memref_slice %arg7[%add3A_80] : memref<6400000xf32, #tpu.memory_space<hbm>> -> memref<800xf32, #tpu.memory_space<hbm>>
    tpu.enqueue_dma source(%dma_start3A_110 : memref<800xf32, #tpu.memory_space<hbm>>) target(%arg38 : memref<800xf32, #tpu.memory_space<vmem>>) target_semaphore(%dma_start3A_109 : memref<!tpu.dma_semaphore, #tpu.memory_space<semaphore_mem>>)
    %min3A_111 = arith.constant 0 : i32
    %min3A_112 = arith.constant 249 : i32
    %min3A_113 = arith.minsi %min3A_111, %min3A_112 : i32
    %mul3A_114 = arith.constant 800 : i32
    %mul3A_115 = arith.muli %min3A_113, %mul3A_114 : i32
    %add3A_116 = arith.addi %mul3A_2, %mul3A_115 : i32
    %dma_wait3A = arith.constant 0 : i32
    %dma_wait3A_117 = arith.constant 0 : i32
    %dma_wait3A_118 = tpu.memref_slice %arg3[%add3A_116] : memref<6400000xi32, #tpu.memory_space<hbm>> -> memref<800xi32, #tpu.memory_space<hbm>>
    %dma_wait3A_119 = tpu.memref_slice %arg42[%dma_wait3A, %dma_wait3A_117] : memref<3x4x!tpu.dma_semaphore, #tpu.memory_space<semaphore_mem>> -> memref<1x1x!tpu.dma_semaphore, #tpu.memory_space<semaphore_mem>>
    %dma_wait3A_120 = tpu.memref_squeeze %dma_wait3A_119 : memref<1x1x!tpu.dma_semaphore, #tpu.memory_space<semaphore_mem>> -> memref<!tpu.dma_semaphore, #tpu.memory_space<semaphore_mem>>
    %dma_wait3A_121 = tpu.memref_slice %arg3[%add3A_116] : memref<6400000xi32, #tpu.memory_space<hbm>> -> memref<800xi32, #tpu.memory_space<hbm>>
    tpu.wait_dma2 semaphore(%dma_wait3A_120 : memref<!tpu.dma_semaphore, #tpu.memory_space<semaphore_mem>>) src(%dma_wait3A_121 : memref<800xi32, #tpu.memory_space<hbm>>) dst(%arg12 : memref<800xi32, #tpu.memory_space<vmem>>)
    %dma_wait3A_122 = arith.constant 0 : i32
    %dma_wait3A_123 = arith.constant 0 : i32
    %dma_wait3A_124 = tpu.memref_slice %arg4[%add3A_116] : memref<6400000xi32, #tpu.memory_space<hbm>> -> memref<800xi32, #tpu.memory_space<hbm>>
    %dma_wait3A_125 = tpu.memref_slice %arg42[%dma_wait3A_122, %dma_wait3A_123] : memref<3x4x!tpu.dma_semaphore, #tpu.memory_space<semaphore_mem>> -> memref<1x1x!tpu.dma_semaphore, #tpu.memory_space<semaphore_mem>>
    %dma_wait3A_126 = tpu.memref_squeeze %dma_wait3A_125 : memref<1x1x!tpu.dma_semaphore, #tpu.memory_space<semaphore_mem>> -> memref<!tpu.dma_semaphore, #tpu.memory_space<semaphore_mem>>
    %dma_wait3A_127 = tpu.memref_slice %arg4[%add3A_116] : memref<6400000xi32, #tpu.memory_space<hbm>> -> memref<800xi32, #tpu.memory_space<hbm>>
    tpu.wait_dma2 semaphore(%dma_wait3A_126 : memref<!tpu.dma_semaphore, #tpu.memory_space<semaphore_mem>>) src(%dma_wait3A_127 : memref<800xi32, #tpu.memory_space<hbm>>) dst(%arg13 : memref<800xi32, #tpu.memory_space<vmem>>)
    %dma_start3A_128 = arith.constant 0 : i32
    %dma_start3A_129 = arith.constant 2 : i32
    %dma_start3A_130 = arith.constant 0 : i32
    %dma_start3A_131 = arith.constant 0 : i32
    %dma_start3A_132 = tpu.memref_slice %arg11[%dma_start3A_130, %dma_start3A_131] : memref<100000x8xf32, #tpu.memory_space<vmem_shared>> -> memref<100000x8xf32, #tpu.memory_space<vmem_shared>>
    %dma_start3A_133 = tpu.memref_slice %arg42[%dma_start3A_128, %dma_start3A_129] : memref<3x4x!tpu.dma_semaphore, #tpu.memory_space<semaphore_mem>> -> memref<1x1x!tpu.dma_semaphore, #tpu.memory_space<semaphore_mem>>
    %dma_start3A_134 = tpu.memref_squeeze %dma_start3A_133 : memref<1x1x!tpu.dma_semaphore, #tpu.memory_space<semaphore_mem>> -> memref<!tpu.dma_semaphore, #tpu.memory_space<semaphore_mem>>
    tpu.enqueue_indirect_dma source(%dma_start3A_132 : memref<100000x8xf32, #tpu.memory_space<vmem_shared>>) target(%arg14 : memref<800x8xf32, #tpu.memory_space<vmem>>) offsets(%arg12 : memref<800xi32, #tpu.memory_space<vmem>>) semaphore(%dma_start3A_134 : memref<!tpu.dma_semaphore, #tpu.memory_space<semaphore_mem>>)
    %dma_start3A_135 = arith.constant 0 : i32
    %dma_start3A_136 = arith.constant 2 : i32
    %dma_start3A_137 = arith.constant 0 : i32
    %dma_start3A_138 = arith.constant 0 : i32
    %dma_start3A_139 = tpu.memref_slice %arg11[%dma_start3A_137, %dma_start3A_138] : memref<100000x8xf32, #tpu.memory_space<vmem_shared>> -> memref<100000x8xf32, #tpu.memory_space<vmem_shared>>
    %dma_start3A_140 = tpu.memref_slice %arg42[%dma_start3A_135, %dma_start3A_136] : memref<3x4x!tpu.dma_semaphore, #tpu.memory_space<semaphore_mem>> -> memref<1x1x!tpu.dma_semaphore, #tpu.memory_space<semaphore_mem>>
    %dma_start3A_141 = tpu.memref_squeeze %dma_start3A_140 : memref<1x1x!tpu.dma_semaphore, #tpu.memory_space<semaphore_mem>> -> memref<!tpu.dma_semaphore, #tpu.memory_space<semaphore_mem>>
    tpu.enqueue_indirect_dma source(%dma_start3A_139 : memref<100000x8xf32, #tpu.memory_space<vmem_shared>>) target(%arg15 : memref<800x8xf32, #tpu.memory_space<vmem>>) offsets(%arg13 : memref<800xi32, #tpu.memory_space<vmem>>) semaphore(%dma_start3A_141 : memref<!tpu.dma_semaphore, #tpu.memory_space<semaphore_mem>>)
    %scan3A = arith.constant 0 : i32
    %scan3A_142 = arith.constant 1 : i32
    %scan3A_143 = arith.constant 0 : i32
    %scan3A_144 = arith.constant 1 : i32
    %scan3A_145 = arith.constant 2 : i32
    %scan3A_146 = arith.constant 0 : i32
    %scan3A_147 = arith.constant 2 : i32
    %scan3A_148 = arith.constant 0 : i32
    %scan3A_149 = arith.constant 1 : i32
    %scan3A_150 = arith.constant 0 : i32
    %scan3A_151 = arith.constant 3 : i32
    %scan3A_152 = arith.constant 0 : i32
    %scan3A_153 = arith.constant 0 : i32
    %scan3A_154 = arith.constant 2 : i32
    %scan3A_155 = arith.constant 0 : i32
    %scan3A_156 = arith.constant 2 : i32
    %scan3A_157 = arith.constant 2 : i32
    %scan3A_158 = arith.constant 1 : i32
    %scan3A_159 = arith.constant 1 : i32
    %scan3A_160 = arith.constant 1 : i32
    %scan3A_161 = arith.constant 3 : i32
    %scan3A_162 = arith.constant 2 : i32
    %scan3A_163 = arith.constant 1 : i32
    %scan3A_164 = arith.constant 2 : i32
    %scan3A_165 = arith.constant 3 : i32
    %scan3A_166 = arith.constant 0 : i32
    %scan3A_167 = arith.constant 84 : i32
    %scan3A_168 = arith.addi %scan3A_166, %scan3A_167 : i32
    %scan3A_169 = arith.constant 1 : i32
    scf.for %scan3A_365 = %scan3A_166 to %scan3A_168 step %scan3A_169  : i32 {
      %mul3A_366 = arith.constant 3 : i32
      %mul3A_367 = arith.muli %scan3A_365, %mul3A_366 : i32
      %add3A_368 = arith.constant 1 : i32
      %add3A_369 = arith.addi %mul3A_367, %add3A_368 : i32
      %min3A_370 = arith.constant 249 : i32
      %min3A_371 = arith.minsi %add3A_369, %min3A_370 : i32
      %mul3A_372 = arith.constant 800 : i32
      %mul3A_373 = arith.muli %min3A_371, %mul3A_372 : i32
      %add3A_374 = arith.addi %mul3A_2, %mul3A_373 : i32
      %dma_wait3A_375 = tpu.memref_slice %arg3[%add3A_374] : memref<6400000xi32, #tpu.memory_space<hbm>> -> memref<800xi32, #tpu.memory_space<hbm>>
      %dma_wait3A_376 = tpu.memref_slice %arg42[%scan3A_142, %scan3A_143] : memref<3x4x!tpu.dma_semaphore, #tpu.memory_space<semaphore_mem>> -> memref<1x1x!tpu.dma_semaphore, #tpu.memory_space<semaphore_mem>>
      %dma_wait3A_377 = tpu.memref_squeeze %dma_wait3A_376 : memref<1x1x!tpu.dma_semaphore, #tpu.memory_space<semaphore_mem>> -> memref<!tpu.dma_semaphore, #tpu.memory_space<semaphore_mem>>
      %dma_wait3A_378 = tpu.memref_slice %arg3[%add3A_374] : memref<6400000xi32, #tpu.memory_space<hbm>> -> memref<800xi32, #tpu.memory_space<hbm>>
      tpu.wait_dma2 semaphore(%dma_wait3A_377 : memref<!tpu.dma_semaphore, #tpu.memory_space<semaphore_mem>>) src(%dma_wait3A_378 : memref<800xi32, #tpu.memory_space<hbm>>) dst(%arg22 : memref<800xi32, #tpu.memory_space<vmem>>)
      %dma_wait3A_379 = tpu.memref_slice %arg4[%add3A_374] : memref<6400000xi32, #tpu.memory_space<hbm>> -> memref<800xi32, #tpu.memory_space<hbm>>
      %dma_wait3A_380 = tpu.memref_slice %arg42[%scan3A_142, %scan3A_143] : memref<3x4x!tpu.dma_semaphore, #tpu.memory_space<semaphore_mem>> -> memref<1x1x!tpu.dma_semaphore, #tpu.memory_space<semaphore_mem>>
      %dma_wait3A_381 = tpu.memref_squeeze %dma_wait3A_380 : memref<1x1x!tpu.dma_semaphore, #tpu.memory_space<semaphore_mem>> -> memref<!tpu.dma_semaphore, #tpu.memory_space<semaphore_mem>>
      %dma_wait3A_382 = tpu.memref_slice %arg4[%add3A_374] : memref<6400000xi32, #tpu.memory_space<hbm>> -> memref<800xi32, #tpu.memory_space<hbm>>
      tpu.wait_dma2 semaphore(%dma_wait3A_381 : memref<!tpu.dma_semaphore, #tpu.memory_space<semaphore_mem>>) src(%dma_wait3A_382 : memref<800xi32, #tpu.memory_space<hbm>>) dst(%arg23 : memref<800xi32, #tpu.memory_space<vmem>>)
      %dma_start3A_383 = arith.constant 0 : i32
      %dma_start3A_384 = arith.constant 0 : i32
      %dma_start3A_385 = tpu.memref_slice %arg11[%dma_start3A_383, %dma_start3A_384] : memref<100000x8xf32, #tpu.memory_space<vmem_shared>> -> memref<100000x8xf32, #tpu.memory_space<vmem_shared>>
      %dma_start3A_386 = tpu.memref_slice %arg42[%scan3A_144, %scan3A_145] : memref<3x4x!tpu.dma_semaphore, #tpu.memory_space<semaphore_mem>> -> memref<1x1x!tpu.dma_semaphore, #tpu.memory_space<semaphore_mem>>
      %dma_start3A_387 = tpu.memref_squeeze %dma_start3A_386 : memref<1x1x!tpu.dma_semaphore, #tpu.memory_space<semaphore_mem>> -> memref<!tpu.dma_semaphore, #tpu.memory_space<semaphore_mem>>
      tpu.enqueue_indirect_dma source(%dma_start3A_385 : memref<100000x8xf32, #tpu.memory_space<vmem_shared>>) target(%arg24 : memref<800x8xf32, #tpu.memory_space<vmem>>) offsets(%arg22 : memref<800xi32, #tpu.memory_space<vmem>>) semaphore(%dma_start3A_387 : memref<!tpu.dma_semaphore, #tpu.memory_space<semaphore_mem>>)
      %dma_start3A_388 = arith.constant 0 : i32
      %dma_start3A_389 = arith.constant 0 : i32
      %dma_start3A_390 = tpu.memref_slice %arg11[%dma_start3A_388, %dma_start3A_389] : memref<100000x8xf32, #tpu.memory_space<vmem_shared>> -> memref<100000x8xf32, #tpu.memory_space<vmem_shared>>
      %dma_start3A_391 = tpu.memref_slice %arg42[%scan3A_144, %scan3A_145] : memref<3x4x!tpu.dma_semaphore, #tpu.memory_space<semaphore_mem>> -> memref<1x1x!tpu.dma_semaphore, #tpu.memory_space<semaphore_mem>>
      %dma_start3A_392 = tpu.memref_squeeze %dma_start3A_391 : memref<1x1x!tpu.dma_semaphore, #tpu.memory_space<semaphore_mem>> -> memref<!tpu.dma_semaphore, #tpu.memory_space<semaphore_mem>>
      tpu.enqueue_indirect_dma source(%dma_start3A_390 : memref<100000x8xf32, #tpu.memory_space<vmem_shared>>) target(%arg25 : memref<800x8xf32, #tpu.memory_space<vmem>>) offsets(%arg23 : memref<800xi32, #tpu.memory_space<vmem>>) semaphore(%dma_start3A_392 : memref<!tpu.dma_semaphore, #tpu.memory_space<semaphore_mem>>)
      %dma_wait3A_393 = arith.constant 0 : i32
      %dma_wait3A_394 = arith.constant 0 : i32
      %dma_wait3A_395 = tpu.memref_slice %arg11[%dma_wait3A_393, %dma_wait3A_394] : memref<100000x8xf32, #tpu.memory_space<vmem_shared>> -> memref<100000x8xf32, #tpu.memory_space<vmem_shared>>
      %dma_wait3A_396 = tpu.memref_slice %arg42[%scan3A_146, %scan3A_147] : memref<3x4x!tpu.dma_semaphore, #tpu.memory_space<semaphore_mem>> -> memref<1x1x!tpu.dma_semaphore, #tpu.memory_space<semaphore_mem>>
      %dma_wait3A_397 = tpu.memref_squeeze %dma_wait3A_396 : memref<1x1x!tpu.dma_semaphore, #tpu.memory_space<semaphore_mem>> -> memref<!tpu.dma_semaphore, #tpu.memory_space<semaphore_mem>>
      tpu.wait_indirect_dma semaphore(%dma_wait3A_397 : memref<!tpu.dma_semaphore, #tpu.memory_space<semaphore_mem>>) src(%dma_wait3A_395 : memref<100000x8xf32, #tpu.memory_space<vmem_shared>>) dst(%arg14 : memref<800x8xf32, #tpu.memory_space<vmem>>)
      %dma_wait3A_398 = arith.constant 0 : i32
      %dma_wait3A_399 = arith.constant 0 : i32
      %dma_wait3A_400 = tpu.memref_slice %arg11[%dma_wait3A_398, %dma_wait3A_399] : memref<100000x8xf32, #tpu.memory_space<vmem_shared>> -> memref<100000x8xf32, #tpu.memory_space<vmem_shared>>
      %dma_wait3A_401 = tpu.memref_slice %arg42[%scan3A_146, %scan3A_147] : memref<3x4x!tpu.dma_semaphore, #tpu.memory_space<semaphore_mem>> -> memref<1x1x!tpu.dma_semaphore, #tpu.memory_space<semaphore_mem>>
      %dma_wait3A_402 = tpu.memref_squeeze %dma_wait3A_401 : memref<1x1x!tpu.dma_semaphore, #tpu.memory_space<semaphore_mem>> -> memref<!tpu.dma_semaphore, #tpu.memory_space<semaphore_mem>>
      tpu.wait_indirect_dma semaphore(%dma_wait3A_402 : memref<!tpu.dma_semaphore, #tpu.memory_space<semaphore_mem>>) src(%dma_wait3A_400 : memref<100000x8xf32, #tpu.memory_space<vmem_shared>>) dst(%arg15 : memref<800x8xf32, #tpu.memory_space<vmem>>)
      %min3A_403 = arith.constant 249 : i32
      %min3A_404 = arith.minsi %mul3A_367, %min3A_403 : i32
      %mul3A_405 = arith.constant 800 : i32
      %mul3A_406 = arith.muli %min3A_404, %mul3A_405 : i32
      %add3A_407 = arith.addi %mul3A_2, %mul3A_406 : i32
      %dma_wait3A_408 = tpu.memref_slice %arg5[%add3A_407] : memref<6400000xf32, #tpu.memory_space<hbm>> -> memref<800xf32, #tpu.memory_space<hbm>>
      %dma_wait3A_409 = tpu.memref_slice %arg42[%scan3A_148, %scan3A_149] : memref<3x4x!tpu.dma_semaphore, #tpu.memory_space<semaphore_mem>> -> memref<1x1x!tpu.dma_semaphore, #tpu.memory_space<semaphore_mem>>
      %dma_wait3A_410 = tpu.memref_squeeze %dma_wait3A_409 : memref<1x1x!tpu.dma_semaphore, #tpu.memory_space<semaphore_mem>> -> memref<!tpu.dma_semaphore, #tpu.memory_space<semaphore_mem>>
      %dma_wait3A_411 = tpu.memref_slice %arg5[%add3A_407] : memref<6400000xf32, #tpu.memory_space<hbm>> -> memref<800xf32, #tpu.memory_space<hbm>>
      tpu.wait_dma2 semaphore(%dma_wait3A_410 : memref<!tpu.dma_semaphore, #tpu.memory_space<semaphore_mem>>) src(%dma_wait3A_411 : memref<800xf32, #tpu.memory_space<hbm>>) dst(%arg16 : memref<800xf32, #tpu.memory_space<vmem>>)
      %dma_wait3A_412 = tpu.memref_slice %arg6[%add3A_407] : memref<6400000xf32, #tpu.memory_space<hbm>> -> memref<800xf32, #tpu.memory_space<hbm>>
      %dma_wait3A_413 = tpu.memref_slice %arg42[%scan3A_148, %scan3A_149] : memref<3x4x!tpu.dma_semaphore, #tpu.memory_space<semaphore_mem>> -> memref<1x1x!tpu.dma_semaphore, #tpu.memory_space<semaphore_mem>>
      %dma_wait3A_414 = tpu.memref_squeeze %dma_wait3A_413 : memref<1x1x!tpu.dma_semaphore, #tpu.memory_space<semaphore_mem>> -> memref<!tpu.dma_semaphore, #tpu.memory_space<semaphore_mem>>
      %dma_wait3A_415 = tpu.memref_slice %arg6[%add3A_407] : memref<6400000xf32, #tpu.memory_space<hbm>> -> memref<800xf32, #tpu.memory_space<hbm>>
      tpu.wait_dma2 semaphore(%dma_wait3A_414 : memref<!tpu.dma_semaphore, #tpu.memory_space<semaphore_mem>>) src(%dma_wait3A_415 : memref<800xf32, #tpu.memory_space<hbm>>) dst(%arg17 : memref<800xf32, #tpu.memory_space<vmem>>)
      %dma_wait3A_416 = tpu.memref_slice %arg7[%add3A_407] : memref<6400000xf32, #tpu.memory_space<hbm>> -> memref<800xf32, #tpu.memory_space<hbm>>
      %dma_wait3A_417 = tpu.memref_slice %arg42[%scan3A_148, %scan3A_149] : memref<3x4x!tpu.dma_semaphore, #tpu.memory_space<semaphore_mem>> -> memref<1x1x!tpu.dma_semaphore, #tpu.memory_space<semaphore_mem>>
      %dma_wait3A_418 = tpu.memref_squeeze %dma_wait3A_417 : memref<1x1x!tpu.dma_semaphore, #tpu.memory_space<semaphore_mem>> -> memref<!tpu.dma_semaphore, #tpu.memory_space<semaphore_mem>>
      %dma_wait3A_419 = tpu.memref_slice %arg7[%add3A_407] : memref<6400000xf32, #tpu.memory_space<hbm>> -> memref<800xf32, #tpu.memory_space<hbm>>
      tpu.wait_dma2 semaphore(%dma_wait3A_418 : memref<!tpu.dma_semaphore, #tpu.memory_space<semaphore_mem>>) src(%dma_wait3A_419 : memref<800xf32, #tpu.memory_space<hbm>>) dst(%arg18 : memref<800xf32, #tpu.memory_space<vmem>>)
      %gt3A = arith.constant 0 : i32
      %gt3A_420 = arith.cmpi sgt, %scan3A_365, %gt3A : i32
      %convert_element_type3A_421 = arith.extui %gt3A_420 : i1 to i32
      %cond3A_422 = arith.constant 0 : i32
      %cond3A_423 = arith.cmpi ne, %convert_element_type3A_421, %cond3A_422 : i32
      scf.if %cond3A_423 {
        %sub3A_908 = arith.constant 3 : i32
        %sub3A_909 = arith.subi %mul3A_367, %sub3A_908 : i32
        %min3A_910 = arith.constant 249 : i32
        %min3A_911 = arith.minsi %sub3A_909, %min3A_910 : i32
        %mul3A_912 = arith.constant 800 : i32
        %mul3A_913 = arith.muli %min3A_911, %mul3A_912 : i32
        %add3A_914 = arith.addi %mul3A_2, %mul3A_913 : i32
        %dma_wait3A_915 = tpu.memref_slice %arg8[%add3A_914] : memref<6400000xf32, #tpu.memory_space<hbm>> -> memref<800xf32, #tpu.memory_space<hbm>>
        %dma_wait3A_916 = tpu.memref_slice %arg42[%scan3A_150, %scan3A_151] : memref<3x4x!tpu.dma_semaphore, #tpu.memory_space<semaphore_mem>> -> memref<1x1x!tpu.dma_semaphore, #tpu.memory_space<semaphore_mem>>
        %dma_wait3A_917 = tpu.memref_squeeze %dma_wait3A_916 : memref<1x1x!tpu.dma_semaphore, #tpu.memory_space<semaphore_mem>> -> memref<!tpu.dma_semaphore, #tpu.memory_space<semaphore_mem>>
        %dma_wait3A_918 = tpu.memref_slice %arg8[%add3A_914] : memref<6400000xf32, #tpu.memory_space<hbm>> -> memref<800xf32, #tpu.memory_space<hbm>>
        tpu.wait_dma2 semaphore(%dma_wait3A_917 : memref<!tpu.dma_semaphore, #tpu.memory_space<semaphore_mem>>) src(%arg19 : memref<800xf32, #tpu.memory_space<vmem>>) dst(%dma_wait3A_918 : memref<800xf32, #tpu.memory_space<hbm>>)
        %dma_wait3A_919 = tpu.memref_slice %arg9[%add3A_914] : memref<6400000xf32, #tpu.memory_space<hbm>> -> memref<800xf32, #tpu.memory_space<hbm>>
        %dma_wait3A_920 = tpu.memref_slice %arg42[%scan3A_150, %scan3A_151] : memref<3x4x!tpu.dma_semaphore, #tpu.memory_space<semaphore_mem>> -> memref<1x1x!tpu.dma_semaphore, #tpu.memory_space<semaphore_mem>>
        %dma_wait3A_921 = tpu.memref_squeeze %dma_wait3A_920 : memref<1x1x!tpu.dma_semaphore, #tpu.memory_space<semaphore_mem>> -> memref<!tpu.dma_semaphore, #tpu.memory_space<semaphore_mem>>
        %dma_wait3A_922 = tpu.memref_slice %arg9[%add3A_914] : memref<6400000xf32, #tpu.memory_space<hbm>> -> memref<800xf32, #tpu.memory_space<hbm>>
        tpu.wait_dma2 semaphore(%dma_wait3A_921 : memref<!tpu.dma_semaphore, #tpu.memory_space<semaphore_mem>>) src(%arg20 : memref<800xf32, #tpu.memory_space<vmem>>) dst(%dma_wait3A_922 : memref<800xf32, #tpu.memory_space<hbm>>)
        %dma_wait3A_923 = tpu.memref_slice %arg10[%add3A_914] : memref<6400000xf32, #tpu.memory_space<hbm>> -> memref<800xf32, #tpu.memory_space<hbm>>
        %dma_wait3A_924 = tpu.memref_slice %arg42[%scan3A_150, %scan3A_151] : memref<3x4x!tpu.dma_semaphore, #tpu.memory_space<semaphore_mem>> -> memref<1x1x!tpu.dma_semaphore, #tpu.memory_space<semaphore_mem>>
        %dma_wait3A_925 = tpu.memref_squeeze %dma_wait3A_924 : memref<1x1x!tpu.dma_semaphore, #tpu.memory_space<semaphore_mem>> -> memref<!tpu.dma_semaphore, #tpu.memory_space<semaphore_mem>>
        %dma_wait3A_926 = tpu.memref_slice %arg10[%add3A_914] : memref<6400000xf32, #tpu.memory_space<hbm>> -> memref<800xf32, #tpu.memory_space<hbm>>
        tpu.wait_dma2 semaphore(%dma_wait3A_925 : memref<!tpu.dma_semaphore, #tpu.memory_space<semaphore_mem>>) src(%arg21 : memref<800xf32, #tpu.memory_space<vmem>>) dst(%dma_wait3A_926 : memref<800xf32, #tpu.memory_space<hbm>>)
      } else {
      }
      %scan3A_424 = arith.constant 0 : i32
      %scan3A_425 = arith.constant 0 : i32
      %scan3A_426 = arith.constant 48 : i32
      %scan3A_427 = arith.addi %scan3A_425, %scan3A_426 : i32
      %scan3A_428 = arith.constant 4 : i32
      scf.for %scan3A_908 = %scan3A_425 to %scan3A_427 step %scan3A_428  : i32 {
        %mul3A_909 = arith.constant 16 : i32
        %mul3A_910 = arith.muli %scan3A_908, %mul3A_909 : i32
        %iota3A_911 = tpu.iota {dimensions = array<i32: 0>} : vector<16xi32>
        %add3A_912 = vector.broadcast %mul3A_910 : i32 to vector<16xi32>
        %add3A_913 = arith.addi %add3A_912, %iota3A_911 : vector<16xi32>
        %broadcast_in_dim3A_914 = arith.constant 0 : i32
        %broadcast_in_dim3A_915 = vector.broadcast %broadcast_in_dim3A_914 : i32 to vector<16xi32>
        %gather3A_916 = tpu.vector_load_idx %arg14[%add3A_913, %broadcast_in_dim3A_915] : memref<800x8xf32, #tpu.memory_space<vmem>>[vector<16xi32>, vector<16xi32>], vector<16xf32>,
        %gather3A_917 = tpu.vector_load_idx %arg15[%add3A_913, %broadcast_in_dim3A_915] : memref<800x8xf32, #tpu.memory_space<vmem>>[vector<16xi32>, vector<16xi32>], vector<16xf32>,
        %get3A_918 = arith.index_cast %mul3A_910 : i32 to index
        %get3A_919 = tpu.vector_load %arg16[%get3A_918] {strides = array<i32>} : memref<800xf32, #tpu.memory_space<vmem>>, vector<16xf32>,
        %add3A_920 = arith.addf %get3A_919, %gather3A_917 : vector<16xf32>
        %sub3A_921 = arith.subf %add3A_920, %gather3A_916 : vector<16xf32>
        %swap3A_922 = arith.index_cast %mul3A_910 : i32 to index
        %swap3A_923 = tpu.vector_load %arg19[%swap3A_922] {strides = array<i32>} : memref<800xf32, #tpu.memory_space<vmem>>, vector<16xf32>,
        tpu.vector_store %arg19[%swap3A_922], %sub3A_921 {strides = array<i32>} : memref<800xf32, #tpu.memory_space<vmem>>, vector<16xf32>,
        %broadcast_in_dim3A_924 = arith.constant 1 : i32
        %broadcast_in_dim3A_925 = vector.broadcast %broadcast_in_dim3A_924 : i32 to vector<16xi32>
        %gather3A_926 = tpu.vector_load_idx %arg14[%add3A_913, %broadcast_in_dim3A_925] : memref<800x8xf32, #tpu.memory_space<vmem>>[vector<16xi32>, vector<16xi32>], vector<16xf32>,
        %gather3A_927 = tpu.vector_load_idx %arg15[%add3A_913, %broadcast_in_dim3A_925] : memref<800x8xf32, #tpu.memory_space<vmem>>[vector<16xi32>, vector<16xi32>], vector<16xf32>,
        %get3A_928 = arith.index_cast %mul3A_910 : i32 to index
        %get3A_929 = tpu.vector_load %arg17[%get3A_928] {strides = array<i32>} : memref<800xf32, #tpu.memory_space<vmem>>, vector<16xf32>,
        %add3A_930 = arith.addf %get3A_929, %gather3A_927 : vector<16xf32>
        %sub3A_931 = arith.subf %add3A_930, %gather3A_926 : vector<16xf32>
        %swap3A_932 = arith.index_cast %mul3A_910 : i32 to index
        %swap3A_933 = tpu.vector_load %arg20[%swap3A_932] {strides = array<i32>} : memref<800xf32, #tpu.memory_space<vmem>>, vector<16xf32>,
        tpu.vector_store %arg20[%swap3A_932], %sub3A_931 {strides = array<i32>} : memref<800xf32, #tpu.memory_space<vmem>>, vector<16xf32>,
        %broadcast_in_dim3A_934 = arith.constant 2 : i32
        %broadcast_in_dim3A_935 = vector.broadcast %broadcast_in_dim3A_934 : i32 to vector<16xi32>
        %gather3A_936 = tpu.vector_load_idx %arg14[%add3A_913, %broadcast_in_dim3A_935] : memref<800x8xf32, #tpu.memory_space<vmem>>[vector<16xi32>, vector<16xi32>], vector<16xf32>,
        %gather3A_937 = tpu.vector_load_idx %arg15[%add3A_913, %broadcast_in_dim3A_935] : memref<800x8xf32, #tpu.memory_space<vmem>>[vector<16xi32>, vector<16xi32>], vector<16xf32>,
        %get3A_938 = arith.index_cast %mul3A_910 : i32 to index
        %get3A_939 = tpu.vector_load %arg18[%get3A_938] {strides = array<i32>} : memref<800xf32, #tpu.memory_space<vmem>>, vector<16xf32>,
        %add3A_940 = arith.addf %get3A_939, %gather3A_937 : vector<16xf32>
        %sub3A_941 = arith.subf %add3A_940, %gather3A_936 : vector<16xf32>
        %swap3A_942 = arith.index_cast %mul3A_910 : i32 to index
        %swap3A_943 = tpu.vector_load %arg21[%swap3A_942] {strides = array<i32>} : memref<800xf32, #tpu.memory_space<vmem>>, vector<16xf32>,
        tpu.vector_store %arg21[%swap3A_942], %sub3A_941 {strides = array<i32>} : memref<800xf32, #tpu.memory_space<vmem>>, vector<16xf32>,
        %scan3A_944 = arith.constant 1 : i32
        %scan3A_945 = arith.addi %scan3A_908, %scan3A_944 : i32
        %mul3A_946 = arith.constant 16 : i32
        %mul3A_947 = arith.muli %scan3A_945, %mul3A_946 : i32
        %iota3A_948 = tpu.iota {dimensions = array<i32: 0>} : vector<16xi32>
        %add3A_949 = vector.broadcast %mul3A_947 : i32 to vector<16xi32>
        %add3A_950 = arith.addi %add3A_949, %iota3A_948 : vector<16xi32>
        %broadcast_in_dim3A_951 = arith.constant 0 : i32
        %broadcast_in_dim3A_952 = vector.broadcast %broadcast_in_dim3A_951 : i32 to vector<16xi32>
        %gather3A_953 = tpu.vector_load_idx %arg14[%add3A_950, %broadcast_in_dim3A_952] : memref<800x8xf32, #tpu.memory_space<vmem>>[vector<16xi32>, vector<16xi32>], vector<16xf32>,
        %gather3A_954 = tpu.vector_load_idx %arg15[%add3A_950, %broadcast_in_dim3A_952] : memref<800x8xf32, #tpu.memory_space<vmem>>[vector<16xi32>, vector<16xi32>], vector<16xf32>,
        %get3A_955 = arith.index_cast %mul3A_947 : i32 to index
        %get3A_956 = tpu.vector_load %arg16[%get3A_955] {strides = array<i32>} : memref<800xf32, #tpu.memory_space<vmem>>, vector<16xf32>,
        %add3A_957 = arith.addf %get3A_956, %gather3A_954 : vector<16xf32>
        %sub3A_958 = arith.subf %add3A_957, %gather3A_953 : vector<16xf32>
        %swap3A_959 = arith.index_cast %mul3A_947 : i32 to index
        %swap3A_960 = tpu.vector_load %arg19[%swap3A_959] {strides = array<i32>} : memref<800xf32, #tpu.memory_space<vmem>>, vector<16xf32>,
        tpu.vector_store %arg19[%swap3A_959], %sub3A_958 {strides = array<i32>} : memref<800xf32, #tpu.memory_space<vmem>>, vector<16xf32>,
        %broadcast_in_dim3A_961 = arith.constant 1 : i32
        %broadcast_in_dim3A_962 = vector.broadcast %broadcast_in_dim3A_961 : i32 to vector<16xi32>
        %gather3A_963 = tpu.vector_load_idx %arg14[%add3A_950, %broadcast_in_dim3A_962] : memref<800x8xf32, #tpu.memory_space<vmem>>[vector<16xi32>, vector<16xi32>], vector<16xf32>,
        %gather3A_964 = tpu.vector_load_idx %arg15[%add3A_950, %broadcast_in_dim3A_962] : memref<800x8xf32, #tpu.memory_space<vmem>>[vector<16xi32>, vector<16xi32>], vector<16xf32>,
        %get3A_965 = arith.index_cast %mul3A_947 : i32 to index
        %get3A_966 = tpu.vector_load %arg17[%get3A_965] {strides = array<i32>} : memref<800xf32, #tpu.memory_space<vmem>>, vector<16xf32>,
        %add3A_967 = arith.addf %get3A_966, %gather3A_964 : vector<16xf32>
        %sub3A_968 = arith.subf %add3A_967, %gather3A_963 : vector<16xf32>
        %swap3A_969 = arith.index_cast %mul3A_947 : i32 to index
        %swap3A_970 = tpu.vector_load %arg20[%swap3A_969] {strides = array<i32>} : memref<800xf32, #tpu.memory_space<vmem>>, vector<16xf32>,
        tpu.vector_store %arg20[%swap3A_969], %sub3A_968 {strides = array<i32>} : memref<800xf32, #tpu.memory_space<vmem>>, vector<16xf32>,
        %broadcast_in_dim3A_971 = arith.constant 2 : i32
        %broadcast_in_dim3A_972 = vector.broadcast %broadcast_in_dim3A_971 : i32 to vector<16xi32>
        %gather3A_973 = tpu.vector_load_idx %arg14[%add3A_950, %broadcast_in_dim3A_972] : memref<800x8xf32, #tpu.memory_space<vmem>>[vector<16xi32>, vector<16xi32>], vector<16xf32>,
        %gather3A_974 = tpu.vector_load_idx %arg15[%add3A_950, %broadcast_in_dim3A_972] : memref<800x8xf32, #tpu.memory_space<vmem>>[vector<16xi32>, vector<16xi32>], vector<16xf32>,
        %get3A_975 = arith.index_cast %mul3A_947 : i32 to index
        %get3A_976 = tpu.vector_load %arg18[%get3A_975] {strides = array<i32>} : memref<800xf32, #tpu.memory_space<vmem>>, vector<16xf32>,
        %add3A_977 = arith.addf %get3A_976, %gather3A_974 : vector<16xf32>
        %sub3A_978 = arith.subf %add3A_977, %gather3A_973 : vector<16xf32>
        %swap3A_979 = arith.index_cast %mul3A_947 : i32 to index
        %swap3A_980 = tpu.vector_load %arg21[%swap3A_979] {strides = array<i32>} : memref<800xf32, #tpu.memory_space<vmem>>, vector<16xf32>,
        tpu.vector_store %arg21[%swap3A_979], %sub3A_978 {strides = array<i32>} : memref<800xf32, #tpu.memory_space<vmem>>, vector<16xf32>,
        %scan3A_981 = arith.constant 2 : i32
        %scan3A_982 = arith.addi %scan3A_908, %scan3A_981 : i32
        %mul3A_983 = arith.constant 16 : i32
        %mul3A_984 = arith.muli %scan3A_982, %mul3A_983 : i32
        %iota3A_985 = tpu.iota {dimensions = array<i32: 0>} : vector<16xi32>
        %add3A_986 = vector.broadcast %mul3A_984 : i32 to vector<16xi32>
        %add3A_987 = arith.addi %add3A_986, %iota3A_985 : vector<16xi32>
        %broadcast_in_dim3A_988 = arith.constant 0 : i32
        %broadcast_in_dim3A_989 = vector.broadcast %broadcast_in_dim3A_988 : i32 to vector<16xi32>
        %gather3A_990 = tpu.vector_load_idx %arg14[%add3A_987, %broadcast_in_dim3A_989] : memref<800x8xf32, #tpu.memory_space<vmem>>[vector<16xi32>, vector<16xi32>], vector<16xf32>,
        %gather3A_991 = tpu.vector_load_idx %arg15[%add3A_987, %broadcast_in_dim3A_989] : memref<800x8xf32, #tpu.memory_space<vmem>>[vector<16xi32>, vector<16xi32>], vector<16xf32>,
        %get3A_992 = arith.index_cast %mul3A_984 : i32 to index
        %get3A_993 = tpu.vector_load %arg16[%get3A_992] {strides = array<i32>} : memref<800xf32, #tpu.memory_space<vmem>>, vector<16xf32>,
        %add3A_994 = arith.addf %get3A_993, %gather3A_991 : vector<16xf32>
        %sub3A_995 = arith.subf %add3A_994, %gather3A_990 : vector<16xf32>
        %swap3A_996 = arith.index_cast %mul3A_984 : i32 to index
        %swap3A_997 = tpu.vector_load %arg19[%swap3A_996] {strides = array<i32>} : memref<800xf32, #tpu.memory_space<vmem>>, vector<16xf32>,
        tpu.vector_store %arg19[%swap3A_996], %sub3A_995 {strides = array<i32>} : memref<800xf32, #tpu.memory_space<vmem>>, vector<16xf32>,
        %broadcast_in_dim3A_998 = arith.constant 1 : i32
        %broadcast_in_dim3A_999 = vector.broadcast %broadcast_in_dim3A_998 : i32 to vector<16xi32>
        %gather3A_1000 = tpu.vector_load_idx %arg14[%add3A_987, %broadcast_in_dim3A_999] : memref<800x8xf32, #tpu.memory_space<vmem>>[vector<16xi32>, vector<16xi32>], vector<16xf32>,
        %gather3A_1001 = tpu.vector_load_idx %arg15[%add3A_987, %broadcast_in_dim3A_999] : memref<800x8xf32, #tpu.memory_space<vmem>>[vector<16xi32>, vector<16xi32>], vector<16xf32>,
        %get3A_1002 = arith.index_cast %mul3A_984 : i32 to index
        %get3A_1003 = tpu.vector_load %arg17[%get3A_1002] {strides = array<i32>} : memref<800xf32, #tpu.memory_space<vmem>>, vector<16xf32>,
        %add3A_1004 = arith.addf %get3A_1003, %gather3A_1001 : vector<16xf32>
        %sub3A_1005 = arith.subf %add3A_1004, %gather3A_1000 : vector<16xf32>
        %swap3A_1006 = arith.index_cast %mul3A_984 : i32 to index
        %swap3A_1007 = tpu.vector_load %arg20[%swap3A_1006] {strides = array<i32>} : memref<800xf32, #tpu.memory_space<vmem>>, vector<16xf32>,
        tpu.vector_store %arg20[%swap3A_1006], %sub3A_1005 {strides = array<i32>} : memref<800xf32, #tpu.memory_space<vmem>>, vector<16xf32>,
        %broadcast_in_dim3A_1008 = arith.constant 2 : i32
        %broadcast_in_dim3A_1009 = vector.broadcast %broadcast_in_dim3A_1008 : i32 to vector<16xi32>
        %gather3A_1010 = tpu.vector_load_idx %arg14[%add3A_987, %broadcast_in_dim3A_1009] : memref<800x8xf32, #tpu.memory_space<vmem>>[vector<16xi32>, vector<16xi32>], vector<16xf32>,
        %gather3A_1011 = tpu.vector_load_idx %arg15[%add3A_987, %broadcast_in_dim3A_1009] : memref<800x8xf32, #tpu.memory_space<vmem>>[vector<16xi32>, vector<16xi32>], vector<16xf32>,
        %get3A_1012 = arith.index_cast %mul3A_984 : i32 to index
        %get3A_1013 = tpu.vector_load %arg18[%get3A_1012] {strides = array<i32>} : memref<800xf32, #tpu.memory_space<vmem>>, vector<16xf32>,
        %add3A_1014 = arith.addf %get3A_1013, %gather3A_1011 : vector<16xf32>
        %sub3A_1015 = arith.subf %add3A_1014, %gather3A_1010 : vector<16xf32>
        %swap3A_1016 = arith.index_cast %mul3A_984 : i32 to index
        %swap3A_1017 = tpu.vector_load %arg21[%swap3A_1016] {strides = array<i32>} : memref<800xf32, #tpu.memory_space<vmem>>, vector<16xf32>,
        tpu.vector_store %arg21[%swap3A_1016], %sub3A_1015 {strides = array<i32>} : memref<800xf32, #tpu.memory_space<vmem>>, vector<16xf32>,
        %scan3A_1018 = arith.constant 3 : i32
        %scan3A_1019 = arith.addi %scan3A_908, %scan3A_1018 : i32
        %mul3A_1020 = arith.constant 16 : i32
        %mul3A_1021 = arith.muli %scan3A_1019, %mul3A_1020 : i32
        %iota3A_1022 = tpu.iota {dimensions = array<i32: 0>} : vector<16xi32>
        %add3A_1023 = vector.broadcast %mul3A_1021 : i32 to vector<16xi32>
        %add3A_1024 = arith.addi %add3A_1023, %iota3A_1022 : vector<16xi32>
        %broadcast_in_dim3A_1025 = arith.constant 0 : i32
        %broadcast_in_dim3A_1026 = vector.broadcast %broadcast_in_dim3A_1025 : i32 to vector<16xi32>
        %gather3A_1027 = tpu.vector_load_idx %arg14[%add3A_1024, %broadcast_in_dim3A_1026] : memref<800x8xf32, #tpu.memory_space<vmem>>[vector<16xi32>, vector<16xi32>], vector<16xf32>,
        %gather3A_1028 = tpu.vector_load_idx %arg15[%add3A_1024, %broadcast_in_dim3A_1026] : memref<800x8xf32, #tpu.memory_space<vmem>>[vector<16xi32>, vector<16xi32>], vector<16xf32>,
        %get3A_1029 = arith.index_cast %mul3A_1021 : i32 to index
        %get3A_1030 = tpu.vector_load %arg16[%get3A_1029] {strides = array<i32>} : memref<800xf32, #tpu.memory_space<vmem>>, vector<16xf32>,
        %add3A_1031 = arith.addf %get3A_1030, %gather3A_1028 : vector<16xf32>
        %sub3A_1032 = arith.subf %add3A_1031, %gather3A_1027 : vector<16xf32>
        %swap3A_1033 = arith.index_cast %mul3A_1021 : i32 to index
        %swap3A_1034 = tpu.vector_load %arg19[%swap3A_1033] {strides = array<i32>} : memref<800xf32, #tpu.memory_space<vmem>>, vector<16xf32>,
        tpu.vector_store %arg19[%swap3A_1033], %sub3A_1032 {strides = array<i32>} : memref<800xf32, #tpu.memory_space<vmem>>, vector<16xf32>,
        %broadcast_in_dim3A_1035 = arith.constant 1 : i32
        %broadcast_in_dim3A_1036 = vector.broadcast %broadcast_in_dim3A_1035 : i32 to vector<16xi32>
        %gather3A_1037 = tpu.vector_load_idx %arg14[%add3A_1024, %broadcast_in_dim3A_1036] : memref<800x8xf32, #tpu.memory_space<vmem>>[vector<16xi32>, vector<16xi32>], vector<16xf32>,
        %gather3A_1038 = tpu.vector_load_idx %arg15[%add3A_1024, %broadcast_in_dim3A_1036] : memref<800x8xf32, #tpu.memory_space<vmem>>[vector<16xi32>, vector<16xi32>], vector<16xf32>,
        %get3A_1039 = arith.index_cast %mul3A_1021 : i32 to index
        %get3A_1040 = tpu.vector_load %arg17[%get3A_1039] {strides = array<i32>} : memref<800xf32, #tpu.memory_space<vmem>>, vector<16xf32>,
        %add3A_1041 = arith.addf %get3A_1040, %gather3A_1038 : vector<16xf32>
        %sub3A_1042 = arith.subf %add3A_1041, %gather3A_1037 : vector<16xf32>
        %swap3A_1043 = arith.index_cast %mul3A_1021 : i32 to index
        %swap3A_1044 = tpu.vector_load %arg20[%swap3A_1043] {strides = array<i32>} : memref<800xf32, #tpu.memory_space<vmem>>, vector<16xf32>,
        tpu.vector_store %arg20[%swap3A_1043], %sub3A_1042 {strides = array<i32>} : memref<800xf32, #tpu.memory_space<vmem>>, vector<16xf32>,
        %broadcast_in_dim3A_1045 = arith.constant 2 : i32
        %broadcast_in_dim3A_1046 = vector.broadcast %broadcast_in_dim3A_1045 : i32 to vector<16xi32>
        %gather3A_1047 = tpu.vector_load_idx %arg14[%add3A_1024, %broadcast_in_dim3A_1046] : memref<800x8xf32, #tpu.memory_space<vmem>>[vector<16xi32>, vector<16xi32>], vector<16xf32>,
        %gather3A_1048 = tpu.vector_load_idx %arg15[%add3A_1024, %broadcast_in_dim3A_1046] : memref<800x8xf32, #tpu.memory_space<vmem>>[vector<16xi32>, vector<16xi32>], vector<16xf32>,
        %get3A_1049 = arith.index_cast %mul3A_1021 : i32 to index
        %get3A_1050 = tpu.vector_load %arg18[%get3A_1049] {strides = array<i32>} : memref<800xf32, #tpu.memory_space<vmem>>, vector<16xf32>,
        %add3A_1051 = arith.addf %get3A_1050, %gather3A_1048 : vector<16xf32>
        %sub3A_1052 = arith.subf %add3A_1051, %gather3A_1047 : vector<16xf32>
        %swap3A_1053 = arith.index_cast %mul3A_1021 : i32 to index
        %swap3A_1054 = tpu.vector_load %arg21[%swap3A_1053] {strides = array<i32>} : memref<800xf32, #tpu.memory_space<vmem>>, vector<16xf32>,
        tpu.vector_store %arg21[%swap3A_1053], %sub3A_1052 {strides = array<i32>} : memref<800xf32, #tpu.memory_space<vmem>>, vector<16xf32>,
      }
      %scan3A_429 = arith.constant 48 : i32
      %scan3A_430 = arith.addi %scan3A_425, %scan3A_429 : i32
      %mul3A_431 = arith.constant 16 : i32
      %mul3A_432 = arith.muli %scan3A_430, %mul3A_431 : i32
      %iota3A = tpu.iota {dimensions = array<i32: 0>} : vector<16xi32>
      %add3A_433 = vector.broadcast %mul3A_432 : i32 to vector<16xi32>
      %add3A_434 = arith.addi %add3A_433, %iota3A : vector<16xi32>
      %broadcast_in_dim3A = arith.constant 0 : i32
      %broadcast_in_dim3A_435 = vector.broadcast %broadcast_in_dim3A : i32 to vector<16xi32>
      %gather3A = tpu.vector_load_idx %arg14[%add3A_434, %broadcast_in_dim3A_435] : memref<800x8xf32, #tpu.memory_space<vmem>>[vector<16xi32>, vector<16xi32>], vector<16xf32>,
      %gather3A_436 = tpu.vector_load_idx %arg15[%add3A_434, %broadcast_in_dim3A_435] : memref<800x8xf32, #tpu.memory_space<vmem>>[vector<16xi32>, vector<16xi32>], vector<16xf32>,
      %get3A = arith.index_cast %mul3A_432 : i32 to index
      %get3A_437 = tpu.vector_load %arg16[%get3A] {strides = array<i32>} : memref<800xf32, #tpu.memory_space<vmem>>, vector<16xf32>,
      %add3A_438 = arith.addf %get3A_437, %gather3A_436 : vector<16xf32>
      %sub3A = arith.subf %add3A_438, %gather3A : vector<16xf32>
      %swap3A = arith.index_cast %mul3A_432 : i32 to index
      %swap3A_439 = tpu.vector_load %arg19[%swap3A] {strides = array<i32>} : memref<800xf32, #tpu.memory_space<vmem>>, vector<16xf32>,
      tpu.vector_store %arg19[%swap3A], %sub3A {strides = array<i32>} : memref<800xf32, #tpu.memory_space<vmem>>, vector<16xf32>,
      %broadcast_in_dim3A_440 = arith.constant 1 : i32
      %broadcast_in_dim3A_441 = vector.broadcast %broadcast_in_dim3A_440 : i32 to vector<16xi32>
      %gather3A_442 = tpu.vector_load_idx %arg14[%add3A_434, %broadcast_in_dim3A_441] : memref<800x8xf32, #tpu.memory_space<vmem>>[vector<16xi32>, vector<16xi32>], vector<16xf32>,
      %gather3A_443 = tpu.vector_load_idx %arg15[%add3A_434, %broadcast_in_dim3A_441] : memref<800x8xf32, #tpu.memory_space<vmem>>[vector<16xi32>, vector<16xi32>], vector<16xf32>,
      %get3A_444 = arith.index_cast %mul3A_432 : i32 to index
      %get3A_445 = tpu.vector_load %arg17[%get3A_444] {strides = array<i32>} : memref<800xf32, #tpu.memory_space<vmem>>, vector<16xf32>,
      %add3A_446 = arith.addf %get3A_445, %gather3A_443 : vector<16xf32>
      %sub3A_447 = arith.subf %add3A_446, %gather3A_442 : vector<16xf32>
      %swap3A_448 = arith.index_cast %mul3A_432 : i32 to index
      %swap3A_449 = tpu.vector_load %arg20[%swap3A_448] {strides = array<i32>} : memref<800xf32, #tpu.memory_space<vmem>>, vector<16xf32>,
      tpu.vector_store %arg20[%swap3A_448], %sub3A_447 {strides = array<i32>} : memref<800xf32, #tpu.memory_space<vmem>>, vector<16xf32>,
      %broadcast_in_dim3A_450 = arith.constant 2 : i32
      %broadcast_in_dim3A_451 = vector.broadcast %broadcast_in_dim3A_450 : i32 to vector<16xi32>
      %gather3A_452 = tpu.vector_load_idx %arg14[%add3A_434, %broadcast_in_dim3A_451] : memref<800x8xf32, #tpu.memory_space<vmem>>[vector<16xi32>, vector<16xi32>], vector<16xf32>,
      %gather3A_453 = tpu.vector_load_idx %arg15[%add3A_434, %broadcast_in_dim3A_451] : memref<800x8xf32, #tpu.memory_space<vmem>>[vector<16xi32>, vector<16xi32>], vector<16xf32>,
      %get3A_454 = arith.index_cast %mul3A_432 : i32 to index
      %get3A_455 = tpu.vector_load %arg18[%get3A_454] {strides = array<i32>} : memref<800xf32, #tpu.memory_space<vmem>>, vector<16xf32>,
      %add3A_456 = arith.addf %get3A_455, %gather3A_453 : vector<16xf32>
      %sub3A_457 = arith.subf %add3A_456, %gather3A_452 : vector<16xf32>
      %swap3A_458 = arith.index_cast %mul3A_432 : i32 to index
      %swap3A_459 = tpu.vector_load %arg21[%swap3A_458] {strides = array<i32>} : memref<800xf32, #tpu.memory_space<vmem>>, vector<16xf32>,
      tpu.vector_store %arg21[%swap3A_458], %sub3A_457 {strides = array<i32>} : memref<800xf32, #tpu.memory_space<vmem>>, vector<16xf32>,
      %scan3A_460 = arith.constant 49 : i32
      %scan3A_461 = arith.addi %scan3A_425, %scan3A_460 : i32
      %mul3A_462 = arith.constant 16 : i32
      %mul3A_463 = arith.muli %scan3A_461, %mul3A_462 : i32
      %iota3A_464 = tpu.iota {dimensions = array<i32: 0>} : vector<16xi32>
      %add3A_465 = vector.broadcast %mul3A_463 : i32 to vector<16xi32>
      %add3A_466 = arith.addi %add3A_465, %iota3A_464 : vector<16xi32>
      %broadcast_in_dim3A_467 = arith.constant 0 : i32
      %broadcast_in_dim3A_468 = vector.broadcast %broadcast_in_dim3A_467 : i32 to vector<16xi32>
      %gather3A_469 = tpu.vector_load_idx %arg14[%add3A_466, %broadcast_in_dim3A_468] : memref<800x8xf32, #tpu.memory_space<vmem>>[vector<16xi32>, vector<16xi32>], vector<16xf32>,
      %gather3A_470 = tpu.vector_load_idx %arg15[%add3A_466, %broadcast_in_dim3A_468] : memref<800x8xf32, #tpu.memory_space<vmem>>[vector<16xi32>, vector<16xi32>], vector<16xf32>,
      %get3A_471 = arith.index_cast %mul3A_463 : i32 to index
      %get3A_472 = tpu.vector_load %arg16[%get3A_471] {strides = array<i32>} : memref<800xf32, #tpu.memory_space<vmem>>, vector<16xf32>,
      %add3A_473 = arith.addf %get3A_472, %gather3A_470 : vector<16xf32>
      %sub3A_474 = arith.subf %add3A_473, %gather3A_469 : vector<16xf32>
      %swap3A_475 = arith.index_cast %mul3A_463 : i32 to index
      %swap3A_476 = tpu.vector_load %arg19[%swap3A_475] {strides = array<i32>} : memref<800xf32, #tpu.memory_space<vmem>>, vector<16xf32>,
      tpu.vector_store %arg19[%swap3A_475], %sub3A_474 {strides = array<i32>} : memref<800xf32, #tpu.memory_space<vmem>>, vector<16xf32>,
      %broadcast_in_dim3A_477 = arith.constant 1 : i32
      %broadcast_in_dim3A_478 = vector.broadcast %broadcast_in_dim3A_477 : i32 to vector<16xi32>
      %gather3A_479 = tpu.vector_load_idx %arg14[%add3A_466, %broadcast_in_dim3A_478] : memref<800x8xf32, #tpu.memory_space<vmem>>[vector<16xi32>, vector<16xi32>], vector<16xf32>,
      %gather3A_480 = tpu.vector_load_idx %arg15[%add3A_466, %broadcast_in_dim3A_478] : memref<800x8xf32, #tpu.memory_space<vmem>>[vector<16xi32>, vector<16xi32>], vector<16xf32>,
      %get3A_481 = arith.index_cast %mul3A_463 : i32 to index
      %get3A_482 = tpu.vector_load %arg17[%get3A_481] {strides = array<i32>} : memref<800xf32, #tpu.memory_space<vmem>>, vector<16xf32>,
      %add3A_483 = arith.addf %get3A_482, %gather3A_480 : vector<16xf32>
      %sub3A_484 = arith.subf %add3A_483, %gather3A_479 : vector<16xf32>
      %swap3A_485 = arith.index_cast %mul3A_463 : i32 to index
      %swap3A_486 = tpu.vector_load %arg20[%swap3A_485] {strides = array<i32>} : memref<800xf32, #tpu.memory_space<vmem>>, vector<16xf32>,
      tpu.vector_store %arg20[%swap3A_485], %sub3A_484 {strides = array<i32>} : memref<800xf32, #tpu.memory_space<vmem>>, vector<16xf32>,
      %broadcast_in_dim3A_487 = arith.constant 2 : i32
      %broadcast_in_dim3A_488 = vector.broadcast %broadcast_in_dim3A_487 : i32 to vector<16xi32>
      %gather3A_489 = tpu.vector_load_idx %arg14[%add3A_466, %broadcast_in_dim3A_488] : memref<800x8xf32, #tpu.memory_space<vmem>>[vector<16xi32>, vector<16xi32>], vector<16xf32>,
      %gather3A_490 = tpu.vector_load_idx %arg15[%add3A_466, %broadcast_in_dim3A_488] : memref<800x8xf32, #tpu.memory_space<vmem>>[vector<16xi32>, vector<16xi32>], vector<16xf32>,
      %get3A_491 = arith.index_cast %mul3A_463 : i32 to index
      %get3A_492 = tpu.vector_load %arg18[%get3A_491] {strides = array<i32>} : memref<800xf32, #tpu.memory_space<vmem>>, vector<16xf32>,
      %add3A_493 = arith.addf %get3A_492, %gather3A_490 : vector<16xf32>
      %sub3A_494 = arith.subf %add3A_493, %gather3A_489 : vector<16xf32>
      %swap3A_495 = arith.index_cast %mul3A_463 : i32 to index
      %swap3A_496 = tpu.vector_load %arg21[%swap3A_495] {strides = array<i32>} : memref<800xf32, #tpu.memory_space<vmem>>, vector<16xf32>,
      tpu.vector_store %arg21[%swap3A_495], %sub3A_494 {strides = array<i32>} : memref<800xf32, #tpu.memory_space<vmem>>, vector<16xf32>,
      %scan3A_497 = arith.constant 50 : i32
      %min3A_498 = arith.constant 249 : i32
      %min3A_499 = arith.minsi %mul3A_367, %min3A_498 : i32
      %mul3A_500 = arith.constant 800 : i32
      %mul3A_501 = arith.muli %min3A_499, %mul3A_500 : i32
      %add3A_502 = arith.addi %mul3A_2, %mul3A_501 : i32
      %dma_start3A_503 = tpu.memref_slice %arg8[%add3A_502] : memref<6400000xf32, #tpu.memory_space<hbm>> -> memref<800xf32, #tpu.memory_space<hbm>>
      %dma_start3A_504 = tpu.memref_slice %arg42[%scan3A_150, %scan3A_151] : memref<3x4x!tpu.dma_semaphore, #tpu.memory_space<semaphore_mem>> -> memref<1x1x!tpu.dma_semaphore, #tpu.memory_space<semaphore_mem>>
      %dma_start3A_505 = tpu.memref_squeeze %dma_start3A_504 : memref<1x1x!tpu.dma_semaphore, #tpu.memory_space<semaphore_mem>> -> memref<!tpu.dma_semaphore, #tpu.memory_space<semaphore_mem>>
      %dma_start3A_506 = tpu.memref_slice %arg8[%add3A_502] : memref<6400000xf32, #tpu.memory_space<hbm>> -> memref<800xf32, #tpu.memory_space<hbm>>
      tpu.enqueue_dma source(%arg19 : memref<800xf32, #tpu.memory_space<vmem>>) target(%dma_start3A_506 : memref<800xf32, #tpu.memory_space<hbm>>) target_semaphore(%dma_start3A_505 : memref<!tpu.dma_semaphore, #tpu.memory_space<semaphore_mem>>)
      %dma_start3A_507 = tpu.memref_slice %arg9[%add3A_502] : memref<6400000xf32, #tpu.memory_space<hbm>> -> memref<800xf32, #tpu.memory_space<hbm>>
      %dma_start3A_508 = tpu.memref_slice %arg42[%scan3A_150, %scan3A_151] : memref<3x4x!tpu.dma_semaphore, #tpu.memory_space<semaphore_mem>> -> memref<1x1x!tpu.dma_semaphore, #tpu.memory_space<semaphore_mem>>
      %dma_start3A_509 = tpu.memref_squeeze %dma_start3A_508 : memref<1x1x!tpu.dma_semaphore, #tpu.memory_space<semaphore_mem>> -> memref<!tpu.dma_semaphore, #tpu.memory_space<semaphore_mem>>
      %dma_start3A_510 = tpu.memref_slice %arg9[%add3A_502] : memref<6400000xf32, #tpu.memory_space<hbm>> -> memref<800xf32, #tpu.memory_space<hbm>>
      tpu.enqueue_dma source(%arg20 : memref<800xf32, #tpu.memory_space<vmem>>) target(%dma_start3A_510 : memref<800xf32, #tpu.memory_space<hbm>>) target_semaphore(%dma_start3A_509 : memref<!tpu.dma_semaphore, #tpu.memory_space<semaphore_mem>>)
      %dma_start3A_511 = tpu.memref_slice %arg10[%add3A_502] : memref<6400000xf32, #tpu.memory_space<hbm>> -> memref<800xf32, #tpu.memory_space<hbm>>
      %dma_start3A_512 = tpu.memref_slice %arg42[%scan3A_150, %scan3A_151] : memref<3x4x!tpu.dma_semaphore, #tpu.memory_space<semaphore_mem>> -> memref<1x1x!tpu.dma_semaphore, #tpu.memory_space<semaphore_mem>>
      %dma_start3A_513 = tpu.memref_squeeze %dma_start3A_512 : memref<1x1x!tpu.dma_semaphore, #tpu.memory_space<semaphore_mem>> -> memref<!tpu.dma_semaphore, #tpu.memory_space<semaphore_mem>>
      %dma_start3A_514 = tpu.memref_slice %arg10[%add3A_502] : memref<6400000xf32, #tpu.memory_space<hbm>> -> memref<800xf32, #tpu.memory_space<hbm>>
      tpu.enqueue_dma source(%arg21 : memref<800xf32, #tpu.memory_space<vmem>>) target(%dma_start3A_514 : memref<800xf32, #tpu.memory_space<hbm>>) target_semaphore(%dma_start3A_513 : memref<!tpu.dma_semaphore, #tpu.memory_space<semaphore_mem>>)
      %add3A_515 = arith.constant 3 : i32
      %add3A_516 = arith.addi %mul3A_367, %add3A_515 : i32
      %min3A_517 = arith.constant 249 : i32
      %min3A_518 = arith.minsi %add3A_516, %min3A_517 : i32
      %mul3A_519 = arith.constant 800 : i32
      %mul3A_520 = arith.muli %min3A_518, %mul3A_519 : i32
      %add3A_521 = arith.addi %mul3A_2, %mul3A_520 : i32
      %dma_start3A_522 = tpu.memref_slice %arg3[%add3A_521] : memref<6400000xi32, #tpu.memory_space<hbm>> -> memref<800xi32, #tpu.memory_space<hbm>>
      %dma_start3A_523 = tpu.memref_slice %arg42[%scan3A_152, %scan3A_153] : memref<3x4x!tpu.dma_semaphore, #tpu.memory_space<semaphore_mem>> -> memref<1x1x!tpu.dma_semaphore, #tpu.memory_space<semaphore_mem>>
      %dma_start3A_524 = tpu.memref_squeeze %dma_start3A_523 : memref<1x1x!tpu.dma_semaphore, #tpu.memory_space<semaphore_mem>> -> memref<!tpu.dma_semaphore, #tpu.memory_space<semaphore_mem>>
      %dma_start3A_525 = tpu.memref_slice %arg3[%add3A_521] : memref<6400000xi32, #tpu.memory_space<hbm>> -> memref<800xi32, #tpu.memory_space<hbm>>
      tpu.enqueue_dma source(%dma_start3A_525 : memref<800xi32, #tpu.memory_space<hbm>>) target(%arg12 : memref<800xi32, #tpu.memory_space<vmem>>) target_semaphore(%dma_start3A_524 : memref<!tpu.dma_semaphore, #tpu.memory_space<semaphore_mem>>)
      %dma_start3A_526 = tpu.memref_slice %arg4[%add3A_521] : memref<6400000xi32, #tpu.memory_space<hbm>> -> memref<800xi32, #tpu.memory_space<hbm>>
      %dma_start3A_527 = tpu.memref_slice %arg42[%scan3A_152, %scan3A_153] : memref<3x4x!tpu.dma_semaphore, #tpu.memory_space<semaphore_mem>> -> memref<1x1x!tpu.dma_semaphore, #tpu.memory_space<semaphore_mem>>
      %dma_start3A_528 = tpu.memref_squeeze %dma_start3A_527 : memref<1x1x!tpu.dma_semaphore, #tpu.memory_space<semaphore_mem>> -> memref<!tpu.dma_semaphore, #tpu.memory_space<semaphore_mem>>
      %dma_start3A_529 = tpu.memref_slice %arg4[%add3A_521] : memref<6400000xi32, #tpu.memory_space<hbm>> -> memref<800xi32, #tpu.memory_space<hbm>>
      tpu.enqueue_dma source(%dma_start3A_529 : memref<800xi32, #tpu.memory_space<hbm>>) target(%arg13 : memref<800xi32, #tpu.memory_space<vmem>>) target_semaphore(%dma_start3A_528 : memref<!tpu.dma_semaphore, #tpu.memory_space<semaphore_mem>>)
      %dma_start3A_530 = tpu.memref_slice %arg5[%add3A_521] : memref<6400000xf32, #tpu.memory_space<hbm>> -> memref<800xf32, #tpu.memory_space<hbm>>
      %dma_start3A_531 = tpu.memref_slice %arg42[%scan3A_148, %scan3A_149] : memref<3x4x!tpu.dma_semaphore, #tpu.memory_space<semaphore_mem>> -> memref<1x1x!tpu.dma_semaphore, #tpu.memory_space<semaphore_mem>>
      %dma_start3A_532 = tpu.memref_squeeze %dma_start3A_531 : memref<1x1x!tpu.dma_semaphore, #tpu.memory_space<semaphore_mem>> -> memref<!tpu.dma_semaphore, #tpu.memory_space<semaphore_mem>>
      %dma_start3A_533 = tpu.memref_slice %arg5[%add3A_521] : memref<6400000xf32, #tpu.memory_space<hbm>> -> memref<800xf32, #tpu.memory_space<hbm>>
      tpu.enqueue_dma source(%dma_start3A_533 : memref<800xf32, #tpu.memory_space<hbm>>) target(%arg16 : memref<800xf32, #tpu.memory_space<vmem>>) target_semaphore(%dma_start3A_532 : memref<!tpu.dma_semaphore, #tpu.memory_space<semaphore_mem>>)
      %dma_start3A_534 = tpu.memref_slice %arg6[%add3A_521] : memref<6400000xf32, #tpu.memory_space<hbm>> -> memref<800xf32, #tpu.memory_space<hbm>>
      %dma_start3A_535 = tpu.memref_slice %arg42[%scan3A_148, %scan3A_149] : memref<3x4x!tpu.dma_semaphore, #tpu.memory_space<semaphore_mem>> -> memref<1x1x!tpu.dma_semaphore, #tpu.memory_space<semaphore_mem>>
      %dma_start3A_536 = tpu.memref_squeeze %dma_start3A_535 : memref<1x1x!tpu.dma_semaphore, #tpu.memory_space<semaphore_mem>> -> memref<!tpu.dma_semaphore, #tpu.memory_space<semaphore_mem>>
      %dma_start3A_537 = tpu.memref_slice %arg6[%add3A_521] : memref<6400000xf32, #tpu.memory_space<hbm>> -> memref<800xf32, #tpu.memory_space<hbm>>
      tpu.enqueue_dma source(%dma_start3A_537 : memref<800xf32, #tpu.memory_space<hbm>>) target(%arg17 : memref<800xf32, #tpu.memory_space<vmem>>) target_semaphore(%dma_start3A_536 : memref<!tpu.dma_semaphore, #tpu.memory_space<semaphore_mem>>)
      %dma_start3A_538 = tpu.memref_slice %arg7[%add3A_521] : memref<6400000xf32, #tpu.memory_space<hbm>> -> memref<800xf32, #tpu.memory_space<hbm>>
      %dma_start3A_539 = tpu.memref_slice %arg42[%scan3A_148, %scan3A_149] : memref<3x4x!tpu.dma_semaphore, #tpu.memory_space<semaphore_mem>> -> memref<1x1x!tpu.dma_semaphore, #tpu.memory_space<semaphore_mem>>
      %dma_start3A_540 = tpu.memref_squeeze %dma_start3A_539 : memref<1x1x!tpu.dma_semaphore, #tpu.memory_space<semaphore_mem>> -> memref<!tpu.dma_semaphore, #tpu.memory_space<semaphore_mem>>
      %dma_start3A_541 = tpu.memref_slice %arg7[%add3A_521] : memref<6400000xf32, #tpu.memory_space<hbm>> -> memref<800xf32, #tpu.memory_space<hbm>>
      tpu.enqueue_dma source(%dma_start3A_541 : memref<800xf32, #tpu.memory_space<hbm>>) target(%arg18 : memref<800xf32, #tpu.memory_space<vmem>>) target_semaphore(%dma_start3A_540 : memref<!tpu.dma_semaphore, #tpu.memory_space<semaphore_mem>>)
      %add3A_542 = arith.constant 2 : i32
      %add3A_543 = arith.addi %mul3A_367, %add3A_542 : i32
      %min3A_544 = arith.constant 249 : i32
      %min3A_545 = arith.minsi %add3A_543, %min3A_544 : i32
      %mul3A_546 = arith.constant 800 : i32
      %mul3A_547 = arith.muli %min3A_545, %mul3A_546 : i32
      %add3A_548 = arith.addi %mul3A_2, %mul3A_547 : i32
      %dma_wait3A_549 = tpu.memref_slice %arg3[%add3A_548] : memref<6400000xi32, #tpu.memory_space<hbm>> -> memref<800xi32, #tpu.memory_space<hbm>>
      %dma_wait3A_550 = tpu.memref_slice %arg42[%scan3A_154, %scan3A_155] : memref<3x4x!tpu.dma_semaphore, #tpu.memory_space<semaphore_mem>> -> memref<1x1x!tpu.dma_semaphore, #tpu.memory_space<semaphore_mem>>
      %dma_wait3A_551 = tpu.memref_squeeze %dma_wait3A_550 : memref<1x1x!tpu.dma_semaphore, #tpu.memory_space<semaphore_mem>> -> memref<!tpu.dma_semaphore, #tpu.memory_space<semaphore_mem>>
      %dma_wait3A_552 = tpu.memref_slice %arg3[%add3A_548] : memref<6400000xi32, #tpu.memory_space<hbm>> -> memref<800xi32, #tpu.memory_space<hbm>>
      tpu.wait_dma2 semaphore(%dma_wait3A_551 : memref<!tpu.dma_semaphore, #tpu.memory_space<semaphore_mem>>) src(%dma_wait3A_552 : memref<800xi32, #tpu.memory_space<hbm>>) dst(%arg32 : memref<800xi32, #tpu.memory_space<vmem>>)
      %dma_wait3A_553 = tpu.memref_slice %arg4[%add3A_548] : memref<6400000xi32, #tpu.memory_space<hbm>> -> memref<800xi32, #tpu.memory_space<hbm>>
      %dma_wait3A_554 = tpu.memref_slice %arg42[%scan3A_154, %scan3A_155] : memref<3x4x!tpu.dma_semaphore, #tpu.memory_space<semaphore_mem>> -> memref<1x1x!tpu.dma_semaphore, #tpu.memory_space<semaphore_mem>>
      %dma_wait3A_555 = tpu.memref_squeeze %dma_wait3A_554 : memref<1x1x!tpu.dma_semaphore, #tpu.memory_space<semaphore_mem>> -> memref<!tpu.dma_semaphore, #tpu.memory_space<semaphore_mem>>
      %dma_wait3A_556 = tpu.memref_slice %arg4[%add3A_548] : memref<6400000xi32, #tpu.memory_space<hbm>> -> memref<800xi32, #tpu.memory_space<hbm>>
      tpu.wait_dma2 semaphore(%dma_wait3A_555 : memref<!tpu.dma_semaphore, #tpu.memory_space<semaphore_mem>>) src(%dma_wait3A_556 : memref<800xi32, #tpu.memory_space<hbm>>) dst(%arg33 : memref<800xi32, #tpu.memory_space<vmem>>)
      %dma_start3A_557 = arith.constant 0 : i32
      %dma_start3A_558 = arith.constant 0 : i32
      %dma_start3A_559 = tpu.memref_slice %arg11[%dma_start3A_557, %dma_start3A_558] : memref<100000x8xf32, #tpu.memory_space<vmem_shared>> -> memref<100000x8xf32, #tpu.memory_space<vmem_shared>>
      %dma_start3A_560 = tpu.memref_slice %arg42[%scan3A_156, %scan3A_157] : memref<3x4x!tpu.dma_semaphore, #tpu.memory_space<semaphore_mem>> -> memref<1x1x!tpu.dma_semaphore, #tpu.memory_space<semaphore_mem>>
      %dma_start3A_561 = tpu.memref_squeeze %dma_start3A_560 : memref<1x1x!tpu.dma_semaphore, #tpu.memory_space<semaphore_mem>> -> memref<!tpu.dma_semaphore, #tpu.memory_space<semaphore_mem>>
      tpu.enqueue_indirect_dma source(%dma_start3A_559 : memref<100000x8xf32, #tpu.memory_space<vmem_shared>>) target(%arg34 : memref<800x8xf32, #tpu.memory_space<vmem>>) offsets(%arg32 : memref<800xi32, #tpu.memory_space<vmem>>) semaphore(%dma_start3A_561 : memref<!tpu.dma_semaphore, #tpu.memory_space<semaphore_mem>>)
      %dma_start3A_562 = arith.constant 0 : i32
      %dma_start3A_563 = arith.constant 0 : i32
      %dma_start3A_564 = tpu.memref_slice %arg11[%dma_start3A_562, %dma_start3A_563] : memref<100000x8xf32, #tpu.memory_space<vmem_shared>> -> memref<100000x8xf32, #tpu.memory_space<vmem_shared>>
      %dma_start3A_565 = tpu.memref_slice %arg42[%scan3A_156, %scan3A_157] : memref<3x4x!tpu.dma_semaphore, #tpu.memory_space<semaphore_mem>> -> memref<1x1x!tpu.dma_semaphore, #tpu.memory_space<semaphore_mem>>
      %dma_start3A_566 = tpu.memref_squeeze %dma_start3A_565 : memref<1x1x!tpu.dma_semaphore, #tpu.memory_space<semaphore_mem>> -> memref<!tpu.dma_semaphore, #tpu.memory_space<semaphore_mem>>
      tpu.enqueue_indirect_dma source(%dma_start3A_564 : memref<100000x8xf32, #tpu.memory_space<vmem_shared>>) target(%arg35 : memref<800x8xf32, #tpu.memory_space<vmem>>) offsets(%arg33 : memref<800xi32, #tpu.memory_space<vmem>>) semaphore(%dma_start3A_566 : memref<!tpu.dma_semaphore, #tpu.memory_space<semaphore_mem>>)
      %add3A_567 = arith.constant 1 : i32
      %add3A_568 = arith.addi %mul3A_367, %add3A_567 : i32
      %dma_wait3A_569 = arith.constant 0 : i32
      %dma_wait3A_570 = arith.constant 0 : i32
      %dma_wait3A_571 = tpu.memref_slice %arg11[%dma_wait3A_569, %dma_wait3A_570] : memref<100000x8xf32, #tpu.memory_space<vmem_shared>> -> memref<100000x8xf32, #tpu.memory_space<vmem_shared>>
      %dma_wait3A_572 = tpu.memref_slice %arg42[%scan3A_144, %scan3A_145] : memref<3x4x!tpu.dma_semaphore, #tpu.memory_space<semaphore_mem>> -> memref<1x1x!tpu.dma_semaphore, #tpu.memory_space<semaphore_mem>>
      %dma_wait3A_573 = tpu.memref_squeeze %dma_wait3A_572 : memref<1x1x!tpu.dma_semaphore, #tpu.memory_space<semaphore_mem>> -> memref<!tpu.dma_semaphore, #tpu.memory_space<semaphore_mem>>
      tpu.wait_indirect_dma semaphore(%dma_wait3A_573 : memref<!tpu.dma_semaphore, #tpu.memory_space<semaphore_mem>>) src(%dma_wait3A_571 : memref<100000x8xf32, #tpu.memory_space<vmem_shared>>) dst(%arg24 : memref<800x8xf32, #tpu.memory_space<vmem>>)
      %dma_wait3A_574 = arith.constant 0 : i32
      %dma_wait3A_575 = arith.constant 0 : i32
      %dma_wait3A_576 = tpu.memref_slice %arg11[%dma_wait3A_574, %dma_wait3A_575] : memref<100000x8xf32, #tpu.memory_space<vmem_shared>> -> memref<100000x8xf32, #tpu.memory_space<vmem_shared>>
      %dma_wait3A_577 = tpu.memref_slice %arg42[%scan3A_144, %scan3A_145] : memref<3x4x!tpu.dma_semaphore, #tpu.memory_space<semaphore_mem>> -> memref<1x1x!tpu.dma_semaphore, #tpu.memory_space<semaphore_mem>>
      %dma_wait3A_578 = tpu.memref_squeeze %dma_wait3A_577 : memref<1x1x!tpu.dma_semaphore, #tpu.memory_space<semaphore_mem>> -> memref<!tpu.dma_semaphore, #tpu.memory_space<semaphore_mem>>
      tpu.wait_indirect_dma semaphore(%dma_wait3A_578 : memref<!tpu.dma_semaphore, #tpu.memory_space<semaphore_mem>>) src(%dma_wait3A_576 : memref<100000x8xf32, #tpu.memory_space<vmem_shared>>) dst(%arg25 : memref<800x8xf32, #tpu.memory_space<vmem>>)
      %min3A_579 = arith.constant 249 : i32
      %min3A_580 = arith.minsi %add3A_568, %min3A_579 : i32
      %mul3A_581 = arith.constant 800 : i32
      %mul3A_582 = arith.muli %min3A_580, %mul3A_581 : i32
      %add3A_583 = arith.addi %mul3A_2, %mul3A_582 : i32
      %dma_wait3A_584 = tpu.memref_slice %arg5[%add3A_583] : memref<6400000xf32, #tpu.memory_space<hbm>> -> memref<800xf32, #tpu.memory_space<hbm>>
      %dma_wait3A_585 = tpu.memref_slice %arg42[%scan3A_158, %scan3A_159] : memref<3x4x!tpu.dma_semaphore, #tpu.memory_space<semaphore_mem>> -> memref<1x1x!tpu.dma_semaphore, #tpu.memory_space<semaphore_mem>>
      %dma_wait3A_586 = tpu.memref_squeeze %dma_wait3A_585 : memref<1x1x!tpu.dma_semaphore, #tpu.memory_space<semaphore_mem>> -> memref<!tpu.dma_semaphore, #tpu.memory_space<semaphore_mem>>
      %dma_wait3A_587 = tpu.memref_slice %arg5[%add3A_583] : memref<6400000xf32, #tpu.memory_space<hbm>> -> memref<800xf32, #tpu.memory_space<hbm>>
      tpu.wait_dma2 semaphore(%dma_wait3A_586 : memref<!tpu.dma_semaphore, #tpu.memory_space<semaphore_mem>>) src(%dma_wait3A_587 : memref<800xf32, #tpu.memory_space<hbm>>) dst(%arg26 : memref<800xf32, #tpu.memory_space<vmem>>)
      %dma_wait3A_588 = tpu.memref_slice %arg6[%add3A_583] : memref<6400000xf32, #tpu.memory_space<hbm>> -> memref<800xf32, #tpu.memory_space<hbm>>
      %dma_wait3A_589 = tpu.memref_slice %arg42[%scan3A_158, %scan3A_159] : memref<3x4x!tpu.dma_semaphore, #tpu.memory_space<semaphore_mem>> -> memref<1x1x!tpu.dma_semaphore, #tpu.memory_space<semaphore_mem>>
      %dma_wait3A_590 = tpu.memref_squeeze %dma_wait3A_589 : memref<1x1x!tpu.dma_semaphore, #tpu.memory_space<semaphore_mem>> -> memref<!tpu.dma_semaphore, #tpu.memory_space<semaphore_mem>>
      %dma_wait3A_591 = tpu.memref_slice %arg6[%add3A_583] : memref<6400000xf32, #tpu.memory_space<hbm>> -> memref<800xf32, #tpu.memory_space<hbm>>
      tpu.wait_dma2 semaphore(%dma_wait3A_590 : memref<!tpu.dma_semaphore, #tpu.memory_space<semaphore_mem>>) src(%dma_wait3A_591 : memref<800xf32, #tpu.memory_space<hbm>>) dst(%arg27 : memref<800xf32, #tpu.memory_space<vmem>>)
      %dma_wait3A_592 = tpu.memref_slice %arg7[%add3A_583] : memref<6400000xf32, #tpu.memory_space<hbm>> -> memref<800xf32, #tpu.memory_space<hbm>>
      %dma_wait3A_593 = tpu.memref_slice %arg42[%scan3A_158, %scan3A_159] : memref<3x4x!tpu.dma_semaphore, #tpu.memory_space<semaphore_mem>> -> memref<1x1x!tpu.dma_semaphore, #tpu.memory_space<semaphore_mem>>
      %dma_wait3A_594 = tpu.memref_squeeze %dma_wait3A_593 : memref<1x1x!tpu.dma_semaphore, #tpu.memory_space<semaphore_mem>> -> memref<!tpu.dma_semaphore, #tpu.memory_space<semaphore_mem>>
      %dma_wait3A_595 = tpu.memref_slice %arg7[%add3A_583] : memref<6400000xf32, #tpu.memory_space<hbm>> -> memref<800xf32, #tpu.memory_space<hbm>>
      tpu.wait_dma2 semaphore(%dma_wait3A_594 : memref<!tpu.dma_semaphore, #tpu.memory_space<semaphore_mem>>) src(%dma_wait3A_595 : memref<800xf32, #tpu.memory_space<hbm>>) dst(%arg28 : memref<800xf32, #tpu.memory_space<vmem>>)
      %gt3A_596 = arith.constant 0 : i32
      %gt3A_597 = arith.cmpi sgt, %scan3A_365, %gt3A_596 : i32
      %convert_element_type3A_598 = arith.extui %gt3A_597 : i1 to i32
      %cond3A_599 = arith.constant 0 : i32
      %cond3A_600 = arith.cmpi ne, %convert_element_type3A_598, %cond3A_599 : i32
      scf.if %cond3A_600 {
        %sub3A_908 = arith.constant 3 : i32
        %sub3A_909 = arith.subi %add3A_568, %sub3A_908 : i32
        %min3A_910 = arith.constant 249 : i32
        %min3A_911 = arith.minsi %sub3A_909, %min3A_910 : i32
        %mul3A_912 = arith.constant 800 : i32
        %mul3A_913 = arith.muli %min3A_911, %mul3A_912 : i32
        %add3A_914 = arith.addi %mul3A_2, %mul3A_913 : i32
        %dma_wait3A_915 = tpu.memref_slice %arg8[%add3A_914] : memref<6400000xf32, #tpu.memory_space<hbm>> -> memref<800xf32, #tpu.memory_space<hbm>>
        %dma_wait3A_916 = tpu.memref_slice %arg42[%scan3A_160, %scan3A_161] : memref<3x4x!tpu.dma_semaphore, #tpu.memory_space<semaphore_mem>> -> memref<1x1x!tpu.dma_semaphore, #tpu.memory_space<semaphore_mem>>
        %dma_wait3A_917 = tpu.memref_squeeze %dma_wait3A_916 : memref<1x1x!tpu.dma_semaphore, #tpu.memory_space<semaphore_mem>> -> memref<!tpu.dma_semaphore, #tpu.memory_space<semaphore_mem>>
        %dma_wait3A_918 = tpu.memref_slice %arg8[%add3A_914] : memref<6400000xf32, #tpu.memory_space<hbm>> -> memref<800xf32, #tpu.memory_space<hbm>>
        tpu.wait_dma2 semaphore(%dma_wait3A_917 : memref<!tpu.dma_semaphore, #tpu.memory_space<semaphore_mem>>) src(%arg29 : memref<800xf32, #tpu.memory_space<vmem>>) dst(%dma_wait3A_918 : memref<800xf32, #tpu.memory_space<hbm>>)
        %dma_wait3A_919 = tpu.memref_slice %arg9[%add3A_914] : memref<6400000xf32, #tpu.memory_space<hbm>> -> memref<800xf32, #tpu.memory_space<hbm>>
        %dma_wait3A_920 = tpu.memref_slice %arg42[%scan3A_160, %scan3A_161] : memref<3x4x!tpu.dma_semaphore, #tpu.memory_space<semaphore_mem>> -> memref<1x1x!tpu.dma_semaphore, #tpu.memory_space<semaphore_mem>>
        %dma_wait3A_921 = tpu.memref_squeeze %dma_wait3A_920 : memref<1x1x!tpu.dma_semaphore, #tpu.memory_space<semaphore_mem>> -> memref<!tpu.dma_semaphore, #tpu.memory_space<semaphore_mem>>
        %dma_wait3A_922 = tpu.memref_slice %arg9[%add3A_914] : memref<6400000xf32, #tpu.memory_space<hbm>> -> memref<800xf32, #tpu.memory_space<hbm>>
        tpu.wait_dma2 semaphore(%dma_wait3A_921 : memref<!tpu.dma_semaphore, #tpu.memory_space<semaphore_mem>>) src(%arg30 : memref<800xf32, #tpu.memory_space<vmem>>) dst(%dma_wait3A_922 : memref<800xf32, #tpu.memory_space<hbm>>)
        %dma_wait3A_923 = tpu.memref_slice %arg10[%add3A_914] : memref<6400000xf32, #tpu.memory_space<hbm>> -> memref<800xf32, #tpu.memory_space<hbm>>
        %dma_wait3A_924 = tpu.memref_slice %arg42[%scan3A_160, %scan3A_161] : memref<3x4x!tpu.dma_semaphore, #tpu.memory_space<semaphore_mem>> -> memref<1x1x!tpu.dma_semaphore, #tpu.memory_space<semaphore_mem>>
        %dma_wait3A_925 = tpu.memref_squeeze %dma_wait3A_924 : memref<1x1x!tpu.dma_semaphore, #tpu.memory_space<semaphore_mem>> -> memref<!tpu.dma_semaphore, #tpu.memory_space<semaphore_mem>>
        %dma_wait3A_926 = tpu.memref_slice %arg10[%add3A_914] : memref<6400000xf32, #tpu.memory_space<hbm>> -> memref<800xf32, #tpu.memory_space<hbm>>
        tpu.wait_dma2 semaphore(%dma_wait3A_925 : memref<!tpu.dma_semaphore, #tpu.memory_space<semaphore_mem>>) src(%arg31 : memref<800xf32, #tpu.memory_space<vmem>>) dst(%dma_wait3A_926 : memref<800xf32, #tpu.memory_space<hbm>>)
      } else {
      }
      %scan3A_601 = arith.constant 0 : i32
      %scan3A_602 = arith.constant 0 : i32
      %scan3A_603 = arith.constant 48 : i32
      %scan3A_604 = arith.addi %scan3A_602, %scan3A_603 : i32
      %scan3A_605 = arith.constant 4 : i32
      scf.for %scan3A_908 = %scan3A_602 to %scan3A_604 step %scan3A_605  : i32 {
        %mul3A_909 = arith.constant 16 : i32
        %mul3A_910 = arith.muli %scan3A_908, %mul3A_909 : i32
        %iota3A_911 = tpu.iota {dimensions = array<i32: 0>} : vector<16xi32>
        %add3A_912 = vector.broadcast %mul3A_910 : i32 to vector<16xi32>
        %add3A_913 = arith.addi %add3A_912, %iota3A_911 : vector<16xi32>
        %broadcast_in_dim3A_914 = arith.constant 0 : i32
        %broadcast_in_dim3A_915 = vector.broadcast %broadcast_in_dim3A_914 : i32 to vector<16xi32>
        %gather3A_916 = tpu.vector_load_idx %arg24[%add3A_913, %broadcast_in_dim3A_915] : memref<800x8xf32, #tpu.memory_space<vmem>>[vector<16xi32>, vector<16xi32>], vector<16xf32>,
        %gather3A_917 = tpu.vector_load_idx %arg25[%add3A_913, %broadcast_in_dim3A_915] : memref<800x8xf32, #tpu.memory_space<vmem>>[vector<16xi32>, vector<16xi32>], vector<16xf32>,
        %get3A_918 = arith.index_cast %mul3A_910 : i32 to index
        %get3A_919 = tpu.vector_load %arg26[%get3A_918] {strides = array<i32>} : memref<800xf32, #tpu.memory_space<vmem>>, vector<16xf32>,
        %add3A_920 = arith.addf %get3A_919, %gather3A_917 : vector<16xf32>
        %sub3A_921 = arith.subf %add3A_920, %gather3A_916 : vector<16xf32>
        %swap3A_922 = arith.index_cast %mul3A_910 : i32 to index
        %swap3A_923 = tpu.vector_load %arg29[%swap3A_922] {strides = array<i32>} : memref<800xf32, #tpu.memory_space<vmem>>, vector<16xf32>,
        tpu.vector_store %arg29[%swap3A_922], %sub3A_921 {strides = array<i32>} : memref<800xf32, #tpu.memory_space<vmem>>, vector<16xf32>,
        %broadcast_in_dim3A_924 = arith.constant 1 : i32
        %broadcast_in_dim3A_925 = vector.broadcast %broadcast_in_dim3A_924 : i32 to vector<16xi32>
        %gather3A_926 = tpu.vector_load_idx %arg24[%add3A_913, %broadcast_in_dim3A_925] : memref<800x8xf32, #tpu.memory_space<vmem>>[vector<16xi32>, vector<16xi32>], vector<16xf32>,
        %gather3A_927 = tpu.vector_load_idx %arg25[%add3A_913, %broadcast_in_dim3A_925] : memref<800x8xf32, #tpu.memory_space<vmem>>[vector<16xi32>, vector<16xi32>], vector<16xf32>,
        %get3A_928 = arith.index_cast %mul3A_910 : i32 to index
        %get3A_929 = tpu.vector_load %arg27[%get3A_928] {strides = array<i32>} : memref<800xf32, #tpu.memory_space<vmem>>, vector<16xf32>,
        %add3A_930 = arith.addf %get3A_929, %gather3A_927 : vector<16xf32>
        %sub3A_931 = arith.subf %add3A_930, %gather3A_926 : vector<16xf32>
        %swap3A_932 = arith.index_cast %mul3A_910 : i32 to index
        %swap3A_933 = tpu.vector_load %arg30[%swap3A_932] {strides = array<i32>} : memref<800xf32, #tpu.memory_space<vmem>>, vector<16xf32>,
        tpu.vector_store %arg30[%swap3A_932], %sub3A_931 {strides = array<i32>} : memref<800xf32, #tpu.memory_space<vmem>>, vector<16xf32>,
        %broadcast_in_dim3A_934 = arith.constant 2 : i32
        %broadcast_in_dim3A_935 = vector.broadcast %broadcast_in_dim3A_934 : i32 to vector<16xi32>
        %gather3A_936 = tpu.vector_load_idx %arg24[%add3A_913, %broadcast_in_dim3A_935] : memref<800x8xf32, #tpu.memory_space<vmem>>[vector<16xi32>, vector<16xi32>], vector<16xf32>,
        %gather3A_937 = tpu.vector_load_idx %arg25[%add3A_913, %broadcast_in_dim3A_935] : memref<800x8xf32, #tpu.memory_space<vmem>>[vector<16xi32>, vector<16xi32>], vector<16xf32>,
        %get3A_938 = arith.index_cast %mul3A_910 : i32 to index
        %get3A_939 = tpu.vector_load %arg28[%get3A_938] {strides = array<i32>} : memref<800xf32, #tpu.memory_space<vmem>>, vector<16xf32>,
        %add3A_940 = arith.addf %get3A_939, %gather3A_937 : vector<16xf32>
        %sub3A_941 = arith.subf %add3A_940, %gather3A_936 : vector<16xf32>
        %swap3A_942 = arith.index_cast %mul3A_910 : i32 to index
        %swap3A_943 = tpu.vector_load %arg31[%swap3A_942] {strides = array<i32>} : memref<800xf32, #tpu.memory_space<vmem>>, vector<16xf32>,
        tpu.vector_store %arg31[%swap3A_942], %sub3A_941 {strides = array<i32>} : memref<800xf32, #tpu.memory_space<vmem>>, vector<16xf32>,
        %scan3A_944 = arith.constant 1 : i32
        %scan3A_945 = arith.addi %scan3A_908, %scan3A_944 : i32
        %mul3A_946 = arith.constant 16 : i32
        %mul3A_947 = arith.muli %scan3A_945, %mul3A_946 : i32
        %iota3A_948 = tpu.iota {dimensions = array<i32: 0>} : vector<16xi32>
        %add3A_949 = vector.broadcast %mul3A_947 : i32 to vector<16xi32>
        %add3A_950 = arith.addi %add3A_949, %iota3A_948 : vector<16xi32>
        %broadcast_in_dim3A_951 = arith.constant 0 : i32
        %broadcast_in_dim3A_952 = vector.broadcast %broadcast_in_dim3A_951 : i32 to vector<16xi32>
        %gather3A_953 = tpu.vector_load_idx %arg24[%add3A_950, %broadcast_in_dim3A_952] : memref<800x8xf32, #tpu.memory_space<vmem>>[vector<16xi32>, vector<16xi32>], vector<16xf32>,
        %gather3A_954 = tpu.vector_load_idx %arg25[%add3A_950, %broadcast_in_dim3A_952] : memref<800x8xf32, #tpu.memory_space<vmem>>[vector<16xi32>, vector<16xi32>], vector<16xf32>,
        %get3A_955 = arith.index_cast %mul3A_947 : i32 to index
        %get3A_956 = tpu.vector_load %arg26[%get3A_955] {strides = array<i32>} : memref<800xf32, #tpu.memory_space<vmem>>, vector<16xf32>,
        %add3A_957 = arith.addf %get3A_956, %gather3A_954 : vector<16xf32>
        %sub3A_958 = arith.subf %add3A_957, %gather3A_953 : vector<16xf32>
        %swap3A_959 = arith.index_cast %mul3A_947 : i32 to index
        %swap3A_960 = tpu.vector_load %arg29[%swap3A_959] {strides = array<i32>} : memref<800xf32, #tpu.memory_space<vmem>>, vector<16xf32>,
        tpu.vector_store %arg29[%swap3A_959], %sub3A_958 {strides = array<i32>} : memref<800xf32, #tpu.memory_space<vmem>>, vector<16xf32>,
        %broadcast_in_dim3A_961 = arith.constant 1 : i32
        %broadcast_in_dim3A_962 = vector.broadcast %broadcast_in_dim3A_961 : i32 to vector<16xi32>
        %gather3A_963 = tpu.vector_load_idx %arg24[%add3A_950, %broadcast_in_dim3A_962] : memref<800x8xf32, #tpu.memory_space<vmem>>[vector<16xi32>, vector<16xi32>], vector<16xf32>,
        %gather3A_964 = tpu.vector_load_idx %arg25[%add3A_950, %broadcast_in_dim3A_962] : memref<800x8xf32, #tpu.memory_space<vmem>>[vector<16xi32>, vector<16xi32>], vector<16xf32>,
        %get3A_965 = arith.index_cast %mul3A_947 : i32 to index
        %get3A_966 = tpu.vector_load %arg27[%get3A_965] {strides = array<i32>} : memref<800xf32, #tpu.memory_space<vmem>>, vector<16xf32>,
        %add3A_967 = arith.addf %get3A_966, %gather3A_964 : vector<16xf32>
        %sub3A_968 = arith.subf %add3A_967, %gather3A_963 : vector<16xf32>
        %swap3A_969 = arith.index_cast %mul3A_947 : i32 to index
        %swap3A_970 = tpu.vector_load %arg30[%swap3A_969] {strides = array<i32>} : memref<800xf32, #tpu.memory_space<vmem>>, vector<16xf32>,
        tpu.vector_store %arg30[%swap3A_969], %sub3A_968 {strides = array<i32>} : memref<800xf32, #tpu.memory_space<vmem>>, vector<16xf32>,
        %broadcast_in_dim3A_971 = arith.constant 2 : i32
        %broadcast_in_dim3A_972 = vector.broadcast %broadcast_in_dim3A_971 : i32 to vector<16xi32>
        %gather3A_973 = tpu.vector_load_idx %arg24[%add3A_950, %broadcast_in_dim3A_972] : memref<800x8xf32, #tpu.memory_space<vmem>>[vector<16xi32>, vector<16xi32>], vector<16xf32>,
        %gather3A_974 = tpu.vector_load_idx %arg25[%add3A_950, %broadcast_in_dim3A_972] : memref<800x8xf32, #tpu.memory_space<vmem>>[vector<16xi32>, vector<16xi32>], vector<16xf32>,
        %get3A_975 = arith.index_cast %mul3A_947 : i32 to index
        %get3A_976 = tpu.vector_load %arg28[%get3A_975] {strides = array<i32>} : memref<800xf32, #tpu.memory_space<vmem>>, vector<16xf32>,
        %add3A_977 = arith.addf %get3A_976, %gather3A_974 : vector<16xf32>
        %sub3A_978 = arith.subf %add3A_977, %gather3A_973 : vector<16xf32>
        %swap3A_979 = arith.index_cast %mul3A_947 : i32 to index
        %swap3A_980 = tpu.vector_load %arg31[%swap3A_979] {strides = array<i32>} : memref<800xf32, #tpu.memory_space<vmem>>, vector<16xf32>,
        tpu.vector_store %arg31[%swap3A_979], %sub3A_978 {strides = array<i32>} : memref<800xf32, #tpu.memory_space<vmem>>, vector<16xf32>,
        %scan3A_981 = arith.constant 2 : i32
        %scan3A_982 = arith.addi %scan3A_908, %scan3A_981 : i32
        %mul3A_983 = arith.constant 16 : i32
        %mul3A_984 = arith.muli %scan3A_982, %mul3A_983 : i32
        %iota3A_985 = tpu.iota {dimensions = array<i32: 0>} : vector<16xi32>
        %add3A_986 = vector.broadcast %mul3A_984 : i32 to vector<16xi32>
        %add3A_987 = arith.addi %add3A_986, %iota3A_985 : vector<16xi32>
        %broadcast_in_dim3A_988 = arith.constant 0 : i32
        %broadcast_in_dim3A_989 = vector.broadcast %broadcast_in_dim3A_988 : i32 to vector<16xi32>
        %gather3A_990 = tpu.vector_load_idx %arg24[%add3A_987, %broadcast_in_dim3A_989] : memref<800x8xf32, #tpu.memory_space<vmem>>[vector<16xi32>, vector<16xi32>], vector<16xf32>,
        %gather3A_991 = tpu.vector_load_idx %arg25[%add3A_987, %broadcast_in_dim3A_989] : memref<800x8xf32, #tpu.memory_space<vmem>>[vector<16xi32>, vector<16xi32>], vector<16xf32>,
        %get3A_992 = arith.index_cast %mul3A_984 : i32 to index
        %get3A_993 = tpu.vector_load %arg26[%get3A_992] {strides = array<i32>} : memref<800xf32, #tpu.memory_space<vmem>>, vector<16xf32>,
        %add3A_994 = arith.addf %get3A_993, %gather3A_991 : vector<16xf32>
        %sub3A_995 = arith.subf %add3A_994, %gather3A_990 : vector<16xf32>
        %swap3A_996 = arith.index_cast %mul3A_984 : i32 to index
        %swap3A_997 = tpu.vector_load %arg29[%swap3A_996] {strides = array<i32>} : memref<800xf32, #tpu.memory_space<vmem>>, vector<16xf32>,
        tpu.vector_store %arg29[%swap3A_996], %sub3A_995 {strides = array<i32>} : memref<800xf32, #tpu.memory_space<vmem>>, vector<16xf32>,
        %broadcast_in_dim3A_998 = arith.constant 1 : i32
        %broadcast_in_dim3A_999 = vector.broadcast %broadcast_in_dim3A_998 : i32 to vector<16xi32>
        %gather3A_1000 = tpu.vector_load_idx %arg24[%add3A_987, %broadcast_in_dim3A_999] : memref<800x8xf32, #tpu.memory_space<vmem>>[vector<16xi32>, vector<16xi32>], vector<16xf32>,
        %gather3A_1001 = tpu.vector_load_idx %arg25[%add3A_987, %broadcast_in_dim3A_999] : memref<800x8xf32, #tpu.memory_space<vmem>>[vector<16xi32>, vector<16xi32>], vector<16xf32>,
        %get3A_1002 = arith.index_cast %mul3A_984 : i32 to index
        %get3A_1003 = tpu.vector_load %arg27[%get3A_1002] {strides = array<i32>} : memref<800xf32, #tpu.memory_space<vmem>>, vector<16xf32>,
        %add3A_1004 = arith.addf %get3A_1003, %gather3A_1001 : vector<16xf32>
        %sub3A_1005 = arith.subf %add3A_1004, %gather3A_1000 : vector<16xf32>
        %swap3A_1006 = arith.index_cast %mul3A_984 : i32 to index
        %swap3A_1007 = tpu.vector_load %arg30[%swap3A_1006] {strides = array<i32>} : memref<800xf32, #tpu.memory_space<vmem>>, vector<16xf32>,
        tpu.vector_store %arg30[%swap3A_1006], %sub3A_1005 {strides = array<i32>} : memref<800xf32, #tpu.memory_space<vmem>>, vector<16xf32>,
        %broadcast_in_dim3A_1008 = arith.constant 2 : i32
        %broadcast_in_dim3A_1009 = vector.broadcast %broadcast_in_dim3A_1008 : i32 to vector<16xi32>
        %gather3A_1010 = tpu.vector_load_idx %arg24[%add3A_987, %broadcast_in_dim3A_1009] : memref<800x8xf32, #tpu.memory_space<vmem>>[vector<16xi32>, vector<16xi32>], vector<16xf32>,
        %gather3A_1011 = tpu.vector_load_idx %arg25[%add3A_987, %broadcast_in_dim3A_1009] : memref<800x8xf32, #tpu.memory_space<vmem>>[vector<16xi32>, vector<16xi32>], vector<16xf32>,
        %get3A_1012 = arith.index_cast %mul3A_984 : i32 to index
        %get3A_1013 = tpu.vector_load %arg28[%get3A_1012] {strides = array<i32>} : memref<800xf32, #tpu.memory_space<vmem>>, vector<16xf32>,
        %add3A_1014 = arith.addf %get3A_1013, %gather3A_1011 : vector<16xf32>
        %sub3A_1015 = arith.subf %add3A_1014, %gather3A_1010 : vector<16xf32>
        %swap3A_1016 = arith.index_cast %mul3A_984 : i32 to index
        %swap3A_1017 = tpu.vector_load %arg31[%swap3A_1016] {strides = array<i32>} : memref<800xf32, #tpu.memory_space<vmem>>, vector<16xf32>,
        tpu.vector_store %arg31[%swap3A_1016], %sub3A_1015 {strides = array<i32>} : memref<800xf32, #tpu.memory_space<vmem>>, vector<16xf32>,
        %scan3A_1018 = arith.constant 3 : i32
        %scan3A_1019 = arith.addi %scan3A_908, %scan3A_1018 : i32
        %mul3A_1020 = arith.constant 16 : i32
        %mul3A_1021 = arith.muli %scan3A_1019, %mul3A_1020 : i32
        %iota3A_1022 = tpu.iota {dimensions = array<i32: 0>} : vector<16xi32>
        %add3A_1023 = vector.broadcast %mul3A_1021 : i32 to vector<16xi32>
        %add3A_1024 = arith.addi %add3A_1023, %iota3A_1022 : vector<16xi32>
        %broadcast_in_dim3A_1025 = arith.constant 0 : i32
        %broadcast_in_dim3A_1026 = vector.broadcast %broadcast_in_dim3A_1025 : i32 to vector<16xi32>
        %gather3A_1027 = tpu.vector_load_idx %arg24[%add3A_1024, %broadcast_in_dim3A_1026] : memref<800x8xf32, #tpu.memory_space<vmem>>[vector<16xi32>, vector<16xi32>], vector<16xf32>,
        %gather3A_1028 = tpu.vector_load_idx %arg25[%add3A_1024, %broadcast_in_dim3A_1026] : memref<800x8xf32, #tpu.memory_space<vmem>>[vector<16xi32>, vector<16xi32>], vector<16xf32>,
        %get3A_1029 = arith.index_cast %mul3A_1021 : i32 to index
        %get3A_1030 = tpu.vector_load %arg26[%get3A_1029] {strides = array<i32>} : memref<800xf32, #tpu.memory_space<vmem>>, vector<16xf32>,
        %add3A_1031 = arith.addf %get3A_1030, %gather3A_1028 : vector<16xf32>
        %sub3A_1032 = arith.subf %add3A_1031, %gather3A_1027 : vector<16xf32>
        %swap3A_1033 = arith.index_cast %mul3A_1021 : i32 to index
        %swap3A_1034 = tpu.vector_load %arg29[%swap3A_1033] {strides = array<i32>} : memref<800xf32, #tpu.memory_space<vmem>>, vector<16xf32>,
        tpu.vector_store %arg29[%swap3A_1033], %sub3A_1032 {strides = array<i32>} : memref<800xf32, #tpu.memory_space<vmem>>, vector<16xf32>,
        %broadcast_in_dim3A_1035 = arith.constant 1 : i32
        %broadcast_in_dim3A_1036 = vector.broadcast %broadcast_in_dim3A_1035 : i32 to vector<16xi32>
        %gather3A_1037 = tpu.vector_load_idx %arg24[%add3A_1024, %broadcast_in_dim3A_1036] : memref<800x8xf32, #tpu.memory_space<vmem>>[vector<16xi32>, vector<16xi32>], vector<16xf32>,
        %gather3A_1038 = tpu.vector_load_idx %arg25[%add3A_1024, %broadcast_in_dim3A_1036] : memref<800x8xf32, #tpu.memory_space<vmem>>[vector<16xi32>, vector<16xi32>], vector<16xf32>,
        %get3A_1039 = arith.index_cast %mul3A_1021 : i32 to index
        %get3A_1040 = tpu.vector_load %arg27[%get3A_1039] {strides = array<i32>} : memref<800xf32, #tpu.memory_space<vmem>>, vector<16xf32>,
        %add3A_1041 = arith.addf %get3A_1040, %gather3A_1038 : vector<16xf32>
        %sub3A_1042 = arith.subf %add3A_1041, %gather3A_1037 : vector<16xf32>
        %swap3A_1043 = arith.index_cast %mul3A_1021 : i32 to index
        %swap3A_1044 = tpu.vector_load %arg30[%swap3A_1043] {strides = array<i32>} : memref<800xf32, #tpu.memory_space<vmem>>, vector<16xf32>,
        tpu.vector_store %arg30[%swap3A_1043], %sub3A_1042 {strides = array<i32>} : memref<800xf32, #tpu.memory_space<vmem>>, vector<16xf32>,
        %broadcast_in_dim3A_1045 = arith.constant 2 : i32
        %broadcast_in_dim3A_1046 = vector.broadcast %broadcast_in_dim3A_1045 : i32 to vector<16xi32>
        %gather3A_1047 = tpu.vector_load_idx %arg24[%add3A_1024, %broadcast_in_dim3A_1046] : memref<800x8xf32, #tpu.memory_space<vmem>>[vector<16xi32>, vector<16xi32>], vector<16xf32>,
        %gather3A_1048 = tpu.vector_load_idx %arg25[%add3A_1024, %broadcast_in_dim3A_1046] : memref<800x8xf32, #tpu.memory_space<vmem>>[vector<16xi32>, vector<16xi32>], vector<16xf32>,
        %get3A_1049 = arith.index_cast %mul3A_1021 : i32 to index
        %get3A_1050 = tpu.vector_load %arg28[%get3A_1049] {strides = array<i32>} : memref<800xf32, #tpu.memory_space<vmem>>, vector<16xf32>,
        %add3A_1051 = arith.addf %get3A_1050, %gather3A_1048 : vector<16xf32>
        %sub3A_1052 = arith.subf %add3A_1051, %gather3A_1047 : vector<16xf32>
        %swap3A_1053 = arith.index_cast %mul3A_1021 : i32 to index
        %swap3A_1054 = tpu.vector_load %arg31[%swap3A_1053] {strides = array<i32>} : memref<800xf32, #tpu.memory_space<vmem>>, vector<16xf32>,
        tpu.vector_store %arg31[%swap3A_1053], %sub3A_1052 {strides = array<i32>} : memref<800xf32, #tpu.memory_space<vmem>>, vector<16xf32>,
      }
      %scan3A_606 = arith.constant 48 : i32
      %scan3A_607 = arith.addi %scan3A_602, %scan3A_606 : i32
      %mul3A_608 = arith.constant 16 : i32
      %mul3A_609 = arith.muli %scan3A_607, %mul3A_608 : i32
      %iota3A_610 = tpu.iota {dimensions = array<i32: 0>} : vector<16xi32>
      %add3A_611 = vector.broadcast %mul3A_609 : i32 to vector<16xi32>
      %add3A_612 = arith.addi %add3A_611, %iota3A_610 : vector<16xi32>
      %broadcast_in_dim3A_613 = arith.constant 0 : i32
      %broadcast_in_dim3A_614 = vector.broadcast %broadcast_in_dim3A_613 : i32 to vector<16xi32>
      %gather3A_615 = tpu.vector_load_idx %arg24[%add3A_612, %broadcast_in_dim3A_614] : memref<800x8xf32, #tpu.memory_space<vmem>>[vector<16xi32>, vector<16xi32>], vector<16xf32>,
      %gather3A_616 = tpu.vector_load_idx %arg25[%add3A_612, %broadcast_in_dim3A_614] : memref<800x8xf32, #tpu.memory_space<vmem>>[vector<16xi32>, vector<16xi32>], vector<16xf32>,
      %get3A_617 = arith.index_cast %mul3A_609 : i32 to index
      %get3A_618 = tpu.vector_load %arg26[%get3A_617] {strides = array<i32>} : memref<800xf32, #tpu.memory_space<vmem>>, vector<16xf32>,
      %add3A_619 = arith.addf %get3A_618, %gather3A_616 : vector<16xf32>
      %sub3A_620 = arith.subf %add3A_619, %gather3A_615 : vector<16xf32>
      %swap3A_621 = arith.index_cast %mul3A_609 : i32 to index
      %swap3A_622 = tpu.vector_load %arg29[%swap3A_621] {strides = array<i32>} : memref<800xf32, #tpu.memory_space<vmem>>, vector<16xf32>,
      tpu.vector_store %arg29[%swap3A_621], %sub3A_620 {strides = array<i32>} : memref<800xf32, #tpu.memory_space<vmem>>, vector<16xf32>,
      %broadcast_in_dim3A_623 = arith.constant 1 : i32
      %broadcast_in_dim3A_624 = vector.broadcast %broadcast_in_dim3A_623 : i32 to vector<16xi32>
      %gather3A_625 = tpu.vector_load_idx %arg24[%add3A_612, %broadcast_in_dim3A_624] : memref<800x8xf32, #tpu.memory_space<vmem>>[vector<16xi32>, vector<16xi32>], vector<16xf32>,
      %gather3A_626 = tpu.vector_load_idx %arg25[%add3A_612, %broadcast_in_dim3A_624] : memref<800x8xf32, #tpu.memory_space<vmem>>[vector<16xi32>, vector<16xi32>], vector<16xf32>,
      %get3A_627 = arith.index_cast %mul3A_609 : i32 to index
      %get3A_628 = tpu.vector_load %arg27[%get3A_627] {strides = array<i32>} : memref<800xf32, #tpu.memory_space<vmem>>, vector<16xf32>,
      %add3A_629 = arith.addf %get3A_628, %gather3A_626 : vector<16xf32>
      %sub3A_630 = arith.subf %add3A_629, %gather3A_625 : vector<16xf32>
      %swap3A_631 = arith.index_cast %mul3A_609 : i32 to index
      %swap3A_632 = tpu.vector_load %arg30[%swap3A_631] {strides = array<i32>} : memref<800xf32, #tpu.memory_space<vmem>>, vector<16xf32>,
      tpu.vector_store %arg30[%swap3A_631], %sub3A_630 {strides = array<i32>} : memref<800xf32, #tpu.memory_space<vmem>>, vector<16xf32>,
      %broadcast_in_dim3A_633 = arith.constant 2 : i32
      %broadcast_in_dim3A_634 = vector.broadcast %broadcast_in_dim3A_633 : i32 to vector<16xi32>
      %gather3A_635 = tpu.vector_load_idx %arg24[%add3A_612, %broadcast_in_dim3A_634] : memref<800x8xf32, #tpu.memory_space<vmem>>[vector<16xi32>, vector<16xi32>], vector<16xf32>,
      %gather3A_636 = tpu.vector_load_idx %arg25[%add3A_612, %broadcast_in_dim3A_634] : memref<800x8xf32, #tpu.memory_space<vmem>>[vector<16xi32>, vector<16xi32>], vector<16xf32>,
      %get3A_637 = arith.index_cast %mul3A_609 : i32 to index
      %get3A_638 = tpu.vector_load %arg28[%get3A_637] {strides = array<i32>} : memref<800xf32, #tpu.memory_space<vmem>>, vector<16xf32>,
      %add3A_639 = arith.addf %get3A_638, %gather3A_636 : vector<16xf32>
      %sub3A_640 = arith.subf %add3A_639, %gather3A_635 : vector<16xf32>
      %swap3A_641 = arith.index_cast %mul3A_609 : i32 to index
      %swap3A_642 = tpu.vector_load %arg31[%swap3A_641] {strides = array<i32>} : memref<800xf32, #tpu.memory_space<vmem>>, vector<16xf32>,
      tpu.vector_store %arg31[%swap3A_641], %sub3A_640 {strides = array<i32>} : memref<800xf32, #tpu.memory_space<vmem>>, vector<16xf32>,
      %scan3A_643 = arith.constant 49 : i32
      %scan3A_644 = arith.addi %scan3A_602, %scan3A_643 : i32
      %mul3A_645 = arith.constant 16 : i32
      %mul3A_646 = arith.muli %scan3A_644, %mul3A_645 : i32
      %iota3A_647 = tpu.iota {dimensions = array<i32: 0>} : vector<16xi32>
      %add3A_648 = vector.broadcast %mul3A_646 : i32 to vector<16xi32>
      %add3A_649 = arith.addi %add3A_648, %iota3A_647 : vector<16xi32>
      %broadcast_in_dim3A_650 = arith.constant 0 : i32
      %broadcast_in_dim3A_651 = vector.broadcast %broadcast_in_dim3A_650 : i32 to vector<16xi32>
      %gather3A_652 = tpu.vector_load_idx %arg24[%add3A_649, %broadcast_in_dim3A_651] : memref<800x8xf32, #tpu.memory_space<vmem>>[vector<16xi32>, vector<16xi32>], vector<16xf32>,
      %gather3A_653 = tpu.vector_load_idx %arg25[%add3A_649, %broadcast_in_dim3A_651] : memref<800x8xf32, #tpu.memory_space<vmem>>[vector<16xi32>, vector<16xi32>], vector<16xf32>,
      %get3A_654 = arith.index_cast %mul3A_646 : i32 to index
      %get3A_655 = tpu.vector_load %arg26[%get3A_654] {strides = array<i32>} : memref<800xf32, #tpu.memory_space<vmem>>, vector<16xf32>,
      %add3A_656 = arith.addf %get3A_655, %gather3A_653 : vector<16xf32>
      %sub3A_657 = arith.subf %add3A_656, %gather3A_652 : vector<16xf32>
      %swap3A_658 = arith.index_cast %mul3A_646 : i32 to index
      %swap3A_659 = tpu.vector_load %arg29[%swap3A_658] {strides = array<i32>} : memref<800xf32, #tpu.memory_space<vmem>>, vector<16xf32>,
      tpu.vector_store %arg29[%swap3A_658], %sub3A_657 {strides = array<i32>} : memref<800xf32, #tpu.memory_space<vmem>>, vector<16xf32>,
      %broadcast_in_dim3A_660 = arith.constant 1 : i32
      %broadcast_in_dim3A_661 = vector.broadcast %broadcast_in_dim3A_660 : i32 to vector<16xi32>
      %gather3A_662 = tpu.vector_load_idx %arg24[%add3A_649, %broadcast_in_dim3A_661] : memref<800x8xf32, #tpu.memory_space<vmem>>[vector<16xi32>, vector<16xi32>], vector<16xf32>,
      %gather3A_663 = tpu.vector_load_idx %arg25[%add3A_649, %broadcast_in_dim3A_661] : memref<800x8xf32, #tpu.memory_space<vmem>>[vector<16xi32>, vector<16xi32>], vector<16xf32>,
      %get3A_664 = arith.index_cast %mul3A_646 : i32 to index
      %get3A_665 = tpu.vector_load %arg27[%get3A_664] {strides = array<i32>} : memref<800xf32, #tpu.memory_space<vmem>>, vector<16xf32>,
      %add3A_666 = arith.addf %get3A_665, %gather3A_663 : vector<16xf32>
      %sub3A_667 = arith.subf %add3A_666, %gather3A_662 : vector<16xf32>
      %swap3A_668 = arith.index_cast %mul3A_646 : i32 to index
      %swap3A_669 = tpu.vector_load %arg30[%swap3A_668] {strides = array<i32>} : memref<800xf32, #tpu.memory_space<vmem>>, vector<16xf32>,
      tpu.vector_store %arg30[%swap3A_668], %sub3A_667 {strides = array<i32>} : memref<800xf32, #tpu.memory_space<vmem>>, vector<16xf32>,
      %broadcast_in_dim3A_670 = arith.constant 2 : i32
      %broadcast_in_dim3A_671 = vector.broadcast %broadcast_in_dim3A_670 : i32 to vector<16xi32>
      %gather3A_672 = tpu.vector_load_idx %arg24[%add3A_649, %broadcast_in_dim3A_671] : memref<800x8xf32, #tpu.memory_space<vmem>>[vector<16xi32>, vector<16xi32>], vector<16xf32>,
      %gather3A_673 = tpu.vector_load_idx %arg25[%add3A_649, %broadcast_in_dim3A_671] : memref<800x8xf32, #tpu.memory_space<vmem>>[vector<16xi32>, vector<16xi32>], vector<16xf32>,
      %get3A_674 = arith.index_cast %mul3A_646 : i32 to index
      %get3A_675 = tpu.vector_load %arg28[%get3A_674] {strides = array<i32>} : memref<800xf32, #tpu.memory_space<vmem>>, vector<16xf32>,
      %add3A_676 = arith.addf %get3A_675, %gather3A_673 : vector<16xf32>
      %sub3A_677 = arith.subf %add3A_676, %gather3A_672 : vector<16xf32>
      %swap3A_678 = arith.index_cast %mul3A_646 : i32 to index
      %swap3A_679 = tpu.vector_load %arg31[%swap3A_678] {strides = array<i32>} : memref<800xf32, #tpu.memory_space<vmem>>, vector<16xf32>,
      tpu.vector_store %arg31[%swap3A_678], %sub3A_677 {strides = array<i32>} : memref<800xf32, #tpu.memory_space<vmem>>, vector<16xf32>,
      %scan3A_680 = arith.constant 50 : i32
      %min3A_681 = arith.constant 249 : i32
      %min3A_682 = arith.minsi %add3A_568, %min3A_681 : i32
      %mul3A_683 = arith.constant 800 : i32
      %mul3A_684 = arith.muli %min3A_682, %mul3A_683 : i32
      %add3A_685 = arith.addi %mul3A_2, %mul3A_684 : i32
      %dma_start3A_686 = tpu.memref_slice %arg8[%add3A_685] : memref<6400000xf32, #tpu.memory_space<hbm>> -> memref<800xf32, #tpu.memory_space<hbm>>
      %dma_start3A_687 = tpu.memref_slice %arg42[%scan3A_160, %scan3A_161] : memref<3x4x!tpu.dma_semaphore, #tpu.memory_space<semaphore_mem>> -> memref<1x1x!tpu.dma_semaphore, #tpu.memory_space<semaphore_mem>>
      %dma_start3A_688 = tpu.memref_squeeze %dma_start3A_687 : memref<1x1x!tpu.dma_semaphore, #tpu.memory_space<semaphore_mem>> -> memref<!tpu.dma_semaphore, #tpu.memory_space<semaphore_mem>>
      %dma_start3A_689 = tpu.memref_slice %arg8[%add3A_685] : memref<6400000xf32, #tpu.memory_space<hbm>> -> memref<800xf32, #tpu.memory_space<hbm>>
      tpu.enqueue_dma source(%arg29 : memref<800xf32, #tpu.memory_space<vmem>>) target(%dma_start3A_689 : memref<800xf32, #tpu.memory_space<hbm>>) target_semaphore(%dma_start3A_688 : memref<!tpu.dma_semaphore, #tpu.memory_space<semaphore_mem>>)
      %dma_start3A_690 = tpu.memref_slice %arg9[%add3A_685] : memref<6400000xf32, #tpu.memory_space<hbm>> -> memref<800xf32, #tpu.memory_space<hbm>>
      %dma_start3A_691 = tpu.memref_slice %arg42[%scan3A_160, %scan3A_161] : memref<3x4x!tpu.dma_semaphore, #tpu.memory_space<semaphore_mem>> -> memref<1x1x!tpu.dma_semaphore, #tpu.memory_space<semaphore_mem>>
      %dma_start3A_692 = tpu.memref_squeeze %dma_start3A_691 : memref<1x1x!tpu.dma_semaphore, #tpu.memory_space<semaphore_mem>> -> memref<!tpu.dma_semaphore, #tpu.memory_space<semaphore_mem>>
      %dma_start3A_693 = tpu.memref_slice %arg9[%add3A_685] : memref<6400000xf32, #tpu.memory_space<hbm>> -> memref<800xf32, #tpu.memory_space<hbm>>
      tpu.enqueue_dma source(%arg30 : memref<800xf32, #tpu.memory_space<vmem>>) target(%dma_start3A_693 : memref<800xf32, #tpu.memory_space<hbm>>) target_semaphore(%dma_start3A_692 : memref<!tpu.dma_semaphore, #tpu.memory_space<semaphore_mem>>)
      %dma_start3A_694 = tpu.memref_slice %arg10[%add3A_685] : memref<6400000xf32, #tpu.memory_space<hbm>> -> memref<800xf32, #tpu.memory_space<hbm>>
      %dma_start3A_695 = tpu.memref_slice %arg42[%scan3A_160, %scan3A_161] : memref<3x4x!tpu.dma_semaphore, #tpu.memory_space<semaphore_mem>> -> memref<1x1x!tpu.dma_semaphore, #tpu.memory_space<semaphore_mem>>
      %dma_start3A_696 = tpu.memref_squeeze %dma_start3A_695 : memref<1x1x!tpu.dma_semaphore, #tpu.memory_space<semaphore_mem>> -> memref<!tpu.dma_semaphore, #tpu.memory_space<semaphore_mem>>
      %dma_start3A_697 = tpu.memref_slice %arg10[%add3A_685] : memref<6400000xf32, #tpu.memory_space<hbm>> -> memref<800xf32, #tpu.memory_space<hbm>>
      tpu.enqueue_dma source(%arg31 : memref<800xf32, #tpu.memory_space<vmem>>) target(%dma_start3A_697 : memref<800xf32, #tpu.memory_space<hbm>>) target_semaphore(%dma_start3A_696 : memref<!tpu.dma_semaphore, #tpu.memory_space<semaphore_mem>>)
      %add3A_698 = arith.constant 3 : i32
      %add3A_699 = arith.addi %add3A_568, %add3A_698 : i32
      %min3A_700 = arith.constant 249 : i32
      %min3A_701 = arith.minsi %add3A_699, %min3A_700 : i32
      %mul3A_702 = arith.constant 800 : i32
      %mul3A_703 = arith.muli %min3A_701, %mul3A_702 : i32
      %add3A_704 = arith.addi %mul3A_2, %mul3A_703 : i32
      %dma_start3A_705 = tpu.memref_slice %arg3[%add3A_704] : memref<6400000xi32, #tpu.memory_space<hbm>> -> memref<800xi32, #tpu.memory_space<hbm>>
      %dma_start3A_706 = tpu.memref_slice %arg42[%scan3A_142, %scan3A_143] : memref<3x4x!tpu.dma_semaphore, #tpu.memory_space<semaphore_mem>> -> memref<1x1x!tpu.dma_semaphore, #tpu.memory_space<semaphore_mem>>
      %dma_start3A_707 = tpu.memref_squeeze %dma_start3A_706 : memref<1x1x!tpu.dma_semaphore, #tpu.memory_space<semaphore_mem>> -> memref<!tpu.dma_semaphore, #tpu.memory_space<semaphore_mem>>
      %dma_start3A_708 = tpu.memref_slice %arg3[%add3A_704] : memref<6400000xi32, #tpu.memory_space<hbm>> -> memref<800xi32, #tpu.memory_space<hbm>>
      tpu.enqueue_dma source(%dma_start3A_708 : memref<800xi32, #tpu.memory_space<hbm>>) target(%arg22 : memref<800xi32, #tpu.memory_space<vmem>>) target_semaphore(%dma_start3A_707 : memref<!tpu.dma_semaphore, #tpu.memory_space<semaphore_mem>>)
      %dma_start3A_709 = tpu.memref_slice %arg4[%add3A_704] : memref<6400000xi32, #tpu.memory_space<hbm>> -> memref<800xi32, #tpu.memory_space<hbm>>
      %dma_start3A_710 = tpu.memref_slice %arg42[%scan3A_142, %scan3A_143] : memref<3x4x!tpu.dma_semaphore, #tpu.memory_space<semaphore_mem>> -> memref<1x1x!tpu.dma_semaphore, #tpu.memory_space<semaphore_mem>>
      %dma_start3A_711 = tpu.memref_squeeze %dma_start3A_710 : memref<1x1x!tpu.dma_semaphore, #tpu.memory_space<semaphore_mem>> -> memref<!tpu.dma_semaphore, #tpu.memory_space<semaphore_mem>>
      %dma_start3A_712 = tpu.memref_slice %arg4[%add3A_704] : memref<6400000xi32, #tpu.memory_space<hbm>> -> memref<800xi32, #tpu.memory_space<hbm>>
      tpu.enqueue_dma source(%dma_start3A_712 : memref<800xi32, #tpu.memory_space<hbm>>) target(%arg23 : memref<800xi32, #tpu.memory_space<vmem>>) target_semaphore(%dma_start3A_711 : memref<!tpu.dma_semaphore, #tpu.memory_space<semaphore_mem>>)
      %dma_start3A_713 = tpu.memref_slice %arg5[%add3A_704] : memref<6400000xf32, #tpu.memory_space<hbm>> -> memref<800xf32, #tpu.memory_space<hbm>>
      %dma_start3A_714 = tpu.memref_slice %arg42[%scan3A_158, %scan3A_159] : memref<3x4x!tpu.dma_semaphore, #tpu.memory_space<semaphore_mem>> -> memref<1x1x!tpu.dma_semaphore, #tpu.memory_space<semaphore_mem>>
      %dma_start3A_715 = tpu.memref_squeeze %dma_start3A_714 : memref<1x1x!tpu.dma_semaphore, #tpu.memory_space<semaphore_mem>> -> memref<!tpu.dma_semaphore, #tpu.memory_space<semaphore_mem>>
      %dma_start3A_716 = tpu.memref_slice %arg5[%add3A_704] : memref<6400000xf32, #tpu.memory_space<hbm>> -> memref<800xf32, #tpu.memory_space<hbm>>
      tpu.enqueue_dma source(%dma_start3A_716 : memref<800xf32, #tpu.memory_space<hbm>>) target(%arg26 : memref<800xf32, #tpu.memory_space<vmem>>) target_semaphore(%dma_start3A_715 : memref<!tpu.dma_semaphore, #tpu.memory_space<semaphore_mem>>)
      %dma_start3A_717 = tpu.memref_slice %arg6[%add3A_704] : memref<6400000xf32, #tpu.memory_space<hbm>> -> memref<800xf32, #tpu.memory_space<hbm>>
      %dma_start3A_718 = tpu.memref_slice %arg42[%scan3A_158, %scan3A_159] : memref<3x4x!tpu.dma_semaphore, #tpu.memory_space<semaphore_mem>> -> memref<1x1x!tpu.dma_semaphore, #tpu.memory_space<semaphore_mem>>
      %dma_start3A_719 = tpu.memref_squeeze %dma_start3A_718 : memref<1x1x!tpu.dma_semaphore, #tpu.memory_space<semaphore_mem>> -> memref<!tpu.dma_semaphore, #tpu.memory_space<semaphore_mem>>
      %dma_start3A_720 = tpu.memref_slice %arg6[%add3A_704] : memref<6400000xf32, #tpu.memory_space<hbm>> -> memref<800xf32, #tpu.memory_space<hbm>>
      tpu.enqueue_dma source(%dma_start3A_720 : memref<800xf32, #tpu.memory_space<hbm>>) target(%arg27 : memref<800xf32, #tpu.memory_space<vmem>>) target_semaphore(%dma_start3A_719 : memref<!tpu.dma_semaphore, #tpu.memory_space<semaphore_mem>>)
      %dma_start3A_721 = tpu.memref_slice %arg7[%add3A_704] : memref<6400000xf32, #tpu.memory_space<hbm>> -> memref<800xf32, #tpu.memory_space<hbm>>
      %dma_start3A_722 = tpu.memref_slice %arg42[%scan3A_158, %scan3A_159] : memref<3x4x!tpu.dma_semaphore, #tpu.memory_space<semaphore_mem>> -> memref<1x1x!tpu.dma_semaphore, #tpu.memory_space<semaphore_mem>>
      %dma_start3A_723 = tpu.memref_squeeze %dma_start3A_722 : memref<1x1x!tpu.dma_semaphore, #tpu.memory_space<semaphore_mem>> -> memref<!tpu.dma_semaphore, #tpu.memory_space<semaphore_mem>>
      %dma_start3A_724 = tpu.memref_slice %arg7[%add3A_704] : memref<6400000xf32, #tpu.memory_space<hbm>> -> memref<800xf32, #tpu.memory_space<hbm>>
      tpu.enqueue_dma source(%dma_start3A_724 : memref<800xf32, #tpu.memory_space<hbm>>) target(%arg28 : memref<800xf32, #tpu.memory_space<vmem>>) target_semaphore(%dma_start3A_723 : memref<!tpu.dma_semaphore, #tpu.memory_space<semaphore_mem>>)
      %add3A_725 = arith.constant 3 : i32
      %add3A_726 = arith.addi %mul3A_367, %add3A_725 : i32
      %min3A_727 = arith.constant 249 : i32
      %min3A_728 = arith.minsi %add3A_726, %min3A_727 : i32
      %mul3A_729 = arith.constant 800 : i32
      %mul3A_730 = arith.muli %min3A_728, %mul3A_729 : i32
      %add3A_731 = arith.addi %mul3A_2, %mul3A_730 : i32
      %dma_wait3A_732 = tpu.memref_slice %arg3[%add3A_731] : memref<6400000xi32, #tpu.memory_space<hbm>> -> memref<800xi32, #tpu.memory_space<hbm>>
      %dma_wait3A_733 = tpu.memref_slice %arg42[%scan3A_152, %scan3A_153] : memref<3x4x!tpu.dma_semaphore, #tpu.memory_space<semaphore_mem>> -> memref<1x1x!tpu.dma_semaphore, #tpu.memory_space<semaphore_mem>>
      %dma_wait3A_734 = tpu.memref_squeeze %dma_wait3A_733 : memref<1x1x!tpu.dma_semaphore, #tpu.memory_space<semaphore_mem>> -> memref<!tpu.dma_semaphore, #tpu.memory_space<semaphore_mem>>
      %dma_wait3A_735 = tpu.memref_slice %arg3[%add3A_731] : memref<6400000xi32, #tpu.memory_space<hbm>> -> memref<800xi32, #tpu.memory_space<hbm>>
      tpu.wait_dma2 semaphore(%dma_wait3A_734 : memref<!tpu.dma_semaphore, #tpu.memory_space<semaphore_mem>>) src(%dma_wait3A_735 : memref<800xi32, #tpu.memory_space<hbm>>) dst(%arg12 : memref<800xi32, #tpu.memory_space<vmem>>)
      %dma_wait3A_736 = tpu.memref_slice %arg4[%add3A_731] : memref<6400000xi32, #tpu.memory_space<hbm>> -> memref<800xi32, #tpu.memory_space<hbm>>
      %dma_wait3A_737 = tpu.memref_slice %arg42[%scan3A_152, %scan3A_153] : memref<3x4x!tpu.dma_semaphore, #tpu.memory_space<semaphore_mem>> -> memref<1x1x!tpu.dma_semaphore, #tpu.memory_space<semaphore_mem>>
      %dma_wait3A_738 = tpu.memref_squeeze %dma_wait3A_737 : memref<1x1x!tpu.dma_semaphore, #tpu.memory_space<semaphore_mem>> -> memref<!tpu.dma_semaphore, #tpu.memory_space<semaphore_mem>>
      %dma_wait3A_739 = tpu.memref_slice %arg4[%add3A_731] : memref<6400000xi32, #tpu.memory_space<hbm>> -> memref<800xi32, #tpu.memory_space<hbm>>
      tpu.wait_dma2 semaphore(%dma_wait3A_738 : memref<!tpu.dma_semaphore, #tpu.memory_space<semaphore_mem>>) src(%dma_wait3A_739 : memref<800xi32, #tpu.memory_space<hbm>>) dst(%arg13 : memref<800xi32, #tpu.memory_space<vmem>>)
      %dma_start3A_740 = arith.constant 0 : i32
      %dma_start3A_741 = arith.constant 0 : i32
      %dma_start3A_742 = tpu.memref_slice %arg11[%dma_start3A_740, %dma_start3A_741] : memref<100000x8xf32, #tpu.memory_space<vmem_shared>> -> memref<100000x8xf32, #tpu.memory_space<vmem_shared>>
      %dma_start3A_743 = tpu.memref_slice %arg42[%scan3A_146, %scan3A_147] : memref<3x4x!tpu.dma_semaphore, #tpu.memory_space<semaphore_mem>> -> memref<1x1x!tpu.dma_semaphore, #tpu.memory_space<semaphore_mem>>
      %dma_start3A_744 = tpu.memref_squeeze %dma_start3A_743 : memref<1x1x!tpu.dma_semaphore, #tpu.memory_space<semaphore_mem>> -> memref<!tpu.dma_semaphore, #tpu.memory_space<semaphore_mem>>
      tpu.enqueue_indirect_dma source(%dma_start3A_742 : memref<100000x8xf32, #tpu.memory_space<vmem_shared>>) target(%arg14 : memref<800x8xf32, #tpu.memory_space<vmem>>) offsets(%arg12 : memref<800xi32, #tpu.memory_space<vmem>>) semaphore(%dma_start3A_744 : memref<!tpu.dma_semaphore, #tpu.memory_space<semaphore_mem>>)
      %dma_start3A_745 = arith.constant 0 : i32
      %dma_start3A_746 = arith.constant 0 : i32
      %dma_start3A_747 = tpu.memref_slice %arg11[%dma_start3A_745, %dma_start3A_746] : memref<100000x8xf32, #tpu.memory_space<vmem_shared>> -> memref<100000x8xf32, #tpu.memory_space<vmem_shared>>
      %dma_start3A_748 = tpu.memref_slice %arg42[%scan3A_146, %scan3A_147] : memref<3x4x!tpu.dma_semaphore, #tpu.memory_space<semaphore_mem>> -> memref<1x1x!tpu.dma_semaphore, #tpu.memory_space<semaphore_mem>>
      %dma_start3A_749 = tpu.memref_squeeze %dma_start3A_748 : memref<1x1x!tpu.dma_semaphore, #tpu.memory_space<semaphore_mem>> -> memref<!tpu.dma_semaphore, #tpu.memory_space<semaphore_mem>>
      tpu.enqueue_indirect_dma source(%dma_start3A_747 : memref<100000x8xf32, #tpu.memory_space<vmem_shared>>) target(%arg15 : memref<800x8xf32, #tpu.memory_space<vmem>>) offsets(%arg13 : memref<800xi32, #tpu.memory_space<vmem>>) semaphore(%dma_start3A_749 : memref<!tpu.dma_semaphore, #tpu.memory_space<semaphore_mem>>)
      %add3A_750 = arith.constant 2 : i32
      %add3A_751 = arith.addi %mul3A_367, %add3A_750 : i32
      %dma_wait3A_752 = arith.constant 0 : i32
      %dma_wait3A_753 = arith.constant 0 : i32
      %dma_wait3A_754 = tpu.memref_slice %arg11[%dma_wait3A_752, %dma_wait3A_753] : memref<100000x8xf32, #tpu.memory_space<vmem_shared>> -> memref<100000x8xf32, #tpu.memory_space<vmem_shared>>
      %dma_wait3A_755 = tpu.memref_slice %arg42[%scan3A_156, %scan3A_157] : memref<3x4x!tpu.dma_semaphore, #tpu.memory_space<semaphore_mem>> -> memref<1x1x!tpu.dma_semaphore, #tpu.memory_space<semaphore_mem>>
      %dma_wait3A_756 = tpu.memref_squeeze %dma_wait3A_755 : memref<1x1x!tpu.dma_semaphore, #tpu.memory_space<semaphore_mem>> -> memref<!tpu.dma_semaphore, #tpu.memory_space<semaphore_mem>>
      tpu.wait_indirect_dma semaphore(%dma_wait3A_756 : memref<!tpu.dma_semaphore, #tpu.memory_space<semaphore_mem>>) src(%dma_wait3A_754 : memref<100000x8xf32, #tpu.memory_space<vmem_shared>>) dst(%arg34 : memref<800x8xf32, #tpu.memory_space<vmem>>)
      %dma_wait3A_757 = arith.constant 0 : i32
      %dma_wait3A_758 = arith.constant 0 : i32
      %dma_wait3A_759 = tpu.memref_slice %arg11[%dma_wait3A_757, %dma_wait3A_758] : memref<100000x8xf32, #tpu.memory_space<vmem_shared>> -> memref<100000x8xf32, #tpu.memory_space<vmem_shared>>
      %dma_wait3A_760 = tpu.memref_slice %arg42[%scan3A_156, %scan3A_157] : memref<3x4x!tpu.dma_semaphore, #tpu.memory_space<semaphore_mem>> -> memref<1x1x!tpu.dma_semaphore, #tpu.memory_space<semaphore_mem>>
      %dma_wait3A_761 = tpu.memref_squeeze %dma_wait3A_760 : memref<1x1x!tpu.dma_semaphore, #tpu.memory_space<semaphore_mem>> -> memref<!tpu.dma_semaphore, #tpu.memory_space<semaphore_mem>>
      tpu.wait_indirect_dma semaphore(%dma_wait3A_761 : memref<!tpu.dma_semaphore, #tpu.memory_space<semaphore_mem>>) src(%dma_wait3A_759 : memref<100000x8xf32, #tpu.memory_space<vmem_shared>>) dst(%arg35 : memref<800x8xf32, #tpu.memory_space<vmem>>)
      %min3A_762 = arith.constant 249 : i32
      %min3A_763 = arith.minsi %add3A_751, %min3A_762 : i32
      %mul3A_764 = arith.constant 800 : i32
      %mul3A_765 = arith.muli %min3A_763, %mul3A_764 : i32
      %add3A_766 = arith.addi %mul3A_2, %mul3A_765 : i32
      %dma_wait3A_767 = tpu.memref_slice %arg5[%add3A_766] : memref<6400000xf32, #tpu.memory_space<hbm>> -> memref<800xf32, #tpu.memory_space<hbm>>
      %dma_wait3A_768 = tpu.memref_slice %arg42[%scan3A_162, %scan3A_163] : memref<3x4x!tpu.dma_semaphore, #tpu.memory_space<semaphore_mem>> -> memref<1x1x!tpu.dma_semaphore, #tpu.memory_space<semaphore_mem>>
      %dma_wait3A_769 = tpu.memref_squeeze %dma_wait3A_768 : memref<1x1x!tpu.dma_semaphore, #tpu.memory_space<semaphore_mem>> -> memref<!tpu.dma_semaphore, #tpu.memory_space<semaphore_mem>>
      %dma_wait3A_770 = tpu.memref_slice %arg5[%add3A_766] : memref<6400000xf32, #tpu.memory_space<hbm>> -> memref<800xf32, #tpu.memory_space<hbm>>
      tpu.wait_dma2 semaphore(%dma_wait3A_769 : memref<!tpu.dma_semaphore, #tpu.memory_space<semaphore_mem>>) src(%dma_wait3A_770 : memref<800xf32, #tpu.memory_space<hbm>>) dst(%arg36 : memref<800xf32, #tpu.memory_space<vmem>>)
      %dma_wait3A_771 = tpu.memref_slice %arg6[%add3A_766] : memref<6400000xf32, #tpu.memory_space<hbm>> -> memref<800xf32, #tpu.memory_space<hbm>>
      %dma_wait3A_772 = tpu.memref_slice %arg42[%scan3A_162, %scan3A_163] : memref<3x4x!tpu.dma_semaphore, #tpu.memory_space<semaphore_mem>> -> memref<1x1x!tpu.dma_semaphore, #tpu.memory_space<semaphore_mem>>
      %dma_wait3A_773 = tpu.memref_squeeze %dma_wait3A_772 : memref<1x1x!tpu.dma_semaphore, #tpu.memory_space<semaphore_mem>> -> memref<!tpu.dma_semaphore, #tpu.memory_space<semaphore_mem>>
      %dma_wait3A_774 = tpu.memref_slice %arg6[%add3A_766] : memref<6400000xf32, #tpu.memory_space<hbm>> -> memref<800xf32, #tpu.memory_space<hbm>>
      tpu.wait_dma2 semaphore(%dma_wait3A_773 : memref<!tpu.dma_semaphore, #tpu.memory_space<semaphore_mem>>) src(%dma_wait3A_774 : memref<800xf32, #tpu.memory_space<hbm>>) dst(%arg37 : memref<800xf32, #tpu.memory_space<vmem>>)
      %dma_wait3A_775 = tpu.memref_slice %arg7[%add3A_766] : memref<6400000xf32, #tpu.memory_space<hbm>> -> memref<800xf32, #tpu.memory_space<hbm>>
      %dma_wait3A_776 = tpu.memref_slice %arg42[%scan3A_162, %scan3A_163] : memref<3x4x!tpu.dma_semaphore, #tpu.memory_space<semaphore_mem>> -> memref<1x1x!tpu.dma_semaphore, #tpu.memory_space<semaphore_mem>>
      %dma_wait3A_777 = tpu.memref_squeeze %dma_wait3A_776 : memref<1x1x!tpu.dma_semaphore, #tpu.memory_space<semaphore_mem>> -> memref<!tpu.dma_semaphore, #tpu.memory_space<semaphore_mem>>
      %dma_wait3A_778 = tpu.memref_slice %arg7[%add3A_766] : memref<6400000xf32, #tpu.memory_space<hbm>> -> memref<800xf32, #tpu.memory_space<hbm>>
      tpu.wait_dma2 semaphore(%dma_wait3A_777 : memref<!tpu.dma_semaphore, #tpu.memory_space<semaphore_mem>>) src(%dma_wait3A_778 : memref<800xf32, #tpu.memory_space<hbm>>) dst(%arg38 : memref<800xf32, #tpu.memory_space<vmem>>)
      %gt3A_779 = arith.constant 0 : i32
      %gt3A_780 = arith.cmpi sgt, %scan3A_365, %gt3A_779 : i32
      %convert_element_type3A_781 = arith.extui %gt3A_780 : i1 to i32
      %cond3A_782 = arith.constant 0 : i32
      %cond3A_783 = arith.cmpi ne, %convert_element_type3A_781, %cond3A_782 : i32
      scf.if %cond3A_783 {
        %sub3A_908 = arith.constant 3 : i32
        %sub3A_909 = arith.subi %add3A_751, %sub3A_908 : i32
        %min3A_910 = arith.constant 249 : i32
        %min3A_911 = arith.minsi %sub3A_909, %min3A_910 : i32
        %mul3A_912 = arith.constant 800 : i32
        %mul3A_913 = arith.muli %min3A_911, %mul3A_912 : i32
        %add3A_914 = arith.addi %mul3A_2, %mul3A_913 : i32
        %dma_wait3A_915 = tpu.memref_slice %arg8[%add3A_914] : memref<6400000xf32, #tpu.memory_space<hbm>> -> memref<800xf32, #tpu.memory_space<hbm>>
        %dma_wait3A_916 = tpu.memref_slice %arg42[%scan3A_164, %scan3A_165] : memref<3x4x!tpu.dma_semaphore, #tpu.memory_space<semaphore_mem>> -> memref<1x1x!tpu.dma_semaphore, #tpu.memory_space<semaphore_mem>>
        %dma_wait3A_917 = tpu.memref_squeeze %dma_wait3A_916 : memref<1x1x!tpu.dma_semaphore, #tpu.memory_space<semaphore_mem>> -> memref<!tpu.dma_semaphore, #tpu.memory_space<semaphore_mem>>
        %dma_wait3A_918 = tpu.memref_slice %arg8[%add3A_914] : memref<6400000xf32, #tpu.memory_space<hbm>> -> memref<800xf32, #tpu.memory_space<hbm>>
        tpu.wait_dma2 semaphore(%dma_wait3A_917 : memref<!tpu.dma_semaphore, #tpu.memory_space<semaphore_mem>>) src(%arg39 : memref<800xf32, #tpu.memory_space<vmem>>) dst(%dma_wait3A_918 : memref<800xf32, #tpu.memory_space<hbm>>)
        %dma_wait3A_919 = tpu.memref_slice %arg9[%add3A_914] : memref<6400000xf32, #tpu.memory_space<hbm>> -> memref<800xf32, #tpu.memory_space<hbm>>
        %dma_wait3A_920 = tpu.memref_slice %arg42[%scan3A_164, %scan3A_165] : memref<3x4x!tpu.dma_semaphore, #tpu.memory_space<semaphore_mem>> -> memref<1x1x!tpu.dma_semaphore, #tpu.memory_space<semaphore_mem>>
        %dma_wait3A_921 = tpu.memref_squeeze %dma_wait3A_920 : memref<1x1x!tpu.dma_semaphore, #tpu.memory_space<semaphore_mem>> -> memref<!tpu.dma_semaphore, #tpu.memory_space<semaphore_mem>>
        %dma_wait3A_922 = tpu.memref_slice %arg9[%add3A_914] : memref<6400000xf32, #tpu.memory_space<hbm>> -> memref<800xf32, #tpu.memory_space<hbm>>
        tpu.wait_dma2 semaphore(%dma_wait3A_921 : memref<!tpu.dma_semaphore, #tpu.memory_space<semaphore_mem>>) src(%arg40 : memref<800xf32, #tpu.memory_space<vmem>>) dst(%dma_wait3A_922 : memref<800xf32, #tpu.memory_space<hbm>>)
        %dma_wait3A_923 = tpu.memref_slice %arg10[%add3A_914] : memref<6400000xf32, #tpu.memory_space<hbm>> -> memref<800xf32, #tpu.memory_space<hbm>>
        %dma_wait3A_924 = tpu.memref_slice %arg42[%scan3A_164, %scan3A_165] : memref<3x4x!tpu.dma_semaphore, #tpu.memory_space<semaphore_mem>> -> memref<1x1x!tpu.dma_semaphore, #tpu.memory_space<semaphore_mem>>
        %dma_wait3A_925 = tpu.memref_squeeze %dma_wait3A_924 : memref<1x1x!tpu.dma_semaphore, #tpu.memory_space<semaphore_mem>> -> memref<!tpu.dma_semaphore, #tpu.memory_space<semaphore_mem>>
        %dma_wait3A_926 = tpu.memref_slice %arg10[%add3A_914] : memref<6400000xf32, #tpu.memory_space<hbm>> -> memref<800xf32, #tpu.memory_space<hbm>>
        tpu.wait_dma2 semaphore(%dma_wait3A_925 : memref<!tpu.dma_semaphore, #tpu.memory_space<semaphore_mem>>) src(%arg41 : memref<800xf32, #tpu.memory_space<vmem>>) dst(%dma_wait3A_926 : memref<800xf32, #tpu.memory_space<hbm>>)
      } else {
      }
      %scan3A_784 = arith.constant 0 : i32
      %scan3A_785 = arith.constant 0 : i32
      %scan3A_786 = arith.constant 48 : i32
      %scan3A_787 = arith.addi %scan3A_785, %scan3A_786 : i32
      %scan3A_788 = arith.constant 4 : i32
      scf.for %scan3A_908 = %scan3A_785 to %scan3A_787 step %scan3A_788  : i32 {
        %mul3A_909 = arith.constant 16 : i32
        %mul3A_910 = arith.muli %scan3A_908, %mul3A_909 : i32
        %iota3A_911 = tpu.iota {dimensions = array<i32: 0>} : vector<16xi32>
        %add3A_912 = vector.broadcast %mul3A_910 : i32 to vector<16xi32>
        %add3A_913 = arith.addi %add3A_912, %iota3A_911 : vector<16xi32>
        %broadcast_in_dim3A_914 = arith.constant 0 : i32
        %broadcast_in_dim3A_915 = vector.broadcast %broadcast_in_dim3A_914 : i32 to vector<16xi32>
        %gather3A_916 = tpu.vector_load_idx %arg34[%add3A_913, %broadcast_in_dim3A_915] : memref<800x8xf32, #tpu.memory_space<vmem>>[vector<16xi32>, vector<16xi32>], vector<16xf32>,
        %gather3A_917 = tpu.vector_load_idx %arg35[%add3A_913, %broadcast_in_dim3A_915] : memref<800x8xf32, #tpu.memory_space<vmem>>[vector<16xi32>, vector<16xi32>], vector<16xf32>,
        %get3A_918 = arith.index_cast %mul3A_910 : i32 to index
        %get3A_919 = tpu.vector_load %arg36[%get3A_918] {strides = array<i32>} : memref<800xf32, #tpu.memory_space<vmem>>, vector<16xf32>,
        %add3A_920 = arith.addf %get3A_919, %gather3A_917 : vector<16xf32>
        %sub3A_921 = arith.subf %add3A_920, %gather3A_916 : vector<16xf32>
        %swap3A_922 = arith.index_cast %mul3A_910 : i32 to index
        %swap3A_923 = tpu.vector_load %arg39[%swap3A_922] {strides = array<i32>} : memref<800xf32, #tpu.memory_space<vmem>>, vector<16xf32>,
        tpu.vector_store %arg39[%swap3A_922], %sub3A_921 {strides = array<i32>} : memref<800xf32, #tpu.memory_space<vmem>>, vector<16xf32>,
        %broadcast_in_dim3A_924 = arith.constant 1 : i32
        %broadcast_in_dim3A_925 = vector.broadcast %broadcast_in_dim3A_924 : i32 to vector<16xi32>
        %gather3A_926 = tpu.vector_load_idx %arg34[%add3A_913, %broadcast_in_dim3A_925] : memref<800x8xf32, #tpu.memory_space<vmem>>[vector<16xi32>, vector<16xi32>], vector<16xf32>,
        %gather3A_927 = tpu.vector_load_idx %arg35[%add3A_913, %broadcast_in_dim3A_925] : memref<800x8xf32, #tpu.memory_space<vmem>>[vector<16xi32>, vector<16xi32>], vector<16xf32>,
        %get3A_928 = arith.index_cast %mul3A_910 : i32 to index
        %get3A_929 = tpu.vector_load %arg37[%get3A_928] {strides = array<i32>} : memref<800xf32, #tpu.memory_space<vmem>>, vector<16xf32>,
        %add3A_930 = arith.addf %get3A_929, %gather3A_927 : vector<16xf32>
        %sub3A_931 = arith.subf %add3A_930, %gather3A_926 : vector<16xf32>
        %swap3A_932 = arith.index_cast %mul3A_910 : i32 to index
        %swap3A_933 = tpu.vector_load %arg40[%swap3A_932] {strides = array<i32>} : memref<800xf32, #tpu.memory_space<vmem>>, vector<16xf32>,
        tpu.vector_store %arg40[%swap3A_932], %sub3A_931 {strides = array<i32>} : memref<800xf32, #tpu.memory_space<vmem>>, vector<16xf32>,
        %broadcast_in_dim3A_934 = arith.constant 2 : i32
        %broadcast_in_dim3A_935 = vector.broadcast %broadcast_in_dim3A_934 : i32 to vector<16xi32>
        %gather3A_936 = tpu.vector_load_idx %arg34[%add3A_913, %broadcast_in_dim3A_935] : memref<800x8xf32, #tpu.memory_space<vmem>>[vector<16xi32>, vector<16xi32>], vector<16xf32>,
        %gather3A_937 = tpu.vector_load_idx %arg35[%add3A_913, %broadcast_in_dim3A_935] : memref<800x8xf32, #tpu.memory_space<vmem>>[vector<16xi32>, vector<16xi32>], vector<16xf32>,
        %get3A_938 = arith.index_cast %mul3A_910 : i32 to index
        %get3A_939 = tpu.vector_load %arg38[%get3A_938] {strides = array<i32>} : memref<800xf32, #tpu.memory_space<vmem>>, vector<16xf32>,
        %add3A_940 = arith.addf %get3A_939, %gather3A_937 : vector<16xf32>
        %sub3A_941 = arith.subf %add3A_940, %gather3A_936 : vector<16xf32>
        %swap3A_942 = arith.index_cast %mul3A_910 : i32 to index
        %swap3A_943 = tpu.vector_load %arg41[%swap3A_942] {strides = array<i32>} : memref<800xf32, #tpu.memory_space<vmem>>, vector<16xf32>,
        tpu.vector_store %arg41[%swap3A_942], %sub3A_941 {strides = array<i32>} : memref<800xf32, #tpu.memory_space<vmem>>, vector<16xf32>,
        %scan3A_944 = arith.constant 1 : i32
        %scan3A_945 = arith.addi %scan3A_908, %scan3A_944 : i32
        %mul3A_946 = arith.constant 16 : i32
        %mul3A_947 = arith.muli %scan3A_945, %mul3A_946 : i32
        %iota3A_948 = tpu.iota {dimensions = array<i32: 0>} : vector<16xi32>
        %add3A_949 = vector.broadcast %mul3A_947 : i32 to vector<16xi32>
        %add3A_950 = arith.addi %add3A_949, %iota3A_948 : vector<16xi32>
        %broadcast_in_dim3A_951 = arith.constant 0 : i32
        %broadcast_in_dim3A_952 = vector.broadcast %broadcast_in_dim3A_951 : i32 to vector<16xi32>
        %gather3A_953 = tpu.vector_load_idx %arg34[%add3A_950, %broadcast_in_dim3A_952] : memref<800x8xf32, #tpu.memory_space<vmem>>[vector<16xi32>, vector<16xi32>], vector<16xf32>,
        %gather3A_954 = tpu.vector_load_idx %arg35[%add3A_950, %broadcast_in_dim3A_952] : memref<800x8xf32, #tpu.memory_space<vmem>>[vector<16xi32>, vector<16xi32>], vector<16xf32>,
        %get3A_955 = arith.index_cast %mul3A_947 : i32 to index
        %get3A_956 = tpu.vector_load %arg36[%get3A_955] {strides = array<i32>} : memref<800xf32, #tpu.memory_space<vmem>>, vector<16xf32>,
        %add3A_957 = arith.addf %get3A_956, %gather3A_954 : vector<16xf32>
        %sub3A_958 = arith.subf %add3A_957, %gather3A_953 : vector<16xf32>
        %swap3A_959 = arith.index_cast %mul3A_947 : i32 to index
        %swap3A_960 = tpu.vector_load %arg39[%swap3A_959] {strides = array<i32>} : memref<800xf32, #tpu.memory_space<vmem>>, vector<16xf32>,
        tpu.vector_store %arg39[%swap3A_959], %sub3A_958 {strides = array<i32>} : memref<800xf32, #tpu.memory_space<vmem>>, vector<16xf32>,
        %broadcast_in_dim3A_961 = arith.constant 1 : i32
        %broadcast_in_dim3A_962 = vector.broadcast %broadcast_in_dim3A_961 : i32 to vector<16xi32>
        %gather3A_963 = tpu.vector_load_idx %arg34[%add3A_950, %broadcast_in_dim3A_962] : memref<800x8xf32, #tpu.memory_space<vmem>>[vector<16xi32>, vector<16xi32>], vector<16xf32>,
        %gather3A_964 = tpu.vector_load_idx %arg35[%add3A_950, %broadcast_in_dim3A_962] : memref<800x8xf32, #tpu.memory_space<vmem>>[vector<16xi32>, vector<16xi32>], vector<16xf32>,
        %get3A_965 = arith.index_cast %mul3A_947 : i32 to index
        %get3A_966 = tpu.vector_load %arg37[%get3A_965] {strides = array<i32>} : memref<800xf32, #tpu.memory_space<vmem>>, vector<16xf32>,
        %add3A_967 = arith.addf %get3A_966, %gather3A_964 : vector<16xf32>
        %sub3A_968 = arith.subf %add3A_967, %gather3A_963 : vector<16xf32>
        %swap3A_969 = arith.index_cast %mul3A_947 : i32 to index
        %swap3A_970 = tpu.vector_load %arg40[%swap3A_969] {strides = array<i32>} : memref<800xf32, #tpu.memory_space<vmem>>, vector<16xf32>,
        tpu.vector_store %arg40[%swap3A_969], %sub3A_968 {strides = array<i32>} : memref<800xf32, #tpu.memory_space<vmem>>, vector<16xf32>,
        %broadcast_in_dim3A_971 = arith.constant 2 : i32
        %broadcast_in_dim3A_972 = vector.broadcast %broadcast_in_dim3A_971 : i32 to vector<16xi32>
        %gather3A_973 = tpu.vector_load_idx %arg34[%add3A_950, %broadcast_in_dim3A_972] : memref<800x8xf32, #tpu.memory_space<vmem>>[vector<16xi32>, vector<16xi32>], vector<16xf32>,
        %gather3A_974 = tpu.vector_load_idx %arg35[%add3A_950, %broadcast_in_dim3A_972] : memref<800x8xf32, #tpu.memory_space<vmem>>[vector<16xi32>, vector<16xi32>], vector<16xf32>,
        %get3A_975 = arith.index_cast %mul3A_947 : i32 to index
        %get3A_976 = tpu.vector_load %arg38[%get3A_975] {strides = array<i32>} : memref<800xf32, #tpu.memory_space<vmem>>, vector<16xf32>,
        %add3A_977 = arith.addf %get3A_976, %gather3A_974 : vector<16xf32>
        %sub3A_978 = arith.subf %add3A_977, %gather3A_973 : vector<16xf32>
        %swap3A_979 = arith.index_cast %mul3A_947 : i32 to index
        %swap3A_980 = tpu.vector_load %arg41[%swap3A_979] {strides = array<i32>} : memref<800xf32, #tpu.memory_space<vmem>>, vector<16xf32>,
        tpu.vector_store %arg41[%swap3A_979], %sub3A_978 {strides = array<i32>} : memref<800xf32, #tpu.memory_space<vmem>>, vector<16xf32>,
        %scan3A_981 = arith.constant 2 : i32
        %scan3A_982 = arith.addi %scan3A_908, %scan3A_981 : i32
        %mul3A_983 = arith.constant 16 : i32
        %mul3A_984 = arith.muli %scan3A_982, %mul3A_983 : i32
        %iota3A_985 = tpu.iota {dimensions = array<i32: 0>} : vector<16xi32>
        %add3A_986 = vector.broadcast %mul3A_984 : i32 to vector<16xi32>
        %add3A_987 = arith.addi %add3A_986, %iota3A_985 : vector<16xi32>
        %broadcast_in_dim3A_988 = arith.constant 0 : i32
        %broadcast_in_dim3A_989 = vector.broadcast %broadcast_in_dim3A_988 : i32 to vector<16xi32>
        %gather3A_990 = tpu.vector_load_idx %arg34[%add3A_987, %broadcast_in_dim3A_989] : memref<800x8xf32, #tpu.memory_space<vmem>>[vector<16xi32>, vector<16xi32>], vector<16xf32>,
        %gather3A_991 = tpu.vector_load_idx %arg35[%add3A_987, %broadcast_in_dim3A_989] : memref<800x8xf32, #tpu.memory_space<vmem>>[vector<16xi32>, vector<16xi32>], vector<16xf32>,
        %get3A_992 = arith.index_cast %mul3A_984 : i32 to index
        %get3A_993 = tpu.vector_load %arg36[%get3A_992] {strides = array<i32>} : memref<800xf32, #tpu.memory_space<vmem>>, vector<16xf32>,
        %add3A_994 = arith.addf %get3A_993, %gather3A_991 : vector<16xf32>
        %sub3A_995 = arith.subf %add3A_994, %gather3A_990 : vector<16xf32>
        %swap3A_996 = arith.index_cast %mul3A_984 : i32 to index
        %swap3A_997 = tpu.vector_load %arg39[%swap3A_996] {strides = array<i32>} : memref<800xf32, #tpu.memory_space<vmem>>, vector<16xf32>,
        tpu.vector_store %arg39[%swap3A_996], %sub3A_995 {strides = array<i32>} : memref<800xf32, #tpu.memory_space<vmem>>, vector<16xf32>,
        %broadcast_in_dim3A_998 = arith.constant 1 : i32
        %broadcast_in_dim3A_999 = vector.broadcast %broadcast_in_dim3A_998 : i32 to vector<16xi32>
        %gather3A_1000 = tpu.vector_load_idx %arg34[%add3A_987, %broadcast_in_dim3A_999] : memref<800x8xf32, #tpu.memory_space<vmem>>[vector<16xi32>, vector<16xi32>], vector<16xf32>,
        %gather3A_1001 = tpu.vector_load_idx %arg35[%add3A_987, %broadcast_in_dim3A_999] : memref<800x8xf32, #tpu.memory_space<vmem>>[vector<16xi32>, vector<16xi32>], vector<16xf32>,
        %get3A_1002 = arith.index_cast %mul3A_984 : i32 to index
        %get3A_1003 = tpu.vector_load %arg37[%get3A_1002] {strides = array<i32>} : memref<800xf32, #tpu.memory_space<vmem>>, vector<16xf32>,
        %add3A_1004 = arith.addf %get3A_1003, %gather3A_1001 : vector<16xf32>
        %sub3A_1005 = arith.subf %add3A_1004, %gather3A_1000 : vector<16xf32>
        %swap3A_1006 = arith.index_cast %mul3A_984 : i32 to index
        %swap3A_1007 = tpu.vector_load %arg40[%swap3A_1006] {strides = array<i32>} : memref<800xf32, #tpu.memory_space<vmem>>, vector<16xf32>,
        tpu.vector_store %arg40[%swap3A_1006], %sub3A_1005 {strides = array<i32>} : memref<800xf32, #tpu.memory_space<vmem>>, vector<16xf32>,
        %broadcast_in_dim3A_1008 = arith.constant 2 : i32
        %broadcast_in_dim3A_1009 = vector.broadcast %broadcast_in_dim3A_1008 : i32 to vector<16xi32>
        %gather3A_1010 = tpu.vector_load_idx %arg34[%add3A_987, %broadcast_in_dim3A_1009] : memref<800x8xf32, #tpu.memory_space<vmem>>[vector<16xi32>, vector<16xi32>], vector<16xf32>,
        %gather3A_1011 = tpu.vector_load_idx %arg35[%add3A_987, %broadcast_in_dim3A_1009] : memref<800x8xf32, #tpu.memory_space<vmem>>[vector<16xi32>, vector<16xi32>], vector<16xf32>,
        %get3A_1012 = arith.index_cast %mul3A_984 : i32 to index
        %get3A_1013 = tpu.vector_load %arg38[%get3A_1012] {strides = array<i32>} : memref<800xf32, #tpu.memory_space<vmem>>, vector<16xf32>,
        %add3A_1014 = arith.addf %get3A_1013, %gather3A_1011 : vector<16xf32>
        %sub3A_1015 = arith.subf %add3A_1014, %gather3A_1010 : vector<16xf32>
        %swap3A_1016 = arith.index_cast %mul3A_984 : i32 to index
        %swap3A_1017 = tpu.vector_load %arg41[%swap3A_1016] {strides = array<i32>} : memref<800xf32, #tpu.memory_space<vmem>>, vector<16xf32>,
        tpu.vector_store %arg41[%swap3A_1016], %sub3A_1015 {strides = array<i32>} : memref<800xf32, #tpu.memory_space<vmem>>, vector<16xf32>,
        %scan3A_1018 = arith.constant 3 : i32
        %scan3A_1019 = arith.addi %scan3A_908, %scan3A_1018 : i32
        %mul3A_1020 = arith.constant 16 : i32
        %mul3A_1021 = arith.muli %scan3A_1019, %mul3A_1020 : i32
        %iota3A_1022 = tpu.iota {dimensions = array<i32: 0>} : vector<16xi32>
        %add3A_1023 = vector.broadcast %mul3A_1021 : i32 to vector<16xi32>
        %add3A_1024 = arith.addi %add3A_1023, %iota3A_1022 : vector<16xi32>
        %broadcast_in_dim3A_1025 = arith.constant 0 : i32
        %broadcast_in_dim3A_1026 = vector.broadcast %broadcast_in_dim3A_1025 : i32 to vector<16xi32>
        %gather3A_1027 = tpu.vector_load_idx %arg34[%add3A_1024, %broadcast_in_dim3A_1026] : memref<800x8xf32, #tpu.memory_space<vmem>>[vector<16xi32>, vector<16xi32>], vector<16xf32>,
        %gather3A_1028 = tpu.vector_load_idx %arg35[%add3A_1024, %broadcast_in_dim3A_1026] : memref<800x8xf32, #tpu.memory_space<vmem>>[vector<16xi32>, vector<16xi32>], vector<16xf32>,
        %get3A_1029 = arith.index_cast %mul3A_1021 : i32 to index
        %get3A_1030 = tpu.vector_load %arg36[%get3A_1029] {strides = array<i32>} : memref<800xf32, #tpu.memory_space<vmem>>, vector<16xf32>,
        %add3A_1031 = arith.addf %get3A_1030, %gather3A_1028 : vector<16xf32>
        %sub3A_1032 = arith.subf %add3A_1031, %gather3A_1027 : vector<16xf32>
        %swap3A_1033 = arith.index_cast %mul3A_1021 : i32 to index
        %swap3A_1034 = tpu.vector_load %arg39[%swap3A_1033] {strides = array<i32>} : memref<800xf32, #tpu.memory_space<vmem>>, vector<16xf32>,
        tpu.vector_store %arg39[%swap3A_1033], %sub3A_1032 {strides = array<i32>} : memref<800xf32, #tpu.memory_space<vmem>>, vector<16xf32>,
        %broadcast_in_dim3A_1035 = arith.constant 1 : i32
        %broadcast_in_dim3A_1036 = vector.broadcast %broadcast_in_dim3A_1035 : i32 to vector<16xi32>
        %gather3A_1037 = tpu.vector_load_idx %arg34[%add3A_1024, %broadcast_in_dim3A_1036] : memref<800x8xf32, #tpu.memory_space<vmem>>[vector<16xi32>, vector<16xi32>], vector<16xf32>,
        %gather3A_1038 = tpu.vector_load_idx %arg35[%add3A_1024, %broadcast_in_dim3A_1036] : memref<800x8xf32, #tpu.memory_space<vmem>>[vector<16xi32>, vector<16xi32>], vector<16xf32>,
        %get3A_1039 = arith.index_cast %mul3A_1021 : i32 to index
        %get3A_1040 = tpu.vector_load %arg37[%get3A_1039] {strides = array<i32>} : memref<800xf32, #tpu.memory_space<vmem>>, vector<16xf32>,
        %add3A_1041 = arith.addf %get3A_1040, %gather3A_1038 : vector<16xf32>
        %sub3A_1042 = arith.subf %add3A_1041, %gather3A_1037 : vector<16xf32>
        %swap3A_1043 = arith.index_cast %mul3A_1021 : i32 to index
        %swap3A_1044 = tpu.vector_load %arg40[%swap3A_1043] {strides = array<i32>} : memref<800xf32, #tpu.memory_space<vmem>>, vector<16xf32>,
        tpu.vector_store %arg40[%swap3A_1043], %sub3A_1042 {strides = array<i32>} : memref<800xf32, #tpu.memory_space<vmem>>, vector<16xf32>,
        %broadcast_in_dim3A_1045 = arith.constant 2 : i32
        %broadcast_in_dim3A_1046 = vector.broadcast %broadcast_in_dim3A_1045 : i32 to vector<16xi32>
        %gather3A_1047 = tpu.vector_load_idx %arg34[%add3A_1024, %broadcast_in_dim3A_1046] : memref<800x8xf32, #tpu.memory_space<vmem>>[vector<16xi32>, vector<16xi32>], vector<16xf32>,
        %gather3A_1048 = tpu.vector_load_idx %arg35[%add3A_1024, %broadcast_in_dim3A_1046] : memref<800x8xf32, #tpu.memory_space<vmem>>[vector<16xi32>, vector<16xi32>], vector<16xf32>,
        %get3A_1049 = arith.index_cast %mul3A_1021 : i32 to index
        %get3A_1050 = tpu.vector_load %arg38[%get3A_1049] {strides = array<i32>} : memref<800xf32, #tpu.memory_space<vmem>>, vector<16xf32>,
        %add3A_1051 = arith.addf %get3A_1050, %gather3A_1048 : vector<16xf32>
        %sub3A_1052 = arith.subf %add3A_1051, %gather3A_1047 : vector<16xf32>
        %swap3A_1053 = arith.index_cast %mul3A_1021 : i32 to index
        %swap3A_1054 = tpu.vector_load %arg41[%swap3A_1053] {strides = array<i32>} : memref<800xf32, #tpu.memory_space<vmem>>, vector<16xf32>,
        tpu.vector_store %arg41[%swap3A_1053], %sub3A_1052 {strides = array<i32>} : memref<800xf32, #tpu.memory_space<vmem>>, vector<16xf32>,
      }
      %scan3A_789 = arith.constant 48 : i32
      %scan3A_790 = arith.addi %scan3A_785, %scan3A_789 : i32
      %mul3A_791 = arith.constant 16 : i32
      %mul3A_792 = arith.muli %scan3A_790, %mul3A_791 : i32
      %iota3A_793 = tpu.iota {dimensions = array<i32: 0>} : vector<16xi32>
      %add3A_794 = vector.broadcast %mul3A_792 : i32 to vector<16xi32>
      %add3A_795 = arith.addi %add3A_794, %iota3A_793 : vector<16xi32>
      %broadcast_in_dim3A_796 = arith.constant 0 : i32
      %broadcast_in_dim3A_797 = vector.broadcast %broadcast_in_dim3A_796 : i32 to vector<16xi32>
      %gather3A_798 = tpu.vector_load_idx %arg34[%add3A_795, %broadcast_in_dim3A_797] : memref<800x8xf32, #tpu.memory_space<vmem>>[vector<16xi32>, vector<16xi32>], vector<16xf32>,
      %gather3A_799 = tpu.vector_load_idx %arg35[%add3A_795, %broadcast_in_dim3A_797] : memref<800x8xf32, #tpu.memory_space<vmem>>[vector<16xi32>, vector<16xi32>], vector<16xf32>,
      %get3A_800 = arith.index_cast %mul3A_792 : i32 to index
      %get3A_801 = tpu.vector_load %arg36[%get3A_800] {strides = array<i32>} : memref<800xf32, #tpu.memory_space<vmem>>, vector<16xf32>,
      %add3A_802 = arith.addf %get3A_801, %gather3A_799 : vector<16xf32>
      %sub3A_803 = arith.subf %add3A_802, %gather3A_798 : vector<16xf32>
      %swap3A_804 = arith.index_cast %mul3A_792 : i32 to index
      %swap3A_805 = tpu.vector_load %arg39[%swap3A_804] {strides = array<i32>} : memref<800xf32, #tpu.memory_space<vmem>>, vector<16xf32>,
      tpu.vector_store %arg39[%swap3A_804], %sub3A_803 {strides = array<i32>} : memref<800xf32, #tpu.memory_space<vmem>>, vector<16xf32>,
      %broadcast_in_dim3A_806 = arith.constant 1 : i32
      %broadcast_in_dim3A_807 = vector.broadcast %broadcast_in_dim3A_806 : i32 to vector<16xi32>
      %gather3A_808 = tpu.vector_load_idx %arg34[%add3A_795, %broadcast_in_dim3A_807] : memref<800x8xf32, #tpu.memory_space<vmem>>[vector<16xi32>, vector<16xi32>], vector<16xf32>,
      %gather3A_809 = tpu.vector_load_idx %arg35[%add3A_795, %broadcast_in_dim3A_807] : memref<800x8xf32, #tpu.memory_space<vmem>>[vector<16xi32>, vector<16xi32>], vector<16xf32>,
      %get3A_810 = arith.index_cast %mul3A_792 : i32 to index
      %get3A_811 = tpu.vector_load %arg37[%get3A_810] {strides = array<i32>} : memref<800xf32, #tpu.memory_space<vmem>>, vector<16xf32>,
      %add3A_812 = arith.addf %get3A_811, %gather3A_809 : vector<16xf32>
      %sub3A_813 = arith.subf %add3A_812, %gather3A_808 : vector<16xf32>
      %swap3A_814 = arith.index_cast %mul3A_792 : i32 to index
      %swap3A_815 = tpu.vector_load %arg40[%swap3A_814] {strides = array<i32>} : memref<800xf32, #tpu.memory_space<vmem>>, vector<16xf32>,
      tpu.vector_store %arg40[%swap3A_814], %sub3A_813 {strides = array<i32>} : memref<800xf32, #tpu.memory_space<vmem>>, vector<16xf32>,
      %broadcast_in_dim3A_816 = arith.constant 2 : i32
      %broadcast_in_dim3A_817 = vector.broadcast %broadcast_in_dim3A_816 : i32 to vector<16xi32>
      %gather3A_818 = tpu.vector_load_idx %arg34[%add3A_795, %broadcast_in_dim3A_817] : memref<800x8xf32, #tpu.memory_space<vmem>>[vector<16xi32>, vector<16xi32>], vector<16xf32>,
      %gather3A_819 = tpu.vector_load_idx %arg35[%add3A_795, %broadcast_in_dim3A_817] : memref<800x8xf32, #tpu.memory_space<vmem>>[vector<16xi32>, vector<16xi32>], vector<16xf32>,
      %get3A_820 = arith.index_cast %mul3A_792 : i32 to index
      %get3A_821 = tpu.vector_load %arg38[%get3A_820] {strides = array<i32>} : memref<800xf32, #tpu.memory_space<vmem>>, vector<16xf32>,
      %add3A_822 = arith.addf %get3A_821, %gather3A_819 : vector<16xf32>
      %sub3A_823 = arith.subf %add3A_822, %gather3A_818 : vector<16xf32>
      %swap3A_824 = arith.index_cast %mul3A_792 : i32 to index
      %swap3A_825 = tpu.vector_load %arg41[%swap3A_824] {strides = array<i32>} : memref<800xf32, #tpu.memory_space<vmem>>, vector<16xf32>,
      tpu.vector_store %arg41[%swap3A_824], %sub3A_823 {strides = array<i32>} : memref<800xf32, #tpu.memory_space<vmem>>, vector<16xf32>,
      %scan3A_826 = arith.constant 49 : i32
      %scan3A_827 = arith.addi %scan3A_785, %scan3A_826 : i32
      %mul3A_828 = arith.constant 16 : i32
      %mul3A_829 = arith.muli %scan3A_827, %mul3A_828 : i32
      %iota3A_830 = tpu.iota {dimensions = array<i32: 0>} : vector<16xi32>
      %add3A_831 = vector.broadcast %mul3A_829 : i32 to vector<16xi32>
      %add3A_832 = arith.addi %add3A_831, %iota3A_830 : vector<16xi32>
      %broadcast_in_dim3A_833 = arith.constant 0 : i32
      %broadcast_in_dim3A_834 = vector.broadcast %broadcast_in_dim3A_833 : i32 to vector<16xi32>
      %gather3A_835 = tpu.vector_load_idx %arg34[%add3A_832, %broadcast_in_dim3A_834] : memref<800x8xf32, #tpu.memory_space<vmem>>[vector<16xi32>, vector<16xi32>], vector<16xf32>,
      %gather3A_836 = tpu.vector_load_idx %arg35[%add3A_832, %broadcast_in_dim3A_834] : memref<800x8xf32, #tpu.memory_space<vmem>>[vector<16xi32>, vector<16xi32>], vector<16xf32>,
      %get3A_837 = arith.index_cast %mul3A_829 : i32 to index
      %get3A_838 = tpu.vector_load %arg36[%get3A_837] {strides = array<i32>} : memref<800xf32, #tpu.memory_space<vmem>>, vector<16xf32>,
      %add3A_839 = arith.addf %get3A_838, %gather3A_836 : vector<16xf32>
      %sub3A_840 = arith.subf %add3A_839, %gather3A_835 : vector<16xf32>
      %swap3A_841 = arith.index_cast %mul3A_829 : i32 to index
      %swap3A_842 = tpu.vector_load %arg39[%swap3A_841] {strides = array<i32>} : memref<800xf32, #tpu.memory_space<vmem>>, vector<16xf32>,
      tpu.vector_store %arg39[%swap3A_841], %sub3A_840 {strides = array<i32>} : memref<800xf32, #tpu.memory_space<vmem>>, vector<16xf32>,
      %broadcast_in_dim3A_843 = arith.constant 1 : i32
      %broadcast_in_dim3A_844 = vector.broadcast %broadcast_in_dim3A_843 : i32 to vector<16xi32>
      %gather3A_845 = tpu.vector_load_idx %arg34[%add3A_832, %broadcast_in_dim3A_844] : memref<800x8xf32, #tpu.memory_space<vmem>>[vector<16xi32>, vector<16xi32>], vector<16xf32>,
      %gather3A_846 = tpu.vector_load_idx %arg35[%add3A_832, %broadcast_in_dim3A_844] : memref<800x8xf32, #tpu.memory_space<vmem>>[vector<16xi32>, vector<16xi32>], vector<16xf32>,
      %get3A_847 = arith.index_cast %mul3A_829 : i32 to index
      %get3A_848 = tpu.vector_load %arg37[%get3A_847] {strides = array<i32>} : memref<800xf32, #tpu.memory_space<vmem>>, vector<16xf32>,
      %add3A_849 = arith.addf %get3A_848, %gather3A_846 : vector<16xf32>
      %sub3A_850 = arith.subf %add3A_849, %gather3A_845 : vector<16xf32>
      %swap3A_851 = arith.index_cast %mul3A_829 : i32 to index
      %swap3A_852 = tpu.vector_load %arg40[%swap3A_851] {strides = array<i32>} : memref<800xf32, #tpu.memory_space<vmem>>, vector<16xf32>,
      tpu.vector_store %arg40[%swap3A_851], %sub3A_850 {strides = array<i32>} : memref<800xf32, #tpu.memory_space<vmem>>, vector<16xf32>,
      %broadcast_in_dim3A_853 = arith.constant 2 : i32
      %broadcast_in_dim3A_854 = vector.broadcast %broadcast_in_dim3A_853 : i32 to vector<16xi32>
      %gather3A_855 = tpu.vector_load_idx %arg34[%add3A_832, %broadcast_in_dim3A_854] : memref<800x8xf32, #tpu.memory_space<vmem>>[vector<16xi32>, vector<16xi32>], vector<16xf32>,
      %gather3A_856 = tpu.vector_load_idx %arg35[%add3A_832, %broadcast_in_dim3A_854] : memref<800x8xf32, #tpu.memory_space<vmem>>[vector<16xi32>, vector<16xi32>], vector<16xf32>,
      %get3A_857 = arith.index_cast %mul3A_829 : i32 to index
      %get3A_858 = tpu.vector_load %arg38[%get3A_857] {strides = array<i32>} : memref<800xf32, #tpu.memory_space<vmem>>, vector<16xf32>,
      %add3A_859 = arith.addf %get3A_858, %gather3A_856 : vector<16xf32>
      %sub3A_860 = arith.subf %add3A_859, %gather3A_855 : vector<16xf32>
      %swap3A_861 = arith.index_cast %mul3A_829 : i32 to index
      %swap3A_862 = tpu.vector_load %arg41[%swap3A_861] {strides = array<i32>} : memref<800xf32, #tpu.memory_space<vmem>>, vector<16xf32>,
      tpu.vector_store %arg41[%swap3A_861], %sub3A_860 {strides = array<i32>} : memref<800xf32, #tpu.memory_space<vmem>>, vector<16xf32>,
      %scan3A_863 = arith.constant 50 : i32
      %min3A_864 = arith.constant 249 : i32
      %min3A_865 = arith.minsi %add3A_751, %min3A_864 : i32
      %mul3A_866 = arith.constant 800 : i32
      %mul3A_867 = arith.muli %min3A_865, %mul3A_866 : i32
      %add3A_868 = arith.addi %mul3A_2, %mul3A_867 : i32
      %dma_start3A_869 = tpu.memref_slice %arg8[%add3A_868] : memref<6400000xf32, #tpu.memory_space<hbm>> -> memref<800xf32, #tpu.memory_space<hbm>>
      %dma_start3A_870 = tpu.memref_slice %arg42[%scan3A_164, %scan3A_165] : memref<3x4x!tpu.dma_semaphore, #tpu.memory_space<semaphore_mem>> -> memref<1x1x!tpu.dma_semaphore, #tpu.memory_space<semaphore_mem>>
      %dma_start3A_871 = tpu.memref_squeeze %dma_start3A_870 : memref<1x1x!tpu.dma_semaphore, #tpu.memory_space<semaphore_mem>> -> memref<!tpu.dma_semaphore, #tpu.memory_space<semaphore_mem>>
      %dma_start3A_872 = tpu.memref_slice %arg8[%add3A_868] : memref<6400000xf32, #tpu.memory_space<hbm>> -> memref<800xf32, #tpu.memory_space<hbm>>
      tpu.enqueue_dma source(%arg39 : memref<800xf32, #tpu.memory_space<vmem>>) target(%dma_start3A_872 : memref<800xf32, #tpu.memory_space<hbm>>) target_semaphore(%dma_start3A_871 : memref<!tpu.dma_semaphore, #tpu.memory_space<semaphore_mem>>)
      %dma_start3A_873 = tpu.memref_slice %arg9[%add3A_868] : memref<6400000xf32, #tpu.memory_space<hbm>> -> memref<800xf32, #tpu.memory_space<hbm>>
      %dma_start3A_874 = tpu.memref_slice %arg42[%scan3A_164, %scan3A_165] : memref<3x4x!tpu.dma_semaphore, #tpu.memory_space<semaphore_mem>> -> memref<1x1x!tpu.dma_semaphore, #tpu.memory_space<semaphore_mem>>
      %dma_start3A_875 = tpu.memref_squeeze %dma_start3A_874 : memref<1x1x!tpu.dma_semaphore, #tpu.memory_space<semaphore_mem>> -> memref<!tpu.dma_semaphore, #tpu.memory_space<semaphore_mem>>
      %dma_start3A_876 = tpu.memref_slice %arg9[%add3A_868] : memref<6400000xf32, #tpu.memory_space<hbm>> -> memref<800xf32, #tpu.memory_space<hbm>>
      tpu.enqueue_dma source(%arg40 : memref<800xf32, #tpu.memory_space<vmem>>) target(%dma_start3A_876 : memref<800xf32, #tpu.memory_space<hbm>>) target_semaphore(%dma_start3A_875 : memref<!tpu.dma_semaphore, #tpu.memory_space<semaphore_mem>>)
      %dma_start3A_877 = tpu.memref_slice %arg10[%add3A_868] : memref<6400000xf32, #tpu.memory_space<hbm>> -> memref<800xf32, #tpu.memory_space<hbm>>
      %dma_start3A_878 = tpu.memref_slice %arg42[%scan3A_164, %scan3A_165] : memref<3x4x!tpu.dma_semaphore, #tpu.memory_space<semaphore_mem>> -> memref<1x1x!tpu.dma_semaphore, #tpu.memory_space<semaphore_mem>>
      %dma_start3A_879 = tpu.memref_squeeze %dma_start3A_878 : memref<1x1x!tpu.dma_semaphore, #tpu.memory_space<semaphore_mem>> -> memref<!tpu.dma_semaphore, #tpu.memory_space<semaphore_mem>>
      %dma_start3A_880 = tpu.memref_slice %arg10[%add3A_868] : memref<6400000xf32, #tpu.memory_space<hbm>> -> memref<800xf32, #tpu.memory_space<hbm>>
      tpu.enqueue_dma source(%arg41 : memref<800xf32, #tpu.memory_space<vmem>>) target(%dma_start3A_880 : memref<800xf32, #tpu.memory_space<hbm>>) target_semaphore(%dma_start3A_879 : memref<!tpu.dma_semaphore, #tpu.memory_space<semaphore_mem>>)
      %add3A_881 = arith.constant 3 : i32
      %add3A_882 = arith.addi %add3A_751, %add3A_881 : i32
      %min3A_883 = arith.constant 249 : i32
      %min3A_884 = arith.minsi %add3A_882, %min3A_883 : i32
      %mul3A_885 = arith.constant 800 : i32
      %mul3A_886 = arith.muli %min3A_884, %mul3A_885 : i32
      %add3A_887 = arith.addi %mul3A_2, %mul3A_886 : i32
      %dma_start3A_888 = tpu.memref_slice %arg3[%add3A_887] : memref<6400000xi32, #tpu.memory_space<hbm>> -> memref<800xi32, #tpu.memory_space<hbm>>
      %dma_start3A_889 = tpu.memref_slice %arg42[%scan3A_154, %scan3A_155] : memref<3x4x!tpu.dma_semaphore, #tpu.memory_space<semaphore_mem>> -> memref<1x1x!tpu.dma_semaphore, #tpu.memory_space<semaphore_mem>>
      %dma_start3A_890 = tpu.memref_squeeze %dma_start3A_889 : memref<1x1x!tpu.dma_semaphore, #tpu.memory_space<semaphore_mem>> -> memref<!tpu.dma_semaphore, #tpu.memory_space<semaphore_mem>>
      %dma_start3A_891 = tpu.memref_slice %arg3[%add3A_887] : memref<6400000xi32, #tpu.memory_space<hbm>> -> memref<800xi32, #tpu.memory_space<hbm>>
      tpu.enqueue_dma source(%dma_start3A_891 : memref<800xi32, #tpu.memory_space<hbm>>) target(%arg32 : memref<800xi32, #tpu.memory_space<vmem>>) target_semaphore(%dma_start3A_890 : memref<!tpu.dma_semaphore, #tpu.memory_space<semaphore_mem>>)
      %dma_start3A_892 = tpu.memref_slice %arg4[%add3A_887] : memref<6400000xi32, #tpu.memory_space<hbm>> -> memref<800xi32, #tpu.memory_space<hbm>>
      %dma_start3A_893 = tpu.memref_slice %arg42[%scan3A_154, %scan3A_155] : memref<3x4x!tpu.dma_semaphore, #tpu.memory_space<semaphore_mem>> -> memref<1x1x!tpu.dma_semaphore, #tpu.memory_space<semaphore_mem>>
      %dma_start3A_894 = tpu.memref_squeeze %dma_start3A_893 : memref<1x1x!tpu.dma_semaphore, #tpu.memory_space<semaphore_mem>> -> memref<!tpu.dma_semaphore, #tpu.memory_space<semaphore_mem>>
      %dma_start3A_895 = tpu.memref_slice %arg4[%add3A_887] : memref<6400000xi32, #tpu.memory_space<hbm>> -> memref<800xi32, #tpu.memory_space<hbm>>
      tpu.enqueue_dma source(%dma_start3A_895 : memref<800xi32, #tpu.memory_space<hbm>>) target(%arg33 : memref<800xi32, #tpu.memory_space<vmem>>) target_semaphore(%dma_start3A_894 : memref<!tpu.dma_semaphore, #tpu.memory_space<semaphore_mem>>)
      %dma_start3A_896 = tpu.memref_slice %arg5[%add3A_887] : memref<6400000xf32, #tpu.memory_space<hbm>> -> memref<800xf32, #tpu.memory_space<hbm>>
      %dma_start3A_897 = tpu.memref_slice %arg42[%scan3A_162, %scan3A_163] : memref<3x4x!tpu.dma_semaphore, #tpu.memory_space<semaphore_mem>> -> memref<1x1x!tpu.dma_semaphore, #tpu.memory_space<semaphore_mem>>
      %dma_start3A_898 = tpu.memref_squeeze %dma_start3A_897 : memref<1x1x!tpu.dma_semaphore, #tpu.memory_space<semaphore_mem>> -> memref<!tpu.dma_semaphore, #tpu.memory_space<semaphore_mem>>
      %dma_start3A_899 = tpu.memref_slice %arg5[%add3A_887] : memref<6400000xf32, #tpu.memory_space<hbm>> -> memref<800xf32, #tpu.memory_space<hbm>>
      tpu.enqueue_dma source(%dma_start3A_899 : memref<800xf32, #tpu.memory_space<hbm>>) target(%arg36 : memref<800xf32, #tpu.memory_space<vmem>>) target_semaphore(%dma_start3A_898 : memref<!tpu.dma_semaphore, #tpu.memory_space<semaphore_mem>>)
      %dma_start3A_900 = tpu.memref_slice %arg6[%add3A_887] : memref<6400000xf32, #tpu.memory_space<hbm>> -> memref<800xf32, #tpu.memory_space<hbm>>
      %dma_start3A_901 = tpu.memref_slice %arg42[%scan3A_162, %scan3A_163] : memref<3x4x!tpu.dma_semaphore, #tpu.memory_space<semaphore_mem>> -> memref<1x1x!tpu.dma_semaphore, #tpu.memory_space<semaphore_mem>>
      %dma_start3A_902 = tpu.memref_squeeze %dma_start3A_901 : memref<1x1x!tpu.dma_semaphore, #tpu.memory_space<semaphore_mem>> -> memref<!tpu.dma_semaphore, #tpu.memory_space<semaphore_mem>>
      %dma_start3A_903 = tpu.memref_slice %arg6[%add3A_887] : memref<6400000xf32, #tpu.memory_space<hbm>> -> memref<800xf32, #tpu.memory_space<hbm>>
      tpu.enqueue_dma source(%dma_start3A_903 : memref<800xf32, #tpu.memory_space<hbm>>) target(%arg37 : memref<800xf32, #tpu.memory_space<vmem>>) target_semaphore(%dma_start3A_902 : memref<!tpu.dma_semaphore, #tpu.memory_space<semaphore_mem>>)
      %dma_start3A_904 = tpu.memref_slice %arg7[%add3A_887] : memref<6400000xf32, #tpu.memory_space<hbm>> -> memref<800xf32, #tpu.memory_space<hbm>>
      %dma_start3A_905 = tpu.memref_slice %arg42[%scan3A_162, %scan3A_163] : memref<3x4x!tpu.dma_semaphore, #tpu.memory_space<semaphore_mem>> -> memref<1x1x!tpu.dma_semaphore, #tpu.memory_space<semaphore_mem>>
      %dma_start3A_906 = tpu.memref_squeeze %dma_start3A_905 : memref<1x1x!tpu.dma_semaphore, #tpu.memory_space<semaphore_mem>> -> memref<!tpu.dma_semaphore, #tpu.memory_space<semaphore_mem>>
      %dma_start3A_907 = tpu.memref_slice %arg7[%add3A_887] : memref<6400000xf32, #tpu.memory_space<hbm>> -> memref<800xf32, #tpu.memory_space<hbm>>
      tpu.enqueue_dma source(%dma_start3A_907 : memref<800xf32, #tpu.memory_space<hbm>>) target(%arg38 : memref<800xf32, #tpu.memory_space<vmem>>) target_semaphore(%dma_start3A_906 : memref<!tpu.dma_semaphore, #tpu.memory_space<semaphore_mem>>)
    }
    %scan3A_170 = arith.constant 84 : i32
    %dma_wait3A_171 = arith.constant 0 : i32
    %dma_wait3A_172 = arith.constant 2 : i32
    %dma_wait3A_173 = arith.constant 0 : i32
    %dma_wait3A_174 = arith.constant 0 : i32
    %dma_wait3A_175 = tpu.memref_slice %arg11[%dma_wait3A_173, %dma_wait3A_174] : memref<100000x8xf32, #tpu.memory_space<vmem_shared>> -> memref<100000x8xf32, #tpu.memory_space<vmem_shared>>
    %dma_wait3A_176 = tpu.memref_slice %arg42[%dma_wait3A_171, %dma_wait3A_172] : memref<3x4x!tpu.dma_semaphore, #tpu.memory_space<semaphore_mem>> -> memref<1x1x!tpu.dma_semaphore, #tpu.memory_space<semaphore_mem>>
    %dma_wait3A_177 = tpu.memref_squeeze %dma_wait3A_176 : memref<1x1x!tpu.dma_semaphore, #tpu.memory_space<semaphore_mem>> -> memref<!tpu.dma_semaphore, #tpu.memory_space<semaphore_mem>>
    tpu.wait_indirect_dma semaphore(%dma_wait3A_177 : memref<!tpu.dma_semaphore, #tpu.memory_space<semaphore_mem>>) src(%dma_wait3A_175 : memref<100000x8xf32, #tpu.memory_space<vmem_shared>>) dst(%arg14 : memref<800x8xf32, #tpu.memory_space<vmem>>)
    %dma_wait3A_178 = arith.constant 0 : i32
    %dma_wait3A_179 = arith.constant 2 : i32
    %dma_wait3A_180 = arith.constant 0 : i32
    %dma_wait3A_181 = arith.constant 0 : i32
    %dma_wait3A_182 = tpu.memref_slice %arg11[%dma_wait3A_180, %dma_wait3A_181] : memref<100000x8xf32, #tpu.memory_space<vmem_shared>> -> memref<100000x8xf32, #tpu.memory_space<vmem_shared>>
    %dma_wait3A_183 = tpu.memref_slice %arg42[%dma_wait3A_178, %dma_wait3A_179] : memref<3x4x!tpu.dma_semaphore, #tpu.memory_space<semaphore_mem>> -> memref<1x1x!tpu.dma_semaphore, #tpu.memory_space<semaphore_mem>>
    %dma_wait3A_184 = tpu.memref_squeeze %dma_wait3A_183 : memref<1x1x!tpu.dma_semaphore, #tpu.memory_space<semaphore_mem>> -> memref<!tpu.dma_semaphore, #tpu.memory_space<semaphore_mem>>
    tpu.wait_indirect_dma semaphore(%dma_wait3A_184 : memref<!tpu.dma_semaphore, #tpu.memory_space<semaphore_mem>>) src(%dma_wait3A_182 : memref<100000x8xf32, #tpu.memory_space<vmem_shared>>) dst(%arg15 : memref<800x8xf32, #tpu.memory_space<vmem>>)
    %min3A_185 = arith.constant 252 : i32
    %min3A_186 = arith.constant 249 : i32
    %min3A_187 = arith.minsi %min3A_185, %min3A_186 : i32
    %mul3A_188 = arith.constant 800 : i32
    %mul3A_189 = arith.muli %min3A_187, %mul3A_188 : i32
    %add3A_190 = arith.addi %mul3A_2, %mul3A_189 : i32
    %dma_wait3A_191 = arith.constant 0 : i32
    %dma_wait3A_192 = arith.constant 1 : i32
    %dma_wait3A_193 = tpu.memref_slice %arg5[%add3A_190] : memref<6400000xf32, #tpu.memory_space<hbm>> -> memref<800xf32, #tpu.memory_space<hbm>>
    %dma_wait3A_194 = tpu.memref_slice %arg42[%dma_wait3A_191, %dma_wait3A_192] : memref<3x4x!tpu.dma_semaphore, #tpu.memory_space<semaphore_mem>> -> memref<1x1x!tpu.dma_semaphore, #tpu.memory_space<semaphore_mem>>
    %dma_wait3A_195 = tpu.memref_squeeze %dma_wait3A_194 : memref<1x1x!tpu.dma_semaphore, #tpu.memory_space<semaphore_mem>> -> memref<!tpu.dma_semaphore, #tpu.memory_space<semaphore_mem>>
    %dma_wait3A_196 = tpu.memref_slice %arg5[%add3A_190] : memref<6400000xf32, #tpu.memory_space<hbm>> -> memref<800xf32, #tpu.memory_space<hbm>>
    tpu.wait_dma2 semaphore(%dma_wait3A_195 : memref<!tpu.dma_semaphore, #tpu.memory_space<semaphore_mem>>) src(%dma_wait3A_196 : memref<800xf32, #tpu.memory_space<hbm>>) dst(%arg16 : memref<800xf32, #tpu.memory_space<vmem>>)
    %dma_wait3A_197 = arith.constant 0 : i32
    %dma_wait3A_198 = arith.constant 1 : i32
    %dma_wait3A_199 = tpu.memref_slice %arg6[%add3A_190] : memref<6400000xf32, #tpu.memory_space<hbm>> -> memref<800xf32, #tpu.memory_space<hbm>>
    %dma_wait3A_200 = tpu.memref_slice %arg42[%dma_wait3A_197, %dma_wait3A_198] : memref<3x4x!tpu.dma_semaphore, #tpu.memory_space<semaphore_mem>> -> memref<1x1x!tpu.dma_semaphore, #tpu.memory_space<semaphore_mem>>
    %dma_wait3A_201 = tpu.memref_squeeze %dma_wait3A_200 : memref<1x1x!tpu.dma_semaphore, #tpu.memory_space<semaphore_mem>> -> memref<!tpu.dma_semaphore, #tpu.memory_space<semaphore_mem>>
    %dma_wait3A_202 = tpu.memref_slice %arg6[%add3A_190] : memref<6400000xf32, #tpu.memory_space<hbm>> -> memref<800xf32, #tpu.memory_space<hbm>>
    tpu.wait_dma2 semaphore(%dma_wait3A_201 : memref<!tpu.dma_semaphore, #tpu.memory_space<semaphore_mem>>) src(%dma_wait3A_202 : memref<800xf32, #tpu.memory_space<hbm>>) dst(%arg17 : memref<800xf32, #tpu.memory_space<vmem>>)
    %dma_wait3A_203 = arith.constant 0 : i32
    %dma_wait3A_204 = arith.constant 1 : i32
    %dma_wait3A_205 = tpu.memref_slice %arg7[%add3A_190] : memref<6400000xf32, #tpu.memory_space<hbm>> -> memref<800xf32, #tpu.memory_space<hbm>>
    %dma_wait3A_206 = tpu.memref_slice %arg42[%dma_wait3A_203, %dma_wait3A_204] : memref<3x4x!tpu.dma_semaphore, #tpu.memory_space<semaphore_mem>> -> memref<1x1x!tpu.dma_semaphore, #tpu.memory_space<semaphore_mem>>
    %dma_wait3A_207 = tpu.memref_squeeze %dma_wait3A_206 : memref<1x1x!tpu.dma_semaphore, #tpu.memory_space<semaphore_mem>> -> memref<!tpu.dma_semaphore, #tpu.memory_space<semaphore_mem>>
    %dma_wait3A_208 = tpu.memref_slice %arg7[%add3A_190] : memref<6400000xf32, #tpu.memory_space<hbm>> -> memref<800xf32, #tpu.memory_space<hbm>>
    tpu.wait_dma2 semaphore(%dma_wait3A_207 : memref<!tpu.dma_semaphore, #tpu.memory_space<semaphore_mem>>) src(%dma_wait3A_208 : memref<800xf32, #tpu.memory_space<hbm>>) dst(%arg18 : memref<800xf32, #tpu.memory_space<vmem>>)
    %min3A_209 = arith.constant 253 : i32
    %min3A_210 = arith.constant 249 : i32
    %min3A_211 = arith.minsi %min3A_209, %min3A_210 : i32
    %mul3A_212 = arith.constant 800 : i32
    %mul3A_213 = arith.muli %min3A_211, %mul3A_212 : i32
    %add3A_214 = arith.addi %mul3A_2, %mul3A_213 : i32
    %dma_wait3A_215 = arith.constant 1 : i32
    %dma_wait3A_216 = arith.constant 0 : i32
    %dma_wait3A_217 = tpu.memref_slice %arg3[%add3A_214] : memref<6400000xi32, #tpu.memory_space<hbm>> -> memref<800xi32, #tpu.memory_space<hbm>>
    %dma_wait3A_218 = tpu.memref_slice %arg42[%dma_wait3A_215, %dma_wait3A_216] : memref<3x4x!tpu.dma_semaphore, #tpu.memory_space<semaphore_mem>> -> memref<1x1x!tpu.dma_semaphore, #tpu.memory_space<semaphore_mem>>
    %dma_wait3A_219 = tpu.memref_squeeze %dma_wait3A_218 : memref<1x1x!tpu.dma_semaphore, #tpu.memory_space<semaphore_mem>> -> memref<!tpu.dma_semaphore, #tpu.memory_space<semaphore_mem>>
    %dma_wait3A_220 = tpu.memref_slice %arg3[%add3A_214] : memref<6400000xi32, #tpu.memory_space<hbm>> -> memref<800xi32, #tpu.memory_space<hbm>>
    tpu.wait_dma2 semaphore(%dma_wait3A_219 : memref<!tpu.dma_semaphore, #tpu.memory_space<semaphore_mem>>) src(%dma_wait3A_220 : memref<800xi32, #tpu.memory_space<hbm>>) dst(%arg22 : memref<800xi32, #tpu.memory_space<vmem>>)
    %dma_wait3A_221 = arith.constant 1 : i32
    %dma_wait3A_222 = arith.constant 0 : i32
    %dma_wait3A_223 = tpu.memref_slice %arg4[%add3A_214] : memref<6400000xi32, #tpu.memory_space<hbm>> -> memref<800xi32, #tpu.memory_space<hbm>>
    %dma_wait3A_224 = tpu.memref_slice %arg42[%dma_wait3A_221, %dma_wait3A_222] : memref<3x4x!tpu.dma_semaphore, #tpu.memory_space<semaphore_mem>> -> memref<1x1x!tpu.dma_semaphore, #tpu.memory_space<semaphore_mem>>
    %dma_wait3A_225 = tpu.memref_squeeze %dma_wait3A_224 : memref<1x1x!tpu.dma_semaphore, #tpu.memory_space<semaphore_mem>> -> memref<!tpu.dma_semaphore, #tpu.memory_space<semaphore_mem>>
    %dma_wait3A_226 = tpu.memref_slice %arg4[%add3A_214] : memref<6400000xi32, #tpu.memory_space<hbm>> -> memref<800xi32, #tpu.memory_space<hbm>>
    tpu.wait_dma2 semaphore(%dma_wait3A_225 : memref<!tpu.dma_semaphore, #tpu.memory_space<semaphore_mem>>) src(%dma_wait3A_226 : memref<800xi32, #tpu.memory_space<hbm>>) dst(%arg23 : memref<800xi32, #tpu.memory_space<vmem>>)
    %min3A_227 = arith.constant 253 : i32
    %min3A_228 = arith.constant 249 : i32
    %min3A_229 = arith.minsi %min3A_227, %min3A_228 : i32
    %mul3A_230 = arith.constant 800 : i32
    %mul3A_231 = arith.muli %min3A_229, %mul3A_230 : i32
    %add3A_232 = arith.addi %mul3A_2, %mul3A_231 : i32
    %dma_wait3A_233 = arith.constant 1 : i32
    %dma_wait3A_234 = arith.constant 1 : i32
    %dma_wait3A_235 = tpu.memref_slice %arg5[%add3A_232] : memref<6400000xf32, #tpu.memory_space<hbm>> -> memref<800xf32, #tpu.memory_space<hbm>>
    %dma_wait3A_236 = tpu.memref_slice %arg42[%dma_wait3A_233, %dma_wait3A_234] : memref<3x4x!tpu.dma_semaphore, #tpu.memory_space<semaphore_mem>> -> memref<1x1x!tpu.dma_semaphore, #tpu.memory_space<semaphore_mem>>
    %dma_wait3A_237 = tpu.memref_squeeze %dma_wait3A_236 : memref<1x1x!tpu.dma_semaphore, #tpu.memory_space<semaphore_mem>> -> memref<!tpu.dma_semaphore, #tpu.memory_space<semaphore_mem>>
    %dma_wait3A_238 = tpu.memref_slice %arg5[%add3A_232] : memref<6400000xf32, #tpu.memory_space<hbm>> -> memref<800xf32, #tpu.memory_space<hbm>>
    tpu.wait_dma2 semaphore(%dma_wait3A_237 : memref<!tpu.dma_semaphore, #tpu.memory_space<semaphore_mem>>) src(%dma_wait3A_238 : memref<800xf32, #tpu.memory_space<hbm>>) dst(%arg26 : memref<800xf32, #tpu.memory_space<vmem>>)
    %dma_wait3A_239 = arith.constant 1 : i32
    %dma_wait3A_240 = arith.constant 1 : i32
    %dma_wait3A_241 = tpu.memref_slice %arg6[%add3A_232] : memref<6400000xf32, #tpu.memory_space<hbm>> -> memref<800xf32, #tpu.memory_space<hbm>>
    %dma_wait3A_242 = tpu.memref_slice %arg42[%dma_wait3A_239, %dma_wait3A_240] : memref<3x4x!tpu.dma_semaphore, #tpu.memory_space<semaphore_mem>> -> memref<1x1x!tpu.dma_semaphore, #tpu.memory_space<semaphore_mem>>
    %dma_wait3A_243 = tpu.memref_squeeze %dma_wait3A_242 : memref<1x1x!tpu.dma_semaphore, #tpu.memory_space<semaphore_mem>> -> memref<!tpu.dma_semaphore, #tpu.memory_space<semaphore_mem>>
    %dma_wait3A_244 = tpu.memref_slice %arg6[%add3A_232] : memref<6400000xf32, #tpu.memory_space<hbm>> -> memref<800xf32, #tpu.memory_space<hbm>>
    tpu.wait_dma2 semaphore(%dma_wait3A_243 : memref<!tpu.dma_semaphore, #tpu.memory_space<semaphore_mem>>) src(%dma_wait3A_244 : memref<800xf32, #tpu.memory_space<hbm>>) dst(%arg27 : memref<800xf32, #tpu.memory_space<vmem>>)
    %dma_wait3A_245 = arith.constant 1 : i32
    %dma_wait3A_246 = arith.constant 1 : i32
    %dma_wait3A_247 = tpu.memref_slice %arg7[%add3A_232] : memref<6400000xf32, #tpu.memory_space<hbm>> -> memref<800xf32, #tpu.memory_space<hbm>>
    %dma_wait3A_248 = tpu.memref_slice %arg42[%dma_wait3A_245, %dma_wait3A_246] : memref<3x4x!tpu.dma_semaphore, #tpu.memory_space<semaphore_mem>> -> memref<1x1x!tpu.dma_semaphore, #tpu.memory_space<semaphore_mem>>
    %dma_wait3A_249 = tpu.memref_squeeze %dma_wait3A_248 : memref<1x1x!tpu.dma_semaphore, #tpu.memory_space<semaphore_mem>> -> memref<!tpu.dma_semaphore, #tpu.memory_space<semaphore_mem>>
    %dma_wait3A_250 = tpu.memref_slice %arg7[%add3A_232] : memref<6400000xf32, #tpu.memory_space<hbm>> -> memref<800xf32, #tpu.memory_space<hbm>>
    tpu.wait_dma2 semaphore(%dma_wait3A_249 : memref<!tpu.dma_semaphore, #tpu.memory_space<semaphore_mem>>) src(%dma_wait3A_250 : memref<800xf32, #tpu.memory_space<hbm>>) dst(%arg28 : memref<800xf32, #tpu.memory_space<vmem>>)
    %min3A_251 = arith.constant 254 : i32
    %min3A_252 = arith.constant 249 : i32
    %min3A_253 = arith.minsi %min3A_251, %min3A_252 : i32
    %mul3A_254 = arith.constant 800 : i32
    %mul3A_255 = arith.muli %min3A_253, %mul3A_254 : i32
    %add3A_256 = arith.addi %mul3A_2, %mul3A_255 : i32
    %dma_wait3A_257 = arith.constant 2 : i32
    %dma_wait3A_258 = arith.constant 0 : i32
    %dma_wait3A_259 = tpu.memref_slice %arg3[%add3A_256] : memref<6400000xi32, #tpu.memory_space<hbm>> -> memref<800xi32, #tpu.memory_space<hbm>>
    %dma_wait3A_260 = tpu.memref_slice %arg42[%dma_wait3A_257, %dma_wait3A_258] : memref<3x4x!tpu.dma_semaphore, #tpu.memory_space<semaphore_mem>> -> memref<1x1x!tpu.dma_semaphore, #tpu.memory_space<semaphore_mem>>
    %dma_wait3A_261 = tpu.memref_squeeze %dma_wait3A_260 : memref<1x1x!tpu.dma_semaphore, #tpu.memory_space<semaphore_mem>> -> memref<!tpu.dma_semaphore, #tpu.memory_space<semaphore_mem>>
    %dma_wait3A_262 = tpu.memref_slice %arg3[%add3A_256] : memref<6400000xi32, #tpu.memory_space<hbm>> -> memref<800xi32, #tpu.memory_space<hbm>>
    tpu.wait_dma2 semaphore(%dma_wait3A_261 : memref<!tpu.dma_semaphore, #tpu.memory_space<semaphore_mem>>) src(%dma_wait3A_262 : memref<800xi32, #tpu.memory_space<hbm>>) dst(%arg32 : memref<800xi32, #tpu.memory_space<vmem>>)
    %dma_wait3A_263 = arith.constant 2 : i32
    %dma_wait3A_264 = arith.constant 0 : i32
    %dma_wait3A_265 = tpu.memref_slice %arg4[%add3A_256] : memref<6400000xi32, #tpu.memory_space<hbm>> -> memref<800xi32, #tpu.memory_space<hbm>>
    %dma_wait3A_266 = tpu.memref_slice %arg42[%dma_wait3A_263, %dma_wait3A_264] : memref<3x4x!tpu.dma_semaphore, #tpu.memory_space<semaphore_mem>> -> memref<1x1x!tpu.dma_semaphore, #tpu.memory_space<semaphore_mem>>
    %dma_wait3A_267 = tpu.memref_squeeze %dma_wait3A_266 : memref<1x1x!tpu.dma_semaphore, #tpu.memory_space<semaphore_mem>> -> memref<!tpu.dma_semaphore, #tpu.memory_space<semaphore_mem>>
    %dma_wait3A_268 = tpu.memref_slice %arg4[%add3A_256] : memref<6400000xi32, #tpu.memory_space<hbm>> -> memref<800xi32, #tpu.memory_space<hbm>>
    tpu.wait_dma2 semaphore(%dma_wait3A_267 : memref<!tpu.dma_semaphore, #tpu.memory_space<semaphore_mem>>) src(%dma_wait3A_268 : memref<800xi32, #tpu.memory_space<hbm>>) dst(%arg33 : memref<800xi32, #tpu.memory_space<vmem>>)
    %min3A_269 = arith.constant 254 : i32
    %min3A_270 = arith.constant 249 : i32
    %min3A_271 = arith.minsi %min3A_269, %min3A_270 : i32
    %mul3A_272 = arith.constant 800 : i32
    %mul3A_273 = arith.muli %min3A_271, %mul3A_272 : i32
    %add3A_274 = arith.addi %mul3A_2, %mul3A_273 : i32
    %dma_wait3A_275 = arith.constant 2 : i32
    %dma_wait3A_276 = arith.constant 1 : i32
    %dma_wait3A_277 = tpu.memref_slice %arg5[%add3A_274] : memref<6400000xf32, #tpu.memory_space<hbm>> -> memref<800xf32, #tpu.memory_space<hbm>>
    %dma_wait3A_278 = tpu.memref_slice %arg42[%dma_wait3A_275, %dma_wait3A_276] : memref<3x4x!tpu.dma_semaphore, #tpu.memory_space<semaphore_mem>> -> memref<1x1x!tpu.dma_semaphore, #tpu.memory_space<semaphore_mem>>
    %dma_wait3A_279 = tpu.memref_squeeze %dma_wait3A_278 : memref<1x1x!tpu.dma_semaphore, #tpu.memory_space<semaphore_mem>> -> memref<!tpu.dma_semaphore, #tpu.memory_space<semaphore_mem>>
    %dma_wait3A_280 = tpu.memref_slice %arg5[%add3A_274] : memref<6400000xf32, #tpu.memory_space<hbm>> -> memref<800xf32, #tpu.memory_space<hbm>>
    tpu.wait_dma2 semaphore(%dma_wait3A_279 : memref<!tpu.dma_semaphore, #tpu.memory_space<semaphore_mem>>) src(%dma_wait3A_280 : memref<800xf32, #tpu.memory_space<hbm>>) dst(%arg36 : memref<800xf32, #tpu.memory_space<vmem>>)
    %dma_wait3A_281 = arith.constant 2 : i32
    %dma_wait3A_282 = arith.constant 1 : i32
    %dma_wait3A_283 = tpu.memref_slice %arg6[%add3A_274] : memref<6400000xf32, #tpu.memory_space<hbm>> -> memref<800xf32, #tpu.memory_space<hbm>>
    %dma_wait3A_284 = tpu.memref_slice %arg42[%dma_wait3A_281, %dma_wait3A_282] : memref<3x4x!tpu.dma_semaphore, #tpu.memory_space<semaphore_mem>> -> memref<1x1x!tpu.dma_semaphore, #tpu.memory_space<semaphore_mem>>
    %dma_wait3A_285 = tpu.memref_squeeze %dma_wait3A_284 : memref<1x1x!tpu.dma_semaphore, #tpu.memory_space<semaphore_mem>> -> memref<!tpu.dma_semaphore, #tpu.memory_space<semaphore_mem>>
    %dma_wait3A_286 = tpu.memref_slice %arg6[%add3A_274] : memref<6400000xf32, #tpu.memory_space<hbm>> -> memref<800xf32, #tpu.memory_space<hbm>>
    tpu.wait_dma2 semaphore(%dma_wait3A_285 : memref<!tpu.dma_semaphore, #tpu.memory_space<semaphore_mem>>) src(%dma_wait3A_286 : memref<800xf32, #tpu.memory_space<hbm>>) dst(%arg37 : memref<800xf32, #tpu.memory_space<vmem>>)
    %dma_wait3A_287 = arith.constant 2 : i32
    %dma_wait3A_288 = arith.constant 1 : i32
    %dma_wait3A_289 = tpu.memref_slice %arg7[%add3A_274] : memref<6400000xf32, #tpu.memory_space<hbm>> -> memref<800xf32, #tpu.memory_space<hbm>>
    %dma_wait3A_290 = tpu.memref_slice %arg42[%dma_wait3A_287, %dma_wait3A_288] : memref<3x4x!tpu.dma_semaphore, #tpu.memory_space<semaphore_mem>> -> memref<1x1x!tpu.dma_semaphore, #tpu.memory_space<semaphore_mem>>
    %dma_wait3A_291 = tpu.memref_squeeze %dma_wait3A_290 : memref<1x1x!tpu.dma_semaphore, #tpu.memory_space<semaphore_mem>> -> memref<!tpu.dma_semaphore, #tpu.memory_space<semaphore_mem>>
    %dma_wait3A_292 = tpu.memref_slice %arg7[%add3A_274] : memref<6400000xf32, #tpu.memory_space<hbm>> -> memref<800xf32, #tpu.memory_space<hbm>>
    tpu.wait_dma2 semaphore(%dma_wait3A_291 : memref<!tpu.dma_semaphore, #tpu.memory_space<semaphore_mem>>) src(%dma_wait3A_292 : memref<800xf32, #tpu.memory_space<hbm>>) dst(%arg38 : memref<800xf32, #tpu.memory_space<vmem>>)
    %min3A_293 = arith.constant 249 : i32
    %min3A_294 = arith.constant 249 : i32
    %min3A_295 = arith.minsi %min3A_293, %min3A_294 : i32
    %mul3A_296 = arith.constant 800 : i32
    %mul3A_297 = arith.muli %min3A_295, %mul3A_296 : i32
    %add3A_298 = arith.addi %mul3A_2, %mul3A_297 : i32
    %dma_wait3A_299 = arith.constant 0 : i32
    %dma_wait3A_300 = arith.constant 3 : i32
    %dma_wait3A_301 = tpu.memref_slice %arg8[%add3A_298] : memref<6400000xf32, #tpu.memory_space<hbm>> -> memref<800xf32, #tpu.memory_space<hbm>>
    %dma_wait3A_302 = tpu.memref_slice %arg42[%dma_wait3A_299, %dma_wait3A_300] : memref<3x4x!tpu.dma_semaphore, #tpu.memory_space<semaphore_mem>> -> memref<1x1x!tpu.dma_semaphore, #tpu.memory_space<semaphore_mem>>
    %dma_wait3A_303 = tpu.memref_squeeze %dma_wait3A_302 : memref<1x1x!tpu.dma_semaphore, #tpu.memory_space<semaphore_mem>> -> memref<!tpu.dma_semaphore, #tpu.memory_space<semaphore_mem>>
    %dma_wait3A_304 = tpu.memref_slice %arg8[%add3A_298] : memref<6400000xf32, #tpu.memory_space<hbm>> -> memref<800xf32, #tpu.memory_space<hbm>>
    tpu.wait_dma2 semaphore(%dma_wait3A_303 : memref<!tpu.dma_semaphore, #tpu.memory_space<semaphore_mem>>) src(%arg19 : memref<800xf32, #tpu.memory_space<vmem>>) dst(%dma_wait3A_304 : memref<800xf32, #tpu.memory_space<hbm>>)
    %dma_wait3A_305 = arith.constant 0 : i32
    %dma_wait3A_306 = arith.constant 3 : i32
    %dma_wait3A_307 = tpu.memref_slice %arg9[%add3A_298] : memref<6400000xf32, #tpu.memory_space<hbm>> -> memref<800xf32, #tpu.memory_space<hbm>>
    %dma_wait3A_308 = tpu.memref_slice %arg42[%dma_wait3A_305, %dma_wait3A_306] : memref<3x4x!tpu.dma_semaphore, #tpu.memory_space<semaphore_mem>> -> memref<1x1x!tpu.dma_semaphore, #tpu.memory_space<semaphore_mem>>
    %dma_wait3A_309 = tpu.memref_squeeze %dma_wait3A_308 : memref<1x1x!tpu.dma_semaphore, #tpu.memory_space<semaphore_mem>> -> memref<!tpu.dma_semaphore, #tpu.memory_space<semaphore_mem>>
    %dma_wait3A_310 = tpu.memref_slice %arg9[%add3A_298] : memref<6400000xf32, #tpu.memory_space<hbm>> -> memref<800xf32, #tpu.memory_space<hbm>>
    tpu.wait_dma2 semaphore(%dma_wait3A_309 : memref<!tpu.dma_semaphore, #tpu.memory_space<semaphore_mem>>) src(%arg20 : memref<800xf32, #tpu.memory_space<vmem>>) dst(%dma_wait3A_310 : memref<800xf32, #tpu.memory_space<hbm>>)
    %dma_wait3A_311 = arith.constant 0 : i32
    %dma_wait3A_312 = arith.constant 3 : i32
    %dma_wait3A_313 = tpu.memref_slice %arg10[%add3A_298] : memref<6400000xf32, #tpu.memory_space<hbm>> -> memref<800xf32, #tpu.memory_space<hbm>>
    %dma_wait3A_314 = tpu.memref_slice %arg42[%dma_wait3A_311, %dma_wait3A_312] : memref<3x4x!tpu.dma_semaphore, #tpu.memory_space<semaphore_mem>> -> memref<1x1x!tpu.dma_semaphore, #tpu.memory_space<semaphore_mem>>
    %dma_wait3A_315 = tpu.memref_squeeze %dma_wait3A_314 : memref<1x1x!tpu.dma_semaphore, #tpu.memory_space<semaphore_mem>> -> memref<!tpu.dma_semaphore, #tpu.memory_space<semaphore_mem>>
    %dma_wait3A_316 = tpu.memref_slice %arg10[%add3A_298] : memref<6400000xf32, #tpu.memory_space<hbm>> -> memref<800xf32, #tpu.memory_space<hbm>>
    tpu.wait_dma2 semaphore(%dma_wait3A_315 : memref<!tpu.dma_semaphore, #tpu.memory_space<semaphore_mem>>) src(%arg21 : memref<800xf32, #tpu.memory_space<vmem>>) dst(%dma_wait3A_316 : memref<800xf32, #tpu.memory_space<hbm>>)
    %min3A_317 = arith.constant 250 : i32
    %min3A_318 = arith.constant 249 : i32
    %min3A_319 = arith.minsi %min3A_317, %min3A_318 : i32
    %mul3A_320 = arith.constant 800 : i32
    %mul3A_321 = arith.muli %min3A_319, %mul3A_320 : i32
    %add3A_322 = arith.addi %mul3A_2, %mul3A_321 : i32
    %dma_wait3A_323 = arith.constant 1 : i32
    %dma_wait3A_324 = arith.constant 3 : i32
    %dma_wait3A_325 = tpu.memref_slice %arg8[%add3A_322] : memref<6400000xf32, #tpu.memory_space<hbm>> -> memref<800xf32, #tpu.memory_space<hbm>>
    %dma_wait3A_326 = tpu.memref_slice %arg42[%dma_wait3A_323, %dma_wait3A_324] : memref<3x4x!tpu.dma_semaphore, #tpu.memory_space<semaphore_mem>> -> memref<1x1x!tpu.dma_semaphore, #tpu.memory_space<semaphore_mem>>
    %dma_wait3A_327 = tpu.memref_squeeze %dma_wait3A_326 : memref<1x1x!tpu.dma_semaphore, #tpu.memory_space<semaphore_mem>> -> memref<!tpu.dma_semaphore, #tpu.memory_space<semaphore_mem>>
    %dma_wait3A_328 = tpu.memref_slice %arg8[%add3A_322] : memref<6400000xf32, #tpu.memory_space<hbm>> -> memref<800xf32, #tpu.memory_space<hbm>>
    tpu.wait_dma2 semaphore(%dma_wait3A_327 : memref<!tpu.dma_semaphore, #tpu.memory_space<semaphore_mem>>) src(%arg29 : memref<800xf32, #tpu.memory_space<vmem>>) dst(%dma_wait3A_328 : memref<800xf32, #tpu.memory_space<hbm>>)
    %dma_wait3A_329 = arith.constant 1 : i32
    %dma_wait3A_330 = arith.constant 3 : i32
    %dma_wait3A_331 = tpu.memref_slice %arg9[%add3A_322] : memref<6400000xf32, #tpu.memory_space<hbm>> -> memref<800xf32, #tpu.memory_space<hbm>>
    %dma_wait3A_332 = tpu.memref_slice %arg42[%dma_wait3A_329, %dma_wait3A_330] : memref<3x4x!tpu.dma_semaphore, #tpu.memory_space<semaphore_mem>> -> memref<1x1x!tpu.dma_semaphore, #tpu.memory_space<semaphore_mem>>
    %dma_wait3A_333 = tpu.memref_squeeze %dma_wait3A_332 : memref<1x1x!tpu.dma_semaphore, #tpu.memory_space<semaphore_mem>> -> memref<!tpu.dma_semaphore, #tpu.memory_space<semaphore_mem>>
    %dma_wait3A_334 = tpu.memref_slice %arg9[%add3A_322] : memref<6400000xf32, #tpu.memory_space<hbm>> -> memref<800xf32, #tpu.memory_space<hbm>>
    tpu.wait_dma2 semaphore(%dma_wait3A_333 : memref<!tpu.dma_semaphore, #tpu.memory_space<semaphore_mem>>) src(%arg30 : memref<800xf32, #tpu.memory_space<vmem>>) dst(%dma_wait3A_334 : memref<800xf32, #tpu.memory_space<hbm>>)
    %dma_wait3A_335 = arith.constant 1 : i32
    %dma_wait3A_336 = arith.constant 3 : i32
    %dma_wait3A_337 = tpu.memref_slice %arg10[%add3A_322] : memref<6400000xf32, #tpu.memory_space<hbm>> -> memref<800xf32, #tpu.memory_space<hbm>>
    %dma_wait3A_338 = tpu.memref_slice %arg42[%dma_wait3A_335, %dma_wait3A_336] : memref<3x4x!tpu.dma_semaphore, #tpu.memory_space<semaphore_mem>> -> memref<1x1x!tpu.dma_semaphore, #tpu.memory_space<semaphore_mem>>
    %dma_wait3A_339 = tpu.memref_squeeze %dma_wait3A_338 : memref<1x1x!tpu.dma_semaphore, #tpu.memory_space<semaphore_mem>> -> memref<!tpu.dma_semaphore, #tpu.memory_space<semaphore_mem>>
    %dma_wait3A_340 = tpu.memref_slice %arg10[%add3A_322] : memref<6400000xf32, #tpu.memory_space<hbm>> -> memref<800xf32, #tpu.memory_space<hbm>>
    tpu.wait_dma2 semaphore(%dma_wait3A_339 : memref<!tpu.dma_semaphore, #tpu.memory_space<semaphore_mem>>) src(%arg31 : memref<800xf32, #tpu.memory_space<vmem>>) dst(%dma_wait3A_340 : memref<800xf32, #tpu.memory_space<hbm>>)
    %min3A_341 = arith.constant 251 : i32
    %min3A_342 = arith.constant 249 : i32
    %min3A_343 = arith.minsi %min3A_341, %min3A_342 : i32
    %mul3A_344 = arith.constant 800 : i32
    %mul3A_345 = arith.muli %min3A_343, %mul3A_344 : i32
    %add3A_346 = arith.addi %mul3A_2, %mul3A_345 : i32
    %dma_wait3A_347 = arith.constant 2 : i32
    %dma_wait3A_348 = arith.constant 3 : i32
    %dma_wait3A_349 = tpu.memref_slice %arg8[%add3A_346] : memref<6400000xf32, #tpu.memory_space<hbm>> -> memref<800xf32, #tpu.memory_space<hbm>>
    %dma_wait3A_350 = tpu.memref_slice %arg42[%dma_wait3A_347, %dma_wait3A_348] : memref<3x4x!tpu.dma_semaphore, #tpu.memory_space<semaphore_mem>> -> memref<1x1x!tpu.dma_semaphore, #tpu.memory_space<semaphore_mem>>
    %dma_wait3A_351 = tpu.memref_squeeze %dma_wait3A_350 : memref<1x1x!tpu.dma_semaphore, #tpu.memory_space<semaphore_mem>> -> memref<!tpu.dma_semaphore, #tpu.memory_space<semaphore_mem>>
    %dma_wait3A_352 = tpu.memref_slice %arg8[%add3A_346] : memref<6400000xf32, #tpu.memory_space<hbm>> -> memref<800xf32, #tpu.memory_space<hbm>>
    tpu.wait_dma2 semaphore(%dma_wait3A_351 : memref<!tpu.dma_semaphore, #tpu.memory_space<semaphore_mem>>) src(%arg39 : memref<800xf32, #tpu.memory_space<vmem>>) dst(%dma_wait3A_352 : memref<800xf32, #tpu.memory_space<hbm>>)
    %dma_wait3A_353 = arith.constant 2 : i32
    %dma_wait3A_354 = arith.constant 3 : i32
    %dma_wait3A_355 = tpu.memref_slice %arg9[%add3A_346] : memref<6400000xf32, #tpu.memory_space<hbm>> -> memref<800xf32, #tpu.memory_space<hbm>>
    %dma_wait3A_356 = tpu.memref_slice %arg42[%dma_wait3A_353, %dma_wait3A_354] : memref<3x4x!tpu.dma_semaphore, #tpu.memory_space<semaphore_mem>> -> memref<1x1x!tpu.dma_semaphore, #tpu.memory_space<semaphore_mem>>
    %dma_wait3A_357 = tpu.memref_squeeze %dma_wait3A_356 : memref<1x1x!tpu.dma_semaphore, #tpu.memory_space<semaphore_mem>> -> memref<!tpu.dma_semaphore, #tpu.memory_space<semaphore_mem>>
    %dma_wait3A_358 = tpu.memref_slice %arg9[%add3A_346] : memref<6400000xf32, #tpu.memory_space<hbm>> -> memref<800xf32, #tpu.memory_space<hbm>>
    tpu.wait_dma2 semaphore(%dma_wait3A_357 : memref<!tpu.dma_semaphore, #tpu.memory_space<semaphore_mem>>) src(%arg40 : memref<800xf32, #tpu.memory_space<vmem>>) dst(%dma_wait3A_358 : memref<800xf32, #tpu.memory_space<hbm>>)
    %dma_wait3A_359 = arith.constant 2 : i32
    %dma_wait3A_360 = arith.constant 3 : i32
    %dma_wait3A_361 = tpu.memref_slice %arg10[%add3A_346] : memref<6400000xf32, #tpu.memory_space<hbm>> -> memref<800xf32, #tpu.memory_space<hbm>>
    %dma_wait3A_362 = tpu.memref_slice %arg42[%dma_wait3A_359, %dma_wait3A_360] : memref<3x4x!tpu.dma_semaphore, #tpu.memory_space<semaphore_mem>> -> memref<1x1x!tpu.dma_semaphore, #tpu.memory_space<semaphore_mem>>
    %dma_wait3A_363 = tpu.memref_squeeze %dma_wait3A_362 : memref<1x1x!tpu.dma_semaphore, #tpu.memory_space<semaphore_mem>> -> memref<!tpu.dma_semaphore, #tpu.memory_space<semaphore_mem>>
    %dma_wait3A_364 = tpu.memref_slice %arg10[%add3A_346] : memref<6400000xf32, #tpu.memory_space<hbm>> -> memref<800xf32, #tpu.memory_space<hbm>>
    tpu.wait_dma2 semaphore(%dma_wait3A_363 : memref<!tpu.dma_semaphore, #tpu.memory_space<semaphore_mem>>) src(%arg41 : memref<800xf32, #tpu.memory_space<vmem>>) dst(%dma_wait3A_364 : memref<800xf32, #tpu.memory_space<hbm>>)
    return
  }
}

</mosaic_0001>

<sc_bundles>
// kernel: kernel.3.cloned.1.call-start
scs
__scs_entry_jumppad:
0x0: {  	(pc) =	sbr.rel $0x88, $3  }
0x1: {  	(tag) =	ssettag $0x0;
	lr =	simm.s32 $0x1  }
0x2: {  	[smem:$0x3F9D] =	sst lr;
	_ =	strace $0xD0000000  }
0x3: {  	_ = 	snop  }
0x4: {  	_ = 	snop  }
0x5: {  	_ = 	snop  }
0x6: {  	_ = 	snop  }
0x7: {  	_ = 	snop  }
__scs_overlays_trampoline_lowered:
0x8: {  	[smem:$0x3FAC] =	sst s0  }
0x9: {  	[smem:$0x3FAD] =	sst s1  }
0xa: {  	[smem:$0x3FAE] =	sst s2  }
0xb: {  	[smem:$0x3FAF] =	sst s3  }
0xc: {  	[smem:$0x3FB0] =	sst s4  }
0xd: {  	[smem:$0x3FB1] =	sst s5  }
0xe: {  	[smem:$0x3FB2] =	sst s6  }
0xf: {  	[smem:$0x3FB3] =	sst s7  }
0x10: {  	[smem:$0x3FB4] =	sst s8  }
0x11: {  	[smem:$0x3FB5] =	sst s9;
	s0 =	simm.s32 @!p0 $0x0  }
0x12: {  	s1 =	sld [smem:$0x3F9B];
	s0 =	simm.s32 @p0 $0x1  }
0x13: {  	[smem:$0x3FB6] =	sst s0;
	s0 =	simm.s32 @!p1 $0x0  }
0x14: {  	s2 =	sld [smem:$0x3F9A];
	s0 =	simm.s32 @p1 $0x1  }
0x15: {  	[smem:$0x3FB7] =	sst s0;
	s0 =	simm.s32 @!p2 $0x0  }
0x16: {  	s3 =	sld [smem:$0x3FDB];
	s0 =	simm.s32 @p2 $0x1  }
0x17: {  	s4 =	simm.s32 $0x1BF5;
	[smem:$0x3FB9] =	sst s0  }
0x18: {  	s0 =	sld [smem:$0x3F9C];
	_ =	swait.ge [sflag:s4], $0x0  }
0x19: {  	s7 =	sld [smem:$0x3F9D]  }
0x1a: {  	s8 =	sadd.s32 $0xFFFFE003, lr  }
0x1b: {  	s9 =	sadd.s32 $0xFFFFFEF7, lr;
	s5 =	simm.s32 $0xFFFFFFFF;
	p2 =	slt.u32 s8, $0xFFFFF086  }
0x1c: {  	p1 =	slt.u32 s9, $0xF7A;
	s5 =	simm.s32 @!p2 $0x0  }
0x1d: {  	s5 =	simm.s32 @p1 $0x1;
	p0 =	seq.s32 s7, s2  }
0x1e: {  	s7 =	smul.u32 @!p0 $0xF7A, s2;
	p2 =	seq.s32 @!p0 s5, $0x0  }
0x1f: {  	s9 =	smul.u32 $0xF7A, s1;
	s8 =	simm.s32 @!p0 $0x1BF5;
	p2 =	por !p2, p0  }
0x20: {  	[sflag:s8] =	ssyncset.s32 @!p0 $0xFFFFF086;
	s6 =	sadd.s32 @!p0 s3, s7;
	s7 =	simm.s32 @!p0 $0x108  }
0x21: {  	s3 =	sadd.s32 s3, s9;
	s6 =	sadd.s32 @!p0 $0x88, s6;
	s7 =	simm.s32 @p2 $0x1082  }
0x22: {  	[simem:s7], [sflag:s8] =	dma.local @!p0 [hbm:s6], $0xF7A  }
0x23: {  	s9 =	sor.u32 $0xD0000000, s2;
	s6 =	simm.s32 $0x108;
	_ =	swait.ge @!p0 [sflag:s8], $0x0  }
0x24: {  	s3 =	sadd.s32 $0x88, s3;
	s6 =	simm.s32 @!p1 $0x1082;
	[sflag:s4] =	ssyncset.s32 $0xFFFFF086  }
0x25: {  	[simem:s6], [sflag:s4] =	dma.local [hbm:s3], $0xF7A  }
0x26: {  	[smem:$0x3F9D] =	sst s1;
	(tag) =	ssettag s2;
	_ =	strace s9  }
0x27: {  	s1 =	sld [smem:$0x3FAD]  }
0x28: {  	s2 =	sld [smem:$0x3FAE]  }
0x29: {  	s4 =	sld [smem:$0x3FB0]  }
0x2a: {  	p0 =	seq.s32 s5, $0x0;
	s5 =	sld [smem:$0x3FB1]  }
0x2b: {  	s6 =	sld [smem:$0x3FB2]  }
0x2c: {  	s7 =	sld [smem:$0x3FB3]  }
0x2d: {  	s3 =	simm.s32 $0x108;
	s8 =	sld [smem:$0x3FB4]  }
0x2e: {  	s3 =	simm.s32 @!p0 $0x1082;
	s9 =	sld [smem:$0x3FB5]  }
0x2f: {  	lr =	sadd.s32 s0, s3;
	s0 =	sld [smem:$0x3FAC]  }
0x30: {  	s3 =	sld [smem:$0x3FAF]  }
0x31: {  	[smem:$0x3FB8] =	sst s10  }
0x32: {  	s10 =	sld [smem:$0x3FB6];
	_ =	sdelay $0x3  }
0x33: {  	p0 =	seq.s32 s10, $0x1;
	s10 =	sld [smem:$0x3FB8];
	_ =	sdelay $0x3  }
0x34: {  	[smem:$0x3FB8] =	sst s10  }
0x35: {  	s10 =	sld [smem:$0x3FB7];
	_ =	sdelay $0x3  }
0x36: {  	p1 =	seq.s32 s10, $0x1;
	s10 =	sld [smem:$0x3FB8];
	_ =	sdelay $0x3  }
0x37: {  	[smem:$0x3FB8] =	sst s10  }
0x38: {  	s10 =	sld [smem:$0x3FB9]  }
0x39: {  	_ = 	snop;
	(pc) =	sbr.ind lr, $3  }
0x3a: {  	_ = 	snop  }
0x3b: {  	_ = 	snop  }
0x3c: {  	p2 =	seq.s32 s10, $0x1;
	s10 =	sld [smem:$0x3FB8]  }
0x3d: {  	_ =	shalt  }
0x3e: {  	_ =	shalt  }
0x3f: {  	_ =	shalt  }
0x40: {  	_ =	shalt  }
0x41: {  	_ =	shalt  }
0x42: {  	_ =	shalt  }
0x43: {  	_ =	shalt  }
0x44: {  	_ =	shalt  }
0x45: {  	_ =	shalt  }
0x46: {  	_ =	shalt  }
0x47: {  	_ =	shalt  }
0x48: {  	_ =	shalt  }
0x49: {  	_ =	shalt  }
0x4a: {  	_ =	shalt  }
0x4b: {  	_ =	shalt  }
0x4c: {  	_ =	shalt  }
0x4d: {  	_ =	shalt  }
0x4e: {  	_ =	shalt  }
0x4f: {  	_ =	shalt  }
0x50: {  	_ =	shalt  }
0x51: {  	_ =	shalt  }
0x52: {  	_ =	shalt  }
0x53: {  	_ =	shalt  }
0x54: {  	_ =	shalt  }
0x55: {  	_ =	shalt  }
0x56: {  	_ =	shalt  }
0x57: {  	_ =	shalt  }
0x58: {  	_ =	shalt  }
0x59: {  	_ =	shalt  }
0x5a: {  	_ =	shalt  }
0x5b: {  	_ =	shalt  }
0x5c: {  	_ =	shalt  }
0x5d: {  	_ =	shalt  }
0x5e: {  	_ =	shalt  }
0x5f: {  	_ =	shalt  }
0x60: {  	_ =	shalt  }
0x61: {  	_ =	shalt  }
0x62: {  	_ =	shalt  }
0x63: {  	_ =	shalt  }
0x64: {  	_ =	shalt  }
0x65: {  	_ =	shalt  }
0x66: {  	_ =	shalt  }
0x67: {  	_ =	shalt  }
0x68: {  	_ =	shalt  }
0x69: {  	_ =	shalt  }
0x6a: {  	_ =	shalt  }
0x6b: {  	_ =	shalt  }
0x6c: {  	_ =	shalt  }
0x6d: {  	_ =	shalt  }
0x6e: {  	_ =	shalt  }
0x6f: {  	_ =	shalt  }
0x70: {  	_ =	shalt  }
0x71: {  	_ =	shalt  }
0x72: {  	_ =	shalt  }
0x73: {  	_ =	shalt  }
0x74: {  	_ =	shalt  }
0x75: {  	_ =	shalt  }
0x76: {  	_ =	shalt  }
0x77: {  	_ =	shalt  }
0x78: {  	_ =	shalt  }
0x79: {  	_ =	shalt  }
0x7a: {  	_ =	shalt  }
0x7b: {  	_ =	shalt  }
0x7c: {  	_ =	shalt  }
0x7d: {  	_ =	shalt  }
0x7e: {  	_ =	shalt  }
0x7f: {  	_ =	shalt  }
0x80: {  	_ =	shalt  }
0x81: {  	_ =	shalt  }
0x82: {  	_ =	shalt  }
0x83: {  	_ =	shalt  }
0x84: {  	_ =	shalt  }
0x85: {  	_ =	shalt  }
0x86: {  	_ =	shalt  }
0x87: {  	_ =	shalt  }
.Lfunc_end0:
.L_simem_size_0:
called_computation_lowered:
.L_overlay_start_0:
0x88: {  	s2 =	sld [smem:$0x3FD9]  }
0x89: {  	s3 =	sld [smem:$0x3FFE];
	_ =	sdelay $0x1  }
0x8a: {  	s1 =	srdreg.scid  }
0x8b: {  	s0 =	sand.u32 $0x1, s1  }
0x8c: {  	s17 =	sshll.u32 s0, $0xA;
	s2 =	sadd.s32 s3, s2  }
0x8d: {  	s2 =	sadd.s32 s2, s17  }
0x8e: {  	[smem:$0x3FC4] =	sst s2  }
0x8f: {  	_ = 	snop  }
0x90: {  	s2 =	sld [smem:$0x3FC8]  }
0x91: {  	s18 =	sld [smem:$0x3FC7]  }
0x92: {  	s4 =	sld [smem:$0x3FD0];
	(tm) =	ssettm $0x1  }
0x93: {  	s5 =	sld [smem:$0x3FFB];
	_ =	sdelay $0x3  }
0x94: {  	_ =	strace s5  }
0x95: {  	s5 =	sld [smem:$0x3FFC];
	_ =	sdelay $0x3  }
0x96: {  	_ =	strace s5  }
0x97: {  	s5 =	sld [smem:$0x3FFD];
	_ =	sdelay $0x3  }
0x98: {  	_ =	strace s5  }
0x99: {  	_ =	strace $0x8FFFFFFF  }
0x9a: {  	s19 =	sld [smem:$0x3FDB];
	_ =	sdelay $0x1  }
0x9b: {  	s6 =	simm.s32 $_scs_section_size  }
0x9c: {  	s7 =	simm.s32 $_size__tile_overlayer_lowered;
	s8 =	simm.s32 $_tile_overlayer_lowered  }
0x9d: {  	s22 =	simm.s32 $0x1BFF;
	s21 =	sshll.u32 s8, $0x1;
	s5 =	sadd.s32 s6, s19  }
0x9e: {  	s9 =	simm.s32 $0x0;
	s20 =	sshll.u32 s7, $0x1;
	s7 =	sadd.s32 s21, s5  }
0x9f: {  	[timem:s9], [sflag:s22] =	dma.local [hbm:s7], s20  }
0xa0: {  	_ =	swait.ge [sflag:s22], s20  }
0xa1: {  	s6 =	ssub.s32 $0x0, s20;
	[sflag:s22] =	ssyncset.done $0x0  }
0xa2: {  	[sflag:s22] =	ssyncadd.s32 s6;
	_ =	sdelay $0x1  }
0xa3: {  	s23 =	simm.s32 $0x1B8B  }
0xa4: {  	_ =	swait.ge [sflag:s23], $0x1  }
0xa5: {  	[sflag:s23] =	ssyncset.done $0x0  }
0xa6: {  	s25 =	simm.s32 $0x1B8E;
	s24 =	sld [smem:$0x3FFE];
	[sflag:s23] =	ssyncadd.s32 $0xFFFFFFFF  }
0xa7: {  	s26 =	simm.s32 $execute0_lowered;
	[smem:$0x3FD2] =	sst s25  }
0xa8: {  	s7 =	sshll.u32 s26, $0x1;
	_ =	strace $0x80000046;
	[dreg:$0x1] =	wrdreg $0xFFFFFFFF  }
0xa9: {  	s28 =	simm.s32 $_size_execute0_lowered;
	s5 =	sadd.s32 s5, s7;
	[dreg:$0x0] =	wrdreg $0x0  }
0xaa: {  	s7 =	sshll.u32 s28, $0x1;
	[dreg:$0x2] =	wrdreg s5  }
0xab: {  	[dreg:$0x3] =	wrdreg s7  }
0xac: {  	[dreg:$0x4] =	wrdreg $0xC0  }
0xad: {  	_ =	task [dreg:s9], $0x5FFFF  }
0xae: {  	[dreg:$0x1] =	wrdreg $0xFFFFFFFF  }
0xaf: {  	[dreg:$0x0] =	wrdreg $0x60  }
0xb0: {  	[dreg:$0x2] =	wrdreg s24  }
0xb1: {  	[dreg:$0x3] =	wrdreg s2  }
0xb2: {  	[dreg:$0x4] =	wrdreg s18  }
0xb3: {  	[dreg:$0x5] =	wrdreg s4  }
0xb4: {  	[dreg:$0x6] =	wrdreg $0x0  }
0xb5: {  	[dreg:$0x7] =	wrdreg $0x9  }
0xb6: {  	_ =	task.clear_ibuf [dreg:s9], $0x8FFFF;
	_ =	strace $0x90000046  }
0xb7: {  	s29 =	simm.s32 $0x9;
	_ =	strace $0x80000048  }
0xb8: {  	_ =	swait.ge [sflag:s29], $0x1  }
0xb9: {  	[sflag:s29] =	ssyncadd.s32 $0xFFFFFFFF  }
0xba: {  	_ =	strace $0x90000048  }
0xbb: {  	_ =	sfence  }
0xbc: {  	s30 =	sld [smem:$0x0];
	_ =	sdelay $0x2  }
0xbd: {  	s31 =	sshll.u32 s1, $0xD;
	s1 =	sshrl.u32 s1, $0x2  }
0xbe: {  	s3 =	sand.u32 $0x4000, s31;
	s1 =	sadd.s32 s1, s30  }
0xbf: {  	s0 =	sor.u32 s3, s0;
	s1 =	sshll.u32 s1, $0x11  }
0xc0: {  	s0 =	sor.u32 s1, s0  }
0xc1: {  	s0 =	sadd.s32 $0x8F2B, s0  }
0xc2: {  	[sflag:s0] =	ssyncadd.remote.s32 $0x1  }
0xc3: {  	_ =	sfence.sel $0xFFFF  }
0xc4: {  	[dreg:$0x0] =	wrdreg $0xFFFFFFFF;
	(pc) =	sbr.abs _section_cstart, $3  }
0xc5: {  	[dreg:$0x1] =	wrdreg $0xFFFFFFFF  }
0xc6: {  	_ =	task.clear_ibuf [dreg:s9], $0x2FFFF;
	_ =	strace $0x9FFFFFFF  }
0xc7: {  	(tm) =	ssettm $0x7FFFFFFF  }
tec
execute0_lowered:
.L_overlay_start_1:
0x0: {  	(tag) =	ssettag $0x1  }
0x1: {  	s0 =	rddreg [dreg:$0x0]  }
0x2: {  	s6 =	rddreg [dreg:$0x1]  }
0x3: {  	s7 =	rddreg [dreg:$0x2]  }
0x4: {  	s9 =	rddreg [dreg:$0x3]  }
0x5: {  	s4 =	rddreg [dreg:$0x4]  }
0x6: {  	s5 =	simm.s32 $0x0;
	s1 =	srdreg.scid;
	s2 =	stileid.u32  }
0x7: {  	[smem:$0x7FF] =	sst s5;
	s1 =	sand.u32 $0x1, s1;
	s8 =	sadd.s32 $0x187400, s0  }
0x8: {  	s3 =	sshll.u32 s2, $0x1;
	s13 =	sadd.s32 $0x19FC00, s0;
	s14 =	sadd.s32 $0xA00, s0  }
0x9: {  	s18 =	sadd.s32 $0x263200, s0;
	s11 =	sadd.s32 $0x326800, s0;
	s3 =	sor.u32 s1, s3  }
0xa: {  	_ =	strace $0x80000047;
	[dreg:$0x6] =	wrdreg s8;
	s15 =	smul.u32 $0x30D40, s3  }
0xb: {  	s12 =	sadd.s32 $0x3E9E00, s0;
	[dreg:$0x8] =	wrdreg s18;
	s1 =	ssub.s32 $0x2, s1  }
0xc: {  	s19 =	sshrl.u32 s1, $0x1;
	s22 =	sadd.s32 $0x320, s15;
	[dreg:$0x7] =	wrdreg s15  }
0xd: {  	s0 =	ssub.s32 s1, s19;
	s16 =	sadd.s32 $0x640, s15;
	[dreg:$0xa] =	wrdreg s22  }
0xe: {  	s20 =	sshrl.u32 s15, $0x3;
	s0 =	smax.u32 s0, $0x1;
	[dreg:$0x12] =	wrdreg s16  }
0xf: {  	s21 =	sadd.s32 s6, s20;
	[dreg:$0x1a] =	wrdreg s0  }
0x10: {  	s23 =	sadd.s32 s7, s20;
	[dreg:$0x9] =	wrdreg s21  }
0x11: {  	s24 =	sadd.s32 s13, s20;
	[dreg:$0xb] =	wrdreg s23  }
0x12: {  	s28 =	simm.s32 $0x10E50;
	s25 =	sadd.s32 s14, s20;
	[dreg:$0xc] =	wrdreg s24  }
0x13: {  	s1 =	sshrl.u32 s22, $0x3;
	s3 =	sadd.s32 s9, s20;
	[dreg:$0xd] =	wrdreg s25  }
0x14: {  	s29 =	simm.s32 $0x12D90;
	[dreg:$0xe] =	wrdreg s3;
	s26 =	sadd.s32 s6, s1  }
0x15: {  	s30 =	simm.s32 $0x3;
	s8 =	sadd.s32 s7, s1;
	[dreg:$0xf] =	wrdreg s26  }
0x16: {  	s31 =	simm.s32 $0x2;
	s10 =	sadd.s32 s13, s1;
	[dreg:$0x10] =	wrdreg s8  }
0x17: {  	p0 =	sne.s32 s2, $0x0;
	s17 =	sadd.s32 s14, s1;
	[dreg:$0x11] =	wrdreg s10  }
0x18: {  	s18 =	sshrl.u32 s16, $0x3;
	s1 =	sadd.s32 s9, s1;
	[dreg:$0x13] =	wrdreg s17  }
0x19: {  	s0 =	simm.s32 $0x7;
	s19 =	sadd.s32 s6, s18;
	[dreg:$0x14] =	wrdreg s1  }
0x1a: {  	s20 =	sadd.s32 s7, s18;
	s21 =	sadd.s32 s13, s18;
	[dreg:$0x15] =	wrdreg s19  }
0x1b: {  	s22 =	sadd.s32 s14, s18;
	s23 =	sadd.s32 s9, s18;
	[dreg:$0x16] =	wrdreg s20  }
0x1c: {  	s24 =	sadd.s32 $0x960, s15;
	s25 =	sadd.s32 $0xC80, s15;
	[dreg:$0x17] =	wrdreg s21  }
0x1d: {  	s18 =	simm.s32 $0x320;
	s9 =	simm.s32 $0x9;
	[dreg:$0x18] =	wrdreg s22  }
0x1e: {  	s6 =	simm.s32 $0x6;
	s3 =	simm.s32 $0x0;
	[dreg:$0x19] =	wrdreg s23  }
0x1f: {  	v0 =	vlaneseq.u32;
	s8 =	smov.u32 s13;
	s10 =	smov.u32 s14;
	[dreg:$0x1b] =	wrdreg s24  }
0x20: {  	v0 =	vmul.u32 $0x8, v0;
	[dreg:$0x1c] =	wrdreg s25;
	s26 =	sadd.s32 $0xFA0, s15;
	s17 =	simm.s32 $0x1  }
0x21: {  	s19 =	simm.s32 $0xC990;
	s23 =	simm.s32 $0xE290;
	s24 =	simm.s32 $0x5  }
0x22: {  	v1 =	vor.u32 $0x1800, v0;
	v2 =	vor.u32 $0x1801, v0;
	v3 =	vor.u32 $0x1802, v0;
	s25 =	simm.s32 $0x11490;
	s14 =	simm.s32 $0x15F90;
	s22 =	simm.s32 $0x17890  }
0x23: {  	v4 =	vor.u32 $0x1880, v0;
	v5 =	vor.u32 $0x1881, v0;
	v6 =	vor.u32 $0x1882, v0;
	s13 =	simm.s32 $0xB;
	s20 =	simm.s32 $0xA;
	[dreg:$0x1d] =	wrdreg s26  }
.LBB2_1:
0x24: {  	[dreg:$0x1e] =	wrdreg s3  }
0x25: {  	s1 =	sshrl.u32 @!p0 s4, $0x3;
	s2 =	simm.s32 @!p0 $0x1C0D;
	s3 =	rddreg [dreg:$0x6]  }
0x26: {  	[spmem:s1], [sflag:s2] =	dma.local @!p0 [hbm:s3], $0x186A0  }
0x27: {  	s1 =	simm.s32 @!p0 $0xD  }
0x28: {  	_ =	swait.ge @!p0 [sflag:s1], $0x186A0  }
0x29: {  	[sflag:s1] =	ssyncset.done @!p0 $0x0  }
0x2a: {  	[sflag:s1] =	ssyncadd.s32 @!p0 $0xFFFE7960  }
0x2b: {  	[bflag:$0x0] =	sbarrier.arrive $0xFFFF  }
0x2c: {  	s2 =	simm.s32 $0xC350;
	s7 =	rddreg [dreg:$0x9]  }
0x2d: {  	[tilespmem:s2], [sflag:$0x1] =	stream.linear.gather [hbm4b:s7+s5], $0x320, $0x38;
	[tilespmem:$0x1A450] =	vst v63  }
0x2e: {  	s3 =	simm.s32 $0xC670;
	s15 =	rddreg [dreg:$0xb]  }
0x2f: {  	[tilespmem:s3], [sflag:$0x1] =	stream.linear.gather [hbm4b:s15+s5], $0x320, $0x38;
	[tilespmem:$0x1A450] =	vst v63  }
0x30: {  	s16 =	rddreg [dreg:$0xc];
	s7 =	simm.s32 $0xFB90  }
0x31: {  	[tilespmem:s7], [sflag:$0x2] =	stream.linear.gather [hbm4b:s16+s5], $0x320, $0x38;
	[tilespmem:$0x1A450] =	vst v63  }
0x32: {  	s26 =	simm.s32 $0xFEB0;
	s21 =	rddreg [dreg:$0xd]  }
0x33: {  	[tilespmem:s26], [sflag:$0x2] =	stream.linear.gather [hbm4b:s21+s5], $0x320, $0x38;
	[tilespmem:$0x1A450] =	vst v63  }
0x34: {  	s15 =	simm.s32 $0x101D0;
	s7 =	rddreg [dreg:$0xe]  }
0x35: {  	[tilespmem:s15], [sflag:$0x2] =	stream.linear.gather [hbm4b:s7+s5], $0x320, $0x38;
	[tilespmem:$0x1A450] =	vst v63  }
0x36: {  	s16 =	rddreg [dreg:$0xf]  }
0x37: {  	[tilespmem:s28], [sflag:$0x5] =	stream.linear.gather [hbm4b:s16+s5], $0x320, $0x38;
	[tilespmem:$0x1A450] =	vst v63  }
0x38: {  	s21 =	rddreg [dreg:$0x10];
	s26 =	simm.s32 $0x11170  }
0x39: {  	[tilespmem:s26], [sflag:$0x5] =	stream.linear.gather [hbm4b:s21+s5], $0x320, $0x38;
	[tilespmem:$0x1A450] =	vst v63  }
0x3a: {  	s15 =	rddreg [dreg:$0x11];
	s16 =	simm.s32 $0x14690  }
0x3b: {  	[tilespmem:s16], [sflag:$0x6] =	stream.linear.gather [hbm4b:s15+s5], $0x320, $0x38;
	[tilespmem:$0x1A450] =	vst v63  }
0x3c: {  	s21 =	rddreg [dreg:$0x13];
	s26 =	simm.s32 $0x149B0  }
0x3d: {  	[tilespmem:s26], [sflag:$0x6] =	stream.linear.gather [hbm4b:s21+s5], $0x320, $0x38;
	[tilespmem:$0x1A450] =	vst v63  }
0x3e: {  	s15 =	rddreg [dreg:$0x14];
	s16 =	simm.s32 $0x14CD0  }
0x3f: {  	[tilespmem:s16], [sflag:$0x6] =	stream.linear.gather [hbm4b:s15+s5], $0x320, $0x38;
	[tilespmem:$0x1A450] =	vst v63  }
0x40: {  	s21 =	rddreg [dreg:$0x15];
	s26 =	simm.s32 $0x15950  }
0x41: {  	[tilespmem:s26], [sflag:$0x9] =	stream.linear.gather [hbm4b:s21+s5], $0x320, $0x38;
	[tilespmem:$0x1A450] =	vst v63  }
0x42: {  	s15 =	rddreg [dreg:$0x16];
	s16 =	simm.s32 $0x15C70  }
0x43: {  	[tilespmem:s16], [sflag:$0x9] =	stream.linear.gather [hbm4b:s15+s5], $0x320, $0x38;
	[tilespmem:$0x1A450] =	vst v63  }
0x44: {  	s21 =	rddreg [dreg:$0x17];
	s26 =	simm.s32 $0x19190  }
0x45: {  	[tilespmem:s26], [sflag:$0xA] =	stream.linear.gather [hbm4b:s21+s5], $0x320, $0x38;
	[tilespmem:$0x1A450] =	vst v63  }
0x46: {  	s15 =	rddreg [dreg:$0x18];
	s16 =	simm.s32 $0x194B0  }
0x47: {  	[tilespmem:s16], [sflag:$0xA] =	stream.linear.gather [hbm4b:s15+s5], $0x320, $0x38;
	[tilespmem:$0x1A450] =	vst v63  }
0x48: {  	s21 =	rddreg [dreg:$0x19];
	s26 =	simm.s32 $0x197D0  }
0x49: {  	[tilespmem:s26], [sflag:$0xA] =	stream.linear.gather [hbm4b:s21+s5], $0x320, $0x38;
	[tilespmem:$0x1A450] =	vst v63  }
0x4a: {  	_ =	swait.ge [sflag:s17], $0x320  }
0x4b: {  	[sflag:s17] =	ssyncset.done $0x0  }
0x4c: {  	[sflag:s17] =	ssyncadd.s32 $0xFFFFFCE0  }
0x4d: {  	_ =	swait.ge [sflag:s17], $0x320  }
0x4e: {  	[sflag:s17] =	ssyncset.done $0x0  }
0x4f: {  	[sflag:s17] =	ssyncadd.s32 $0xFFFFFCE0  }
0x50: {  	[tilespmem:s19], [sflag:$0x3] =	stream.indirect.gather [spmem:s4], $0x8, s2, s18, $0xb8;
	[tilespmem:$0x1A450] =	vst v63  }
0x51: {  	s21 =	simm.s32 $0x0  }
0x52: {  	[tilespmem:s23], [sflag:$0x3] =	stream.indirect.gather [spmem:s4], $0x8, s3, s18, $0xb8;
	[tilespmem:$0x1A450] =	vst v63  }
.LBB2_2:
0x53: {  	_ =	swait.ge [sflag:s24], $0x320  }
0x54: {  	[sflag:s24] =	ssyncset.done $0x0  }
0x55: {  	[sflag:s24] =	ssyncadd.s32 $0xFFFFFCE0  }
0x56: {  	_ =	swait.ge [sflag:s24], $0x320  }
0x57: {  	[sflag:s24] =	ssyncset.done $0x0  }
0x58: {  	[sflag:s24] =	ssyncadd.s32 $0xFFFFFCE0  }
0x59: {  	[tilespmem:s25], [sflag:$0x7] =	stream.indirect.gather [spmem:s4], $0x8, s28, s18, $0xb8;
	[tilespmem:$0x1A450] =	vst v63  }
0x5a: {  	s1 =	simm.s32 $0x11170  }
0x5b: {  	[tilespmem:s29], [sflag:$0x7] =	stream.indirect.gather [spmem:s4], $0x8, s1, s18, $0xb8;
	[tilespmem:$0x1A450] =	vst v63  }
0x5c: {  	_ =	swait.ge [sflag:s30], $0x1900  }
0x5d: {  	[sflag:s30] =	ssyncset.done $0x0  }
0x5e: {  	[sflag:s30] =	ssyncadd.s32 $0xFFFFE700  }
0x5f: {  	_ =	swait.ge [sflag:s30], $0x1900  }
0x60: {  	[sflag:s30] =	ssyncset.done $0x0  }
0x61: {  	[sflag:s30] =	ssyncadd.s32 $0xFFFFE700  }
0x62: {  	_ =	swait.ge [sflag:s31], $0x320  }
0x63: {  	[sflag:s31] =	ssyncset.done $0x0  }
0x64: {  	[sflag:s31] =	ssyncadd.s32 $0xFFFFFCE0  }
0x65: {  	_ =	swait.ge [sflag:s31], $0x320  }
0x66: {  	[sflag:s31] =	ssyncset.done $0x0  }
0x67: {  	[sflag:s31] =	ssyncadd.s32 $0xFFFFFCE0  }
0x68: {  	_ =	swait.ge [sflag:s31], $0x320  }
0x69: {  	p1 =	seq.s32 s21, $0x0;
	[sflag:s31] =	ssyncset.done $0x0  }
0x6a: {  	s1 =	simm.s32 @!p1 $0x4;
	[sflag:s31] =	ssyncadd.s32 $0xFFFFFCE0  }
0x6b: {  	_ =	swait.ge @!p1 [sflag:s1], $0x320  }
0x6c: {  	s16 =	simm.s32 $0x0;
	[sflag:s1] =	ssyncset.done @!p1 $0x0  }
0x6d: {  	v7 =	vmov s16;
	[sflag:s1] =	ssyncadd.s32 @!p1 $0xFFFFFCE0  }
0x6e: {  	v7 =	vshll.u32 v7, $0x3;
	_ =	swait.ge @!p1 [sflag:s1], $0x320  }
0x6f: {  	v7 =	vor.u32 v0, v7;
	[sflag:s1] =	ssyncset.done @!p1 $0x0  }
0x70: {  	[sflag:s1] =	ssyncadd.s32 @!p1 $0xFFFFFCE0  }
0x71: {  	_ =	swait.ge @!p1 [sflag:s1], $0x320  }
0x72: {  	[sflag:s1] =	ssyncset.done @!p1 $0x0  }
0x73: {  	[sflag:s1] =	ssyncadd.s32 @!p1 $0xFFFFFCE0  }
0x74: {  	s1 =	simm.s32 $0x0;
	v8 =	vld.idx.msk [tilespmem:v7+s23+$0x0], $0xffff  }
0x75: {  	v9 =	vld [tilespmem:s1+$0xFB90];
	_ =	sdelay $0x1  }
0x76: {  	v10 =	vld.idx.msk [tilespmem:v7+s19+$0x0], $0xffff;
	_ =	sdelay $0x2  }
0x77: {  	v8 =	vadd.f32 v9, v8;
	v9 =	vor.u32 $0x1, v7;
	_ =	sdelay $0x1  }
0x78: {  	v8 =	vsub.f32 v8, v10;
	_ =	sdelay $0x1  }
0x79: {  	v10 =	vld [tilespmem:s1+$0xFEB0];
	[tilespmem:s1+$0x104F0] =	vst v8  }
0x7a: {  	v8 =	vld.idx.msk [tilespmem:v9+s23+$0x0], $0xffff;
	_ =	sdelay $0x1  }
0x7b: {  	v9 =	vld.idx.msk [tilespmem:v9+s19+$0x0], $0xffff;
	_ =	sdelay $0x2  }
0x7c: {  	v7 =	vor.u32 $0x2, v7;
	v8 =	vadd.f32 v10, v8;
	_ =	sdelay $0x1  }
0x7d: {  	v8 =	vsub.f32 v8, v9;
	_ =	sdelay $0x1  }
0x7e: {  	v9 =	vld [tilespmem:s1+$0x101D0];
	[tilespmem:s1+$0x10810] =	vst v8  }
0x7f: {  	v8 =	vld.idx.msk [tilespmem:v7+s23+$0x0], $0xffff;
	_ =	sdelay $0x1  }
0x80: {  	s2 =	simm.s32 $0x10;
	v7 =	vld.idx.msk [tilespmem:v7+s19+$0x0], $0xffff  }
0x81: {  	v10 =	vmov s2  }
0x82: {  	v10 =	vshll.u32 v10, $0x3  }
0x83: {  	v8 =	vadd.f32 v9, v8;
	v9 =	vor.u32 v0, v10;
	_ =	sdelay $0x1  }
0x84: {  	v7 =	vsub.f32 v8, v7;
	_ =	sdelay $0x1  }
0x85: {  	v8 =	vld [tilespmem:s1+$0xFBA0];
	[tilespmem:s1+$0x10B30] =	vst v7  }
0x86: {  	v7 =	vld.idx.msk [tilespmem:v9+s23+$0x0], $0xffff;
	_ =	sdelay $0x1  }
0x87: {  	v10 =	vld.idx.msk [tilespmem:v9+s19+$0x0], $0xffff;
	_ =	sdelay $0x2  }
0x88: {  	v7 =	vadd.f32 v8, v7;
	v8 =	vor.u32 $0x1, v9;
	_ =	sdelay $0x1  }
0x89: {  	v7 =	vsub.f32 v7, v10;
	_ =	sdelay $0x1  }
0x8a: {  	v10 =	vld [tilespmem:s1+$0xFEC0];
	[tilespmem:s1+$0x10500] =	vst v7  }
0x8b: {  	v7 =	vld.idx.msk [tilespmem:v8+s23+$0x0], $0xffff;
	_ =	sdelay $0x1  }
0x8c: {  	v8 =	vld.idx.msk [tilespmem:v8+s19+$0x0], $0xffff;
	_ =	sdelay $0x2  }
0x8d: {  	v9 =	vor.u32 $0x2, v9;
	v7 =	vadd.f32 v10, v7;
	_ =	sdelay $0x1  }
0x8e: {  	v7 =	vsub.f32 v7, v8;
	_ =	sdelay $0x1  }
0x8f: {  	v8 =	vld [tilespmem:s1+$0x101E0];
	[tilespmem:s1+$0x10820] =	vst v7  }
0x90: {  	v7 =	vld.idx.msk [tilespmem:v9+s23+$0x0], $0xffff;
	_ =	sdelay $0x1  }
0x91: {  	s15 =	simm.s32 $0x20;
	v9 =	vld.idx.msk [tilespmem:v9+s19+$0x0], $0xffff  }
0x92: {  	v10 =	vmov s15  }
0x93: {  	v10 =	vshll.u32 v10, $0x3  }
0x94: {  	v7 =	vadd.f32 v8, v7;
	v8 =	vor.u32 v0, v10;
	_ =	sdelay $0x1  }
0x95: {  	v7 =	vsub.f32 v7, v9;
	_ =	sdelay $0x1  }
0x96: {  	v9 =	vld [tilespmem:s1+$0xFBB0];
	[tilespmem:s1+$0x10B40] =	vst v7  }
0x97: {  	v7 =	vld.idx.msk [tilespmem:v8+s23+$0x0], $0xffff;
	_ =	sdelay $0x1  }
0x98: {  	v10 =	vld.idx.msk [tilespmem:v8+s19+$0x0], $0xffff;
	_ =	sdelay $0x2  }
0x99: {  	v7 =	vadd.f32 v9, v7;
	v9 =	vor.u32 $0x1, v8;
	_ =	sdelay $0x1  }
0x9a: {  	v7 =	vsub.f32 v7, v10;
	_ =	sdelay $0x1  }
0x9b: {  	[tilespmem:s1+$0x10510] =	vst v7;
	v7 =	vld [tilespmem:s1+$0xFED0]  }
0x9c: {  	v10 =	vld.idx.msk [tilespmem:v9+s23+$0x0], $0xffff;
	_ =	sdelay $0x1  }
0x9d: {  	v9 =	vld.idx.msk [tilespmem:v9+s19+$0x0], $0xffff;
	_ =	sdelay $0x2  }
0x9e: {  	v8 =	vor.u32 $0x2, v8;
	v7 =	vadd.f32 v7, v10;
	_ =	sdelay $0x1  }
0x9f: {  	v7 =	vsub.f32 v7, v9;
	_ =	sdelay $0x1  }
0xa0: {  	[tilespmem:s1+$0x10830] =	vst v7;
	v7 =	vld [tilespmem:s1+$0x101F0]  }
0xa1: {  	v9 =	vld.idx.msk [tilespmem:v8+s23+$0x0], $0xffff;
	_ =	sdelay $0x1  }
0xa2: {  	s26 =	simm.s32 $0x30;
	v8 =	vld.idx.msk [tilespmem:v8+s19+$0x0], $0xffff  }
0xa3: {  	v10 =	vmov s26  }
0xa4: {  	v10 =	vshll.u32 v10, $0x3  }
0xa5: {  	v7 =	vadd.f32 v7, v9;
	v9 =	vor.u32 v0, v10;
	_ =	sdelay $0x1  }
0xa6: {  	v7 =	vsub.f32 v7, v8;
	_ =	sdelay $0x1  }
0xa7: {  	[tilespmem:s1+$0x10B50] =	vst v7;
	v7 =	vld [tilespmem:s1+$0xFBC0]  }
0xa8: {  	v8 =	vld.idx.msk [tilespmem:v9+s23+$0x0], $0xffff;
	_ =	sdelay $0x1  }
0xa9: {  	v10 =	vld.idx.msk [tilespmem:v9+s19+$0x0], $0xffff;
	_ =	sdelay $0x2  }
0xaa: {  	v7 =	vadd.f32 v7, v8;
	v8 =	vor.u32 $0x1, v9;
	_ =	sdelay $0x1  }
0xab: {  	v7 =	vsub.f32 v7, v10;
	_ =	sdelay $0x1  }
0xac: {  	[tilespmem:s1+$0x10520] =	vst v7;
	v7 =	vld [tilespmem:s1+$0xFEE0]  }
0xad: {  	v10 =	vld.idx.msk [tilespmem:v8+s23+$0x0], $0xffff;
	_ =	sdelay $0x1  }
0xae: {  	v8 =	vld.idx.msk [tilespmem:v8+s19+$0x0], $0xffff;
	_ =	sdelay $0x2  }
0xaf: {  	v9 =	vor.u32 $0x2, v9;
	v7 =	vadd.f32 v7, v10;
	_ =	sdelay $0x1  }
0xb0: {  	v7 =	vsub.f32 v7, v8;
	_ =	sdelay $0x1  }
0xb1: {  	[tilespmem:s1+$0x10840] =	vst v7;
	v7 =	vld [tilespmem:s1+$0x10200]  }
0xb2: {  	v8 =	vld.idx.msk [tilespmem:v9+s23+$0x0], $0xffff;
	_ =	sdelay $0x1  }
0xb3: {  	s26 =	smul.u32 $0x3, s21  }
0xb4: {  	s2 =	simm.s32 $0x40;
	v9 =	vld.idx.msk [tilespmem:v9+s19+$0x0], $0xffff  }
0xb5: {  	s3 =	smin.u32 s26, $0xF8;
	v10 =	vmov s2  }
0xb6: {  	s3 =	smul.u32 $0x320, s3;
	v8 =	vadd.f32 v7, v8;
	v7 =	vshll.u32 v10, $0x3  }
0xb7: {  	s7 =	rddreg [dreg:$0xa];
	s15 =	smul.u32 $0x960, s21;
	v7 =	vor.u32 v0, v7  }
0xb8: {  	s28 =	sadd.s32 s3, s7;
	s7 =	rddreg [dreg:$0x7]  }
0xb9: {  	s3 =	simm.s32 $0x4;
	s15 =	sadd.s32 s7, s15;
	v8 =	vsub.f32 v8, v9  }
.LBB2_3:
0xba: {  	_ = 	snop  }
0xbb: {  	s3 =	sadd.s32 $0x4, s3;
	s16 =	sadd.s32 $0x100, s16;
	[tilespmem:s1+$0x10B60] =	vst v8  }
0xbc: {  	p2 =	slt.u32 s3, $0x2C;
	s1 =	sshra.s32 s16, $0x2;
	v8 =	vld.idx.msk [tilespmem:v7+s23+$0x0], $0xffff  }
0xbd: {  	v9 =	vld [tilespmem:s1+$0xFB90]  }
0xbe: {  	v10 =	vld.idx.msk [tilespmem:v7+s19+$0x0], $0xffff;
	_ =	sdelay $0x3  }
0xbf: {  	v8 =	vadd.f32 v9, v8;
	v9 =	vor.u32 $0x1, v7;
	_ =	sdelay $0x1  }
0xc0: {  	v8 =	vsub.f32 v8, v10;
	_ =	sdelay $0x1  }
0xc1: {  	[tilespmem:s1+$0x104F0] =	vst v8  }
0xc2: {  	v8 =	vld.idx.msk [tilespmem:v9+s23+$0x0], $0xffff  }
0xc3: {  	v10 =	vld [tilespmem:s1+$0xFEB0]  }
0xc4: {  	v9 =	vld.idx.msk [tilespmem:v9+s19+$0x0], $0xffff;
	_ =	sdelay $0x3  }
0xc5: {  	v7 =	vor.u32 $0x2, v7;
	v8 =	vadd.f32 v10, v8;
	_ =	sdelay $0x1  }
0xc6: {  	v8 =	vsub.f32 v8, v9;
	_ =	sdelay $0x1  }
0xc7: {  	[tilespmem:s1+$0x10810] =	vst v8  }
0xc8: {  	v8 =	vld.idx.msk [tilespmem:v7+s23+$0x0], $0xffff  }
0xc9: {  	v9 =	vld [tilespmem:s1+$0x101D0]  }
0xca: {  	v7 =	vld.idx.msk [tilespmem:v7+s19+$0x0], $0xffff  }
0xcb: {  	s7 =	sadd.s32 $0x10, s2  }
0xcc: {  	v10 =	vmov s7  }
0xcd: {  	v10 =	vshll.u32 v10, $0x3  }
0xce: {  	v8 =	vadd.f32 v9, v8;
	v9 =	vor.u32 v0, v10;
	_ =	sdelay $0x1  }
0xcf: {  	v7 =	vsub.f32 v8, v7;
	_ =	sdelay $0x1  }
0xd0: {  	[tilespmem:s1+$0x10B30] =	vst v7  }
0xd1: {  	v7 =	vld.idx.msk [tilespmem:v9+s23+$0x0], $0xffff  }
0xd2: {  	v8 =	vld [tilespmem:s1+$0xFBA0]  }
0xd3: {  	v10 =	vld.idx.msk [tilespmem:v9+s19+$0x0], $0xffff;
	_ =	sdelay $0x3  }
0xd4: {  	v7 =	vadd.f32 v8, v7;
	v8 =	vor.u32 $0x1, v9;
	_ =	sdelay $0x1  }
0xd5: {  	v7 =	vsub.f32 v7, v10;
	_ =	sdelay $0x1  }
0xd6: {  	[tilespmem:s1+$0x10500] =	vst v7  }
0xd7: {  	v7 =	vld.idx.msk [tilespmem:v8+s23+$0x0], $0xffff  }
0xd8: {  	v10 =	vld [tilespmem:s1+$0xFEC0]  }
0xd9: {  	v8 =	vld.idx.msk [tilespmem:v8+s19+$0x0], $0xffff;
	_ =	sdelay $0x3  }
0xda: {  	v9 =	vor.u32 $0x2, v9;
	v7 =	vadd.f32 v10, v7;
	_ =	sdelay $0x1  }
0xdb: {  	v7 =	vsub.f32 v7, v8;
	_ =	sdelay $0x1  }
0xdc: {  	[tilespmem:s1+$0x10820] =	vst v7  }
0xdd: {  	v7 =	vld.idx.msk [tilespmem:v9+s23+$0x0], $0xffff  }
0xde: {  	v8 =	vld [tilespmem:s1+$0x101E0]  }
0xdf: {  	v9 =	vld.idx.msk [tilespmem:v9+s19+$0x0], $0xffff  }
0xe0: {  	s7 =	sadd.s32 $0x20, s2  }
0xe1: {  	v10 =	vmov s7  }
0xe2: {  	v10 =	vshll.u32 v10, $0x3  }
0xe3: {  	v7 =	vadd.f32 v8, v7;
	v8 =	vor.u32 v0, v10;
	_ =	sdelay $0x1  }
0xe4: {  	v7 =	vsub.f32 v7, v9;
	_ =	sdelay $0x1  }
0xe5: {  	[tilespmem:s1+$0x10B40] =	vst v7  }
0xe6: {  	v7 =	vld.idx.msk [tilespmem:v8+s23+$0x0], $0xffff  }
0xe7: {  	v9 =	vld [tilespmem:s1+$0xFBB0]  }
0xe8: {  	v10 =	vld.idx.msk [tilespmem:v8+s19+$0x0], $0xffff;
	_ =	sdelay $0x3  }
0xe9: {  	v7 =	vadd.f32 v9, v7;
	v9 =	vor.u32 $0x1, v8;
	_ =	sdelay $0x1  }
0xea: {  	v7 =	vsub.f32 v7, v10;
	_ =	sdelay $0x1  }
0xeb: {  	[tilespmem:s1+$0x10510] =	vst v7;
	v7 =	vld [tilespmem:s1+$0xFED0]  }
0xec: {  	v10 =	vld.idx.msk [tilespmem:v9+s23+$0x0], $0xffff  }
0xed: {  	v9 =	vld.idx.msk [tilespmem:v9+s19+$0x0], $0xffff;
	_ =	sdelay $0x4  }
0xee: {  	v8 =	vor.u32 $0x2, v8;
	v7 =	vadd.f32 v7, v10;
	_ =	sdelay $0x1  }
0xef: {  	v7 =	vsub.f32 v7, v9;
	_ =	sdelay $0x1  }
0xf0: {  	[tilespmem:s1+$0x10830] =	vst v7;
	v7 =	vld [tilespmem:s1+$0x101F0]  }
0xf1: {  	v9 =	vld.idx.msk [tilespmem:v8+s23+$0x0], $0xffff  }
0xf2: {  	v8 =	vld.idx.msk [tilespmem:v8+s19+$0x0], $0xffff;
	_ =	sdelay $0x1  }
0xf3: {  	s7 =	sadd.s32 $0x30, s2  }
0xf4: {  	v10 =	vmov s7  }
0xf5: {  	v10 =	vshll.u32 v10, $0x3  }
0xf6: {  	v7 =	vadd.f32 v7, v9;
	v9 =	vor.u32 v0, v10;
	_ =	sdelay $0x1  }
0xf7: {  	v7 =	vsub.f32 v7, v8;
	_ =	sdelay $0x1  }
0xf8: {  	[tilespmem:s1+$0x10B50] =	vst v7;
	v7 =	vld [tilespmem:s1+$0xFBC0]  }
0xf9: {  	v8 =	vld.idx.msk [tilespmem:v9+s23+$0x0], $0xffff  }
0xfa: {  	v10 =	vld.idx.msk [tilespmem:v9+s19+$0x0], $0xffff;
	_ =	sdelay $0x4  }
0xfb: {  	v7 =	vadd.f32 v7, v8;
	v8 =	vor.u32 $0x1, v9;
	_ =	sdelay $0x1  }
0xfc: {  	v7 =	vsub.f32 v7, v10;
	_ =	sdelay $0x1  }
0xfd: {  	[tilespmem:s1+$0x10520] =	vst v7;
	v7 =	vld [tilespmem:s1+$0xFEE0]  }
0xfe: {  	v10 =	vld.idx.msk [tilespmem:v8+s23+$0x0], $0xffff  }
0xff: {  	v8 =	vld.idx.msk [tilespmem:v8+s19+$0x0], $0xffff;
	_ =	sdelay $0x4  }
0x100: {  	v9 =	vor.u32 $0x2, v9;
	v7 =	vadd.f32 v7, v10;
	_ =	sdelay $0x1  }
0x101: {  	v7 =	vsub.f32 v7, v8;
	_ =	sdelay $0x1  }
0x102: {  	[tilespmem:s1+$0x10840] =	vst v7;
	v8 =	vld [tilespmem:s1+$0x10200]  }
0x103: {  	v10 =	vld.idx.msk [tilespmem:v9+s23+$0x0], $0xffff  }
0x104: {  	v9 =	vld.idx.msk [tilespmem:v9+s19+$0x0], $0xffff;
	_ =	sdelay $0x1  }
0x105: {  	s2 =	sadd.s32 $0x40, s2  }
.Ltmp0:
0x106: {  	v7 =	vmov s2;
	(pc) =	sbr.rel @p2 .LBB2_3-.Ltmp0, $3  }
0x107: {  	v7 =	vshll.u32 v7, $0x3  }
0x108: {  	v7 =	vor.u32 v0, v7;
	v8 =	vadd.f32 v8, v10;
	_ =	sdelay $0x1  }
0x109: {  	v8 =	vsub.f32 v8, v9  }
0x10a: {  	_ =	sdelay $0x2  }
0x10b: {  	s7 =	sadd.s32 $0x100, s16;
	[tilespmem:s1+$0x10B60] =	vst v8  }
0x10c: {  	s1 =	sshra.s32 s7, $0x2;
	v8 =	vld.idx.msk [tilespmem:v7+s23+$0x0], $0xffff  }
0x10d: {  	v9 =	vld [tilespmem:s1+$0xFB90];
	_ =	sdelay $0x1  }
0x10e: {  	v10 =	vld.idx.msk [tilespmem:v7+s19+$0x0], $0xffff;
	_ =	sdelay $0x2  }
0x10f: {  	v8 =	vadd.f32 v9, v8;
	v9 =	vor.u32 $0x1, v7;
	_ =	sdelay $0x1  }
0x110: {  	v8 =	vsub.f32 v8, v10;
	_ =	sdelay $0x1  }
0x111: {  	v10 =	vld [tilespmem:s1+$0xFEB0];
	[tilespmem:s1+$0x104F0] =	vst v8  }
0x112: {  	v8 =	vld.idx.msk [tilespmem:v9+s23+$0x0], $0xffff;
	_ =	sdelay $0x1  }
0x113: {  	v9 =	vld.idx.msk [tilespmem:v9+s19+$0x0], $0xffff;
	_ =	sdelay $0x2  }
0x114: {  	v7 =	vor.u32 $0x2, v7;
	v8 =	vadd.f32 v10, v8;
	_ =	sdelay $0x1  }
0x115: {  	v8 =	vsub.f32 v8, v9;
	_ =	sdelay $0x1  }
0x116: {  	v9 =	vld [tilespmem:s1+$0x101D0];
	[tilespmem:s1+$0x10810] =	vst v8  }
0x117: {  	v8 =	vld.idx.msk [tilespmem:v7+s23+$0x0], $0xffff;
	_ =	sdelay $0x1  }
0x118: {  	s3 =	sadd.s32 $0x10, s2;
	v7 =	vld.idx.msk [tilespmem:v7+s19+$0x0], $0xffff  }
0x119: {  	v10 =	vmov s3  }
0x11a: {  	v10 =	vshll.u32 v10, $0x3  }
0x11b: {  	v8 =	vadd.f32 v9, v8;
	v9 =	vor.u32 v0, v10;
	_ =	sdelay $0x1  }
0x11c: {  	v7 =	vsub.f32 v8, v7;
	_ =	sdelay $0x1  }
0x11d: {  	v8 =	vld [tilespmem:s1+$0xFBA0];
	[tilespmem:s1+$0x10B30] =	vst v7  }
0x11e: {  	v7 =	vld.idx.msk [tilespmem:v9+s23+$0x0], $0xffff;
	_ =	sdelay $0x1  }
0x11f: {  	v10 =	vld.idx.msk [tilespmem:v9+s19+$0x0], $0xffff;
	_ =	sdelay $0x2  }
0x120: {  	v7 =	vadd.f32 v8, v7;
	v8 =	vor.u32 $0x1, v9;
	_ =	sdelay $0x1  }
0x121: {  	v7 =	vsub.f32 v7, v10;
	_ =	sdelay $0x1  }
0x122: {  	v10 =	vld [tilespmem:s1+$0xFEC0];
	[tilespmem:s1+$0x10500] =	vst v7  }
0x123: {  	v7 =	vld.idx.msk [tilespmem:v8+s23+$0x0], $0xffff;
	_ =	sdelay $0x1  }
0x124: {  	v8 =	vld.idx.msk [tilespmem:v8+s19+$0x0], $0xffff;
	_ =	sdelay $0x2  }
0x125: {  	v9 =	vor.u32 $0x2, v9;
	v7 =	vadd.f32 v10, v7;
	_ =	sdelay $0x1  }
0x126: {  	v7 =	vsub.f32 v7, v8;
	_ =	sdelay $0x1  }
0x127: {  	v8 =	vld [tilespmem:s1+$0x101E0];
	[tilespmem:s1+$0x10820] =	vst v7  }
0x128: {  	v7 =	vld.idx.msk [tilespmem:v9+s23+$0x0], $0xffff;
	_ =	sdelay $0x1  }
0x129: {  	s16 =	sadd.s32 $0x20, s2;
	v9 =	vld.idx.msk [tilespmem:v9+s19+$0x0], $0xffff  }
0x12a: {  	v10 =	vmov s16  }
0x12b: {  	v10 =	vshll.u32 v10, $0x3  }
0x12c: {  	v7 =	vadd.f32 v8, v7;
	v8 =	vor.u32 v0, v10;
	_ =	sdelay $0x1  }
0x12d: {  	v7 =	vsub.f32 v7, v9;
	_ =	sdelay $0x1  }
0x12e: {  	v9 =	vld [tilespmem:s1+$0xFBB0];
	[tilespmem:s1+$0x10B40] =	vst v7  }
0x12f: {  	v7 =	vld.idx.msk [tilespmem:v8+s23+$0x0], $0xffff;
	_ =	sdelay $0x1  }
0x130: {  	v10 =	vld.idx.msk [tilespmem:v8+s19+$0x0], $0xffff;
	_ =	sdelay $0x2  }
0x131: {  	v7 =	vadd.f32 v9, v7;
	v9 =	vor.u32 $0x1, v8;
	_ =	sdelay $0x1  }
0x132: {  	v7 =	vsub.f32 v7, v10;
	_ =	sdelay $0x1  }
0x133: {  	[tilespmem:s1+$0x10510] =	vst v7;
	v7 =	vld [tilespmem:s1+$0xFED0]  }
0x134: {  	v10 =	vld.idx.msk [tilespmem:v9+s23+$0x0], $0xffff;
	_ =	sdelay $0x1  }
0x135: {  	v9 =	vld.idx.msk [tilespmem:v9+s19+$0x0], $0xffff;
	_ =	sdelay $0x2  }
0x136: {  	v8 =	vor.u32 $0x2, v8;
	v7 =	vadd.f32 v7, v10;
	_ =	sdelay $0x1  }
0x137: {  	v7 =	vsub.f32 v7, v9;
	_ =	sdelay $0x1  }
0x138: {  	[tilespmem:s1+$0x10830] =	vst v7;
	v7 =	vld [tilespmem:s1+$0x101F0]  }
0x139: {  	v9 =	vld.idx.msk [tilespmem:v8+s23+$0x0], $0xffff;
	_ =	sdelay $0x1  }
0x13a: {  	s7 =	sadd.s32 $0x30, s2;
	v8 =	vld.idx.msk [tilespmem:v8+s19+$0x0], $0xffff  }
0x13b: {  	v10 =	vmov s7  }
0x13c: {  	v10 =	vshll.u32 v10, $0x3  }
0x13d: {  	v7 =	vadd.f32 v7, v9;
	v9 =	vor.u32 v0, v10;
	_ =	sdelay $0x1  }
0x13e: {  	v7 =	vsub.f32 v7, v8;
	_ =	sdelay $0x1  }
0x13f: {  	[tilespmem:s1+$0x10B50] =	vst v7;
	v7 =	vld [tilespmem:s1+$0xFBC0]  }
0x140: {  	v8 =	vld.idx.msk [tilespmem:v9+s23+$0x0], $0xffff;
	_ =	sdelay $0x1  }
0x141: {  	v10 =	vld.idx.msk [tilespmem:v9+s19+$0x0], $0xffff;
	_ =	sdelay $0x2  }
0x142: {  	v7 =	vadd.f32 v7, v8;
	v8 =	vor.u32 $0x1, v9;
	_ =	sdelay $0x1  }
0x143: {  	v7 =	vsub.f32 v7, v10;
	_ =	sdelay $0x1  }
0x144: {  	[tilespmem:s1+$0x10520] =	vst v7;
	v7 =	vld [tilespmem:s1+$0xFEE0]  }
0x145: {  	v10 =	vld.idx.msk [tilespmem:v8+s23+$0x0], $0xffff;
	_ =	sdelay $0x1  }
0x146: {  	v8 =	vld.idx.msk [tilespmem:v8+s19+$0x0], $0xffff;
	_ =	sdelay $0x2  }
0x147: {  	v9 =	vor.u32 $0x2, v9;
	v7 =	vadd.f32 v7, v10;
	_ =	sdelay $0x1  }
0x148: {  	v7 =	vsub.f32 v7, v8;
	_ =	sdelay $0x1  }
0x149: {  	[tilespmem:s1+$0x10840] =	vst v7;
	v7 =	vld [tilespmem:s1+$0x10200]  }
0x14a: {  	v8 =	vld.idx.msk [tilespmem:v9+s23+$0x0], $0xffff;
	_ =	sdelay $0x1  }
0x14b: {  	v9 =	vld.idx.msk [tilespmem:v9+s19+$0x0], $0xffff;
	_ =	sdelay $0x2  }
0x14c: {  	v7 =	vadd.f32 v7, v8;
	_ =	sdelay $0x1  }
0x14d: {  	v7 =	vsub.f32 v7, v9;
	_ =	sdelay $0x1  }
0x14e: {  	[tilespmem:s1+$0x10B60] =	vst v7  }
0x14f: {  	v7 =	vld.idx.msk [tilespmem:v1+s23+$0x0], $0xffff  }
0x150: {  	v8 =	vld [tilespmem:$0xFE90];
	_ =	sdelay $0x1  }
0x151: {  	v9 =	vld.idx.msk [tilespmem:v1+s19+$0x0], $0xffff;
	_ =	sdelay $0x2  }
0x152: {  	v7 =	vadd.f32 v8, v7;
	_ =	sdelay $0x1  }
0x153: {  	v7 =	vsub.f32 v7, v9;
	_ =	sdelay $0x1  }
0x154: {  	v8 =	vld [tilespmem:$0x101B0];
	[tilespmem:$0x107F0] =	vst v7  }
0x155: {  	v7 =	vld.idx.msk [tilespmem:v2+s23+$0x0], $0xffff;
	_ =	sdelay $0x1  }
0x156: {  	v9 =	vld.idx.msk [tilespmem:v2+s19+$0x0], $0xffff;
	_ =	sdelay $0x2  }
0x157: {  	v7 =	vadd.f32 v8, v7;
	_ =	sdelay $0x1  }
0x158: {  	v7 =	vsub.f32 v7, v9;
	_ =	sdelay $0x1  }
0x159: {  	v8 =	vld [tilespmem:$0x104D0];
	[tilespmem:$0x10B10] =	vst v7  }
0x15a: {  	v7 =	vld.idx.msk [tilespmem:v3+s23+$0x0], $0xffff;
	_ =	sdelay $0x1  }
0x15b: {  	v9 =	vld.idx.msk [tilespmem:v3+s19+$0x0], $0xffff;
	_ =	sdelay $0x2  }
0x15c: {  	v7 =	vadd.f32 v8, v7;
	_ =	sdelay $0x1  }
0x15d: {  	v7 =	vsub.f32 v7, v9;
	_ =	sdelay $0x1  }
0x15e: {  	v8 =	vld [tilespmem:$0xFEA0];
	[tilespmem:$0x10E30] =	vst v7  }
0x15f: {  	v7 =	vld.idx.msk [tilespmem:v4+s23+$0x0], $0xffff;
	_ =	sdelay $0x1  }
0x160: {  	v9 =	vld.idx.msk [tilespmem:v4+s19+$0x0], $0xffff;
	_ =	sdelay $0x2  }
0x161: {  	v7 =	vadd.f32 v8, v7;
	_ =	sdelay $0x1  }
0x162: {  	v7 =	vsub.f32 v7, v9;
	_ =	sdelay $0x1  }
0x163: {  	v8 =	vld [tilespmem:$0x101C0];
	[tilespmem:$0x10800] =	vst v7  }
0x164: {  	v7 =	vld.idx.msk [tilespmem:v5+s23+$0x0], $0xffff;
	_ =	sdelay $0x1  }
0x165: {  	v9 =	vld.idx.msk [tilespmem:v5+s19+$0x0], $0xffff;
	_ =	sdelay $0x2  }
0x166: {  	v7 =	vadd.f32 v8, v7;
	_ =	sdelay $0x1  }
0x167: {  	v7 =	vsub.f32 v7, v9;
	_ =	sdelay $0x1  }
0x168: {  	v8 =	vld [tilespmem:$0x104E0];
	[tilespmem:$0x10B20] =	vst v7  }
0x169: {  	v7 =	vld.idx.msk [tilespmem:v6+s23+$0x0], $0xffff;
	_ =	sdelay $0x1  }
0x16a: {  	v9 =	vld.idx.msk [tilespmem:v6+s19+$0x0], $0xffff;
	_ =	sdelay $0x2  }
0x16b: {  	v7 =	vadd.f32 v8, v7;
	_ =	sdelay $0x1  }
0x16c: {  	v7 =	vsub.f32 v7, v9  }
0x16d: {  	s1 =	sshrl.u32 s15, $0x3;
	s15 =	rddreg [dreg:$0x8]  }
0x16e: {  	s16 =	simm.s32 $0x104F0;
	s7 =	simm.s32 $0x10810;
	s2 =	sadd.s32 s15, s1;
	[tilespmem:$0x10E40] =	vst v7  }
0x16f: {  	[hbm4b:s2+s5] =	stream.linear.scatter [tilespmem:s16], [sflag:$0x4], $0x320, $0x38;
	[tilespmem:$0x1A450] =	vst v63  }
0x170: {  	s3 =	sadd.s32 s11, s1;
	s15 =	smin.u32 s26, $0xF6;
	s1 =	sadd.s32 s12, s1  }
0x171: {  	[hbm4b:s3+s5] =	stream.linear.scatter [tilespmem:s7], [sflag:$0x4], $0x320, $0x38;
	[tilespmem:$0x1A450] =	vst v63  }
0x172: {  	s2 =	smul.u32 $0x320, s15;
	s16 =	simm.s32 $0x10B30;
	s7 =	rddreg [dreg:$0x1b]  }
0x173: {  	[hbm4b:s1+s5] =	stream.linear.scatter [tilespmem:s16], [sflag:$0x4], $0x320, $0x38;
	[tilespmem:$0x1A450] =	vst v63  }
0x174: {  	s1 =	sadd.s32 s2, s7  }
0x175: {  	s15 =	rddreg [dreg:$0x1];
	s1 =	sshrl.u32 s1, $0x3  }
0x176: {  	s3 =	rddreg [dreg:$0x2];
	s16 =	simm.s32 $0xC350;
	s2 =	sadd.s32 s15, s1  }
0x177: {  	[tilespmem:s16], [sflag:$0x1] =	stream.linear.gather [hbm4b:s2+s5], $0x320, $0x38;
	[tilespmem:$0x1A450] =	vst v63  }
0x178: {  	s7 =	simm.s32 $0xC670;
	s2 =	sadd.s32 s3, s1  }
0x179: {  	[tilespmem:s7], [sflag:$0x1] =	stream.linear.gather [hbm4b:s2+s5], $0x320, $0x38;
	[tilespmem:$0x1A450] =	vst v63  }
0x17a: {  	s15 =	sadd.s32 s8, s1;
	s16 =	simm.s32 $0xFB90  }
0x17b: {  	[tilespmem:s16], [sflag:$0x2] =	stream.linear.gather [hbm4b:s15+s5], $0x320, $0x38;
	[tilespmem:$0x1A450] =	vst v63  }
0x17c: {  	s3 =	sadd.s32 s10, s1;
	s7 =	simm.s32 $0xFEB0;
	s15 =	rddreg [dreg:$0x3]  }
0x17d: {  	[tilespmem:s7], [sflag:$0x2] =	stream.linear.gather [hbm4b:s3+s5], $0x320, $0x38;
	[tilespmem:$0x1A450] =	vst v63  }
0x17e: {  	s16 =	simm.s32 $0x101D0;
	s1 =	sadd.s32 s15, s1  }
0x17f: {  	[tilespmem:s16], [sflag:$0x2] =	stream.linear.gather [hbm4b:s1+s5], $0x320, $0x38;
	[tilespmem:$0x1A450] =	vst v63  }
0x180: {  	_ =	swait.ge [sflag:s9], $0x320  }
0x181: {  	[sflag:s9] =	ssyncset.done $0x0  }
0x182: {  	[sflag:s9] =	ssyncadd.s32 $0xFFFFFCE0  }
0x183: {  	_ =	swait.ge [sflag:s9], $0x320  }
0x184: {  	[sflag:s9] =	ssyncset.done $0x0  }
0x185: {  	s3 =	simm.s32 $0x15950;
	[sflag:s9] =	ssyncadd.s32 $0xFFFFFCE0  }
0x186: {  	[tilespmem:s14], [sflag:$0xB] =	stream.indirect.gather [spmem:s4], $0x8, s3, s18, $0xb8;
	[tilespmem:$0x1A450] =	vst v63  }
0x187: {  	s7 =	simm.s32 $0x15C70  }
0x188: {  	[tilespmem:s22], [sflag:$0xB] =	stream.indirect.gather [spmem:s4], $0x8, s7, s18, $0xb8;
	[tilespmem:$0x1A450] =	vst v63  }
0x189: {  	_ =	swait.ge [sflag:s0], $0x1900  }
0x18a: {  	[sflag:s0] =	ssyncset.done $0x0  }
0x18b: {  	[sflag:s0] =	ssyncadd.s32 $0xFFFFE700  }
0x18c: {  	_ =	swait.ge [sflag:s0], $0x1900  }
0x18d: {  	[sflag:s0] =	ssyncset.done $0x0  }
0x18e: {  	[sflag:s0] =	ssyncadd.s32 $0xFFFFE700  }
0x18f: {  	_ =	swait.ge [sflag:s6], $0x320  }
0x190: {  	[sflag:s6] =	ssyncset.done $0x0  }
0x191: {  	[sflag:s6] =	ssyncadd.s32 $0xFFFFFCE0  }
0x192: {  	_ =	swait.ge [sflag:s6], $0x320  }
0x193: {  	[sflag:s6] =	ssyncset.done $0x0  }
0x194: {  	[sflag:s6] =	ssyncadd.s32 $0xFFFFFCE0  }
0x195: {  	_ =	swait.ge [sflag:s6], $0x320  }
0x196: {  	[sflag:s6] =	ssyncset.done $0x0  }
0x197: {  	s1 =	simm.s32 @!p1 $0x8;
	[sflag:s6] =	ssyncadd.s32 $0xFFFFFCE0  }
0x198: {  	_ =	swait.ge @!p1 [sflag:s1], $0x320  }
0x199: {  	s16 =	simm.s32 $0x0;
	[sflag:s1] =	ssyncset.done @!p1 $0x0  }
0x19a: {  	v7 =	vmov s16;
	[sflag:s1] =	ssyncadd.s32 @!p1 $0xFFFFFCE0  }
0x19b: {  	v7 =	vshll.u32 v7, $0x3;
	_ =	swait.ge @!p1 [sflag:s1], $0x320  }
0x19c: {  	v7 =	vor.u32 v0, v7;
	[sflag:s1] =	ssyncset.done @!p1 $0x0  }
0x19d: {  	[sflag:s1] =	ssyncadd.s32 @!p1 $0xFFFFFCE0  }
0x19e: {  	_ =	swait.ge @!p1 [sflag:s1], $0x320  }
0x19f: {  	[sflag:s1] =	ssyncset.done @!p1 $0x0  }
0x1a0: {  	[sflag:s1] =	ssyncadd.s32 @!p1 $0xFFFFFCE0  }
0x1a1: {  	s1 =	simm.s32 $0x0;
	v8 =	vld.idx.msk [tilespmem:v7+s29+$0x0], $0xffff  }
0x1a2: {  	v9 =	vld [tilespmem:s1+$0x14690];
	_ =	sdelay $0x1  }
0x1a3: {  	v10 =	vld.idx.msk [tilespmem:v7+s25+$0x0], $0xffff;
	_ =	sdelay $0x2  }
0x1a4: {  	v8 =	vadd.f32 v9, v8;
	v9 =	vor.u32 $0x1, v7;
	_ =	sdelay $0x1  }
0x1a5: {  	v8 =	vsub.f32 v8, v10;
	_ =	sdelay $0x1  }
0x1a6: {  	v10 =	vld [tilespmem:s1+$0x149B0];
	[tilespmem:s1+$0x14FF0] =	vst v8  }
0x1a7: {  	v8 =	vld.idx.msk [tilespmem:v9+s29+$0x0], $0xffff;
	_ =	sdelay $0x1  }
0x1a8: {  	v9 =	vld.idx.msk [tilespmem:v9+s25+$0x0], $0xffff;
	_ =	sdelay $0x2  }
0x1a9: {  	v7 =	vor.u32 $0x2, v7;
	v8 =	vadd.f32 v10, v8;
	_ =	sdelay $0x1  }
0x1aa: {  	v8 =	vsub.f32 v8, v9;
	_ =	sdelay $0x1  }
0x1ab: {  	v9 =	vld [tilespmem:s1+$0x14CD0];
	[tilespmem:s1+$0x15310] =	vst v8  }
0x1ac: {  	v8 =	vld.idx.msk [tilespmem:v7+s29+$0x0], $0xffff;
	_ =	sdelay $0x1  }
0x1ad: {  	s15 =	simm.s32 $0x10;
	v7 =	vld.idx.msk [tilespmem:v7+s25+$0x0], $0xffff  }
0x1ae: {  	v10 =	vmov s15  }
0x1af: {  	v10 =	vshll.u32 v10, $0x3  }
0x1b0: {  	v8 =	vadd.f32 v9, v8;
	v9 =	vor.u32 v0, v10;
	_ =	sdelay $0x1  }
0x1b1: {  	v7 =	vsub.f32 v8, v7;
	_ =	sdelay $0x1  }
0x1b2: {  	v8 =	vld [tilespmem:s1+$0x146A0];
	[tilespmem:s1+$0x15630] =	vst v7  }
0x1b3: {  	v7 =	vld.idx.msk [tilespmem:v9+s29+$0x0], $0xffff;
	_ =	sdelay $0x1  }
0x1b4: {  	v10 =	vld.idx.msk [tilespmem:v9+s25+$0x0], $0xffff;
	_ =	sdelay $0x2  }
0x1b5: {  	v7 =	vadd.f32 v8, v7;
	v8 =	vor.u32 $0x1, v9;
	_ =	sdelay $0x1  }
0x1b6: {  	v7 =	vsub.f32 v7, v10;
	_ =	sdelay $0x1  }
0x1b7: {  	v10 =	vld [tilespmem:s1+$0x149C0];
	[tilespmem:s1+$0x15000] =	vst v7  }
0x1b8: {  	v7 =	vld.idx.msk [tilespmem:v8+s29+$0x0], $0xffff;
	_ =	sdelay $0x1  }
0x1b9: {  	v8 =	vld.idx.msk [tilespmem:v8+s25+$0x0], $0xffff;
	_ =	sdelay $0x2  }
0x1ba: {  	v9 =	vor.u32 $0x2, v9;
	v7 =	vadd.f32 v10, v7;
	_ =	sdelay $0x1  }
0x1bb: {  	v7 =	vsub.f32 v7, v8;
	_ =	sdelay $0x1  }
0x1bc: {  	v8 =	vld [tilespmem:s1+$0x14CE0];
	[tilespmem:s1+$0x15320] =	vst v7  }
0x1bd: {  	v7 =	vld.idx.msk [tilespmem:v9+s29+$0x0], $0xffff;
	_ =	sdelay $0x1  }
0x1be: {  	s3 =	simm.s32 $0x20;
	v9 =	vld.idx.msk [tilespmem:v9+s25+$0x0], $0xffff  }
0x1bf: {  	v10 =	vmov s3  }
0x1c0: {  	v10 =	vshll.u32 v10, $0x3  }
0x1c1: {  	v7 =	vadd.f32 v8, v7;
	v8 =	vor.u32 v0, v10;
	_ =	sdelay $0x1  }
0x1c2: {  	v7 =	vsub.f32 v7, v9;
	_ =	sdelay $0x1  }
0x1c3: {  	v9 =	vld [tilespmem:s1+$0x146B0];
	[tilespmem:s1+$0x15640] =	vst v7  }
0x1c4: {  	v7 =	vld.idx.msk [tilespmem:v8+s29+$0x0], $0xffff;
	_ =	sdelay $0x1  }
0x1c5: {  	v10 =	vld.idx.msk [tilespmem:v8+s25+$0x0], $0xffff;
	_ =	sdelay $0x2  }
0x1c6: {  	v7 =	vadd.f32 v9, v7;
	v9 =	vor.u32 $0x1, v8;
	_ =	sdelay $0x1  }
0x1c7: {  	v7 =	vsub.f32 v7, v10;
	_ =	sdelay $0x1  }
0x1c8: {  	[tilespmem:s1+$0x15010] =	vst v7;
	v7 =	vld [tilespmem:s1+$0x149D0]  }
0x1c9: {  	v10 =	vld.idx.msk [tilespmem:v9+s29+$0x0], $0xffff;
	_ =	sdelay $0x1  }
0x1ca: {  	v9 =	vld.idx.msk [tilespmem:v9+s25+$0x0], $0xffff;
	_ =	sdelay $0x2  }
0x1cb: {  	v8 =	vor.u32 $0x2, v8;
	v7 =	vadd.f32 v7, v10;
	_ =	sdelay $0x1  }
0x1cc: {  	v7 =	vsub.f32 v7, v9;
	_ =	sdelay $0x1  }
0x1cd: {  	[tilespmem:s1+$0x15330] =	vst v7;
	v7 =	vld [tilespmem:s1+$0x14CF0]  }
0x1ce: {  	v9 =	vld.idx.msk [tilespmem:v8+s29+$0x0], $0xffff;
	_ =	sdelay $0x1  }
0x1cf: {  	s7 =	simm.s32 $0x30;
	v8 =	vld.idx.msk [tilespmem:v8+s25+$0x0], $0xffff  }
0x1d0: {  	v10 =	vmov s7  }
0x1d1: {  	v10 =	vshll.u32 v10, $0x3  }
0x1d2: {  	v7 =	vadd.f32 v7, v9;
	v9 =	vor.u32 v0, v10;
	_ =	sdelay $0x1  }
0x1d3: {  	v7 =	vsub.f32 v7, v8;
	_ =	sdelay $0x1  }
0x1d4: {  	[tilespmem:s1+$0x15650] =	vst v7;
	v7 =	vld [tilespmem:s1+$0x146C0]  }
0x1d5: {  	v8 =	vld.idx.msk [tilespmem:v9+s29+$0x0], $0xffff;
	_ =	sdelay $0x1  }
0x1d6: {  	v10 =	vld.idx.msk [tilespmem:v9+s25+$0x0], $0xffff;
	_ =	sdelay $0x2  }
0x1d7: {  	v7 =	vadd.f32 v7, v8;
	v8 =	vor.u32 $0x1, v9;
	_ =	sdelay $0x1  }
0x1d8: {  	v7 =	vsub.f32 v7, v10;
	_ =	sdelay $0x1  }
0x1d9: {  	[tilespmem:s1+$0x15020] =	vst v7;
	v7 =	vld [tilespmem:s1+$0x149E0]  }
0x1da: {  	v10 =	vld.idx.msk [tilespmem:v8+s29+$0x0], $0xffff;
	_ =	sdelay $0x1  }
0x1db: {  	v8 =	vld.idx.msk [tilespmem:v8+s25+$0x0], $0xffff;
	_ =	sdelay $0x2  }
0x1dc: {  	v9 =	vor.u32 $0x2, v9;
	v7 =	vadd.f32 v7, v10;
	_ =	sdelay $0x1  }
0x1dd: {  	v7 =	vsub.f32 v7, v8;
	_ =	sdelay $0x1  }
0x1de: {  	[tilespmem:s1+$0x15340] =	vst v7;
	v7 =	vld [tilespmem:s1+$0x14D00]  }
0x1df: {  	v8 =	vld.idx.msk [tilespmem:v9+s29+$0x0], $0xffff;
	_ =	sdelay $0x2  }
0x1e0: {  	s2 =	simm.s32 $0x40;
	v9 =	vld.idx.msk [tilespmem:v9+s25+$0x0], $0xffff  }
0x1e1: {  	v10 =	vmov s2  }
0x1e2: {  	s15 =	smin.u32 s26, $0xF7;
	v8 =	vadd.f32 v7, v8;
	v7 =	vshll.u32 v10, $0x3  }
0x1e3: {  	s3 =	smul.u32 $0x320, s15;
	v7 =	vor.u32 v0, v7  }
0x1e4: {  	s7 =	rddreg [dreg:$0x12]  }
0x1e5: {  	s15 =	sadd.s32 s3, s7;
	s3 =	simm.s32 $0x4;
	v8 =	vsub.f32 v8, v9  }
.LBB2_5:
0x1e6: {  	_ = 	snop  }
0x1e7: {  	s3 =	sadd.s32 $0x4, s3;
	s16 =	sadd.s32 $0x100, s16;
	[tilespmem:s1+$0x15660] =	vst v8  }
0x1e8: {  	p2 =	slt.u32 s3, $0x2C;
	s1 =	sshra.s32 s16, $0x2;
	v8 =	vld.idx.msk [tilespmem:v7+s29+$0x0], $0xffff  }
0x1e9: {  	v9 =	vld [tilespmem:s1+$0x14690]  }
0x1ea: {  	v10 =	vld.idx.msk [tilespmem:v7+s25+$0x0], $0xffff;
	_ =	sdelay $0x3  }
0x1eb: {  	v8 =	vadd.f32 v9, v8;
	v9 =	vor.u32 $0x1, v7;
	_ =	sdelay $0x1  }
0x1ec: {  	v8 =	vsub.f32 v8, v10;
	_ =	sdelay $0x1  }
0x1ed: {  	[tilespmem:s1+$0x14FF0] =	vst v8  }
0x1ee: {  	v8 =	vld.idx.msk [tilespmem:v9+s29+$0x0], $0xffff  }
0x1ef: {  	v10 =	vld [tilespmem:s1+$0x149B0]  }
0x1f0: {  	v9 =	vld.idx.msk [tilespmem:v9+s25+$0x0], $0xffff;
	_ =	sdelay $0x3  }
0x1f1: {  	v7 =	vor.u32 $0x2, v7;
	v8 =	vadd.f32 v10, v8;
	_ =	sdelay $0x1  }
0x1f2: {  	v8 =	vsub.f32 v8, v9;
	_ =	sdelay $0x1  }
0x1f3: {  	[tilespmem:s1+$0x15310] =	vst v8  }
0x1f4: {  	v8 =	vld.idx.msk [tilespmem:v7+s29+$0x0], $0xffff  }
0x1f5: {  	v9 =	vld [tilespmem:s1+$0x14CD0]  }
0x1f6: {  	v7 =	vld.idx.msk [tilespmem:v7+s25+$0x0], $0xffff  }
0x1f7: {  	s7 =	sadd.s32 $0x10, s2  }
0x1f8: {  	v10 =	vmov s7  }
0x1f9: {  	v10 =	vshll.u32 v10, $0x3  }
0x1fa: {  	v8 =	vadd.f32 v9, v8;
	v9 =	vor.u32 v0, v10;
	_ =	sdelay $0x1  }
0x1fb: {  	v7 =	vsub.f32 v8, v7;
	_ =	sdelay $0x1  }
0x1fc: {  	[tilespmem:s1+$0x15630] =	vst v7  }
0x1fd: {  	v7 =	vld.idx.msk [tilespmem:v9+s29+$0x0], $0xffff  }
0x1fe: {  	v8 =	vld [tilespmem:s1+$0x146A0]  }
0x1ff: {  	v10 =	vld.idx.msk [tilespmem:v9+s25+$0x0], $0xffff;
	_ =	sdelay $0x3  }
0x200: {  	v7 =	vadd.f32 v8, v7;
	v8 =	vor.u32 $0x1, v9;
	_ =	sdelay $0x1  }
0x201: {  	v7 =	vsub.f32 v7, v10;
	_ =	sdelay $0x1  }
0x202: {  	[tilespmem:s1+$0x15000] =	vst v7  }
0x203: {  	v7 =	vld.idx.msk [tilespmem:v8+s29+$0x0], $0xffff  }
0x204: {  	v10 =	vld [tilespmem:s1+$0x149C0]  }
0x205: {  	v8 =	vld.idx.msk [tilespmem:v8+s25+$0x0], $0xffff;
	_ =	sdelay $0x3  }
0x206: {  	v9 =	vor.u32 $0x2, v9;
	v7 =	vadd.f32 v10, v7;
	_ =	sdelay $0x1  }
0x207: {  	v7 =	vsub.f32 v7, v8;
	_ =	sdelay $0x1  }
0x208: {  	[tilespmem:s1+$0x15320] =	vst v7  }
0x209: {  	v7 =	vld.idx.msk [tilespmem:v9+s29+$0x0], $0xffff  }
0x20a: {  	v8 =	vld [tilespmem:s1+$0x14CE0]  }
0x20b: {  	v9 =	vld.idx.msk [tilespmem:v9+s25+$0x0], $0xffff  }
0x20c: {  	s7 =	sadd.s32 $0x20, s2  }
0x20d: {  	v10 =	vmov s7  }
0x20e: {  	v10 =	vshll.u32 v10, $0x3  }
0x20f: {  	v7 =	vadd.f32 v8, v7;
	v8 =	vor.u32 v0, v10;
	_ =	sdelay $0x1  }
0x210: {  	v7 =	vsub.f32 v7, v9;
	_ =	sdelay $0x1  }
0x211: {  	[tilespmem:s1+$0x15640] =	vst v7  }
0x212: {  	v7 =	vld.idx.msk [tilespmem:v8+s29+$0x0], $0xffff  }
0x213: {  	v9 =	vld [tilespmem:s1+$0x146B0]  }
0x214: {  	v10 =	vld.idx.msk [tilespmem:v8+s25+$0x0], $0xffff;
	_ =	sdelay $0x3  }
0x215: {  	v7 =	vadd.f32 v9, v7;
	v9 =	vor.u32 $0x1, v8;
	_ =	sdelay $0x1  }
0x216: {  	v7 =	vsub.f32 v7, v10;
	_ =	sdelay $0x1  }
0x217: {  	[tilespmem:s1+$0x15010] =	vst v7;
	v7 =	vld [tilespmem:s1+$0x149D0]  }
0x218: {  	v10 =	vld.idx.msk [tilespmem:v9+s29+$0x0], $0xffff  }
0x219: {  	v9 =	vld.idx.msk [tilespmem:v9+s25+$0x0], $0xffff;
	_ =	sdelay $0x4  }
0x21a: {  	v8 =	vor.u32 $0x2, v8;
	v7 =	vadd.f32 v7, v10;
	_ =	sdelay $0x1  }
0x21b: {  	v7 =	vsub.f32 v7, v9;
	_ =	sdelay $0x1  }
0x21c: {  	[tilespmem:s1+$0x15330] =	vst v7;
	v7 =	vld [tilespmem:s1+$0x14CF0]  }
0x21d: {  	v9 =	vld.idx.msk [tilespmem:v8+s29+$0x0], $0xffff  }
0x21e: {  	v8 =	vld.idx.msk [tilespmem:v8+s25+$0x0], $0xffff;
	_ =	sdelay $0x1  }
0x21f: {  	s7 =	sadd.s32 $0x30, s2  }
0x220: {  	v10 =	vmov s7  }
0x221: {  	v10 =	vshll.u32 v10, $0x3  }
0x222: {  	v7 =	vadd.f32 v7, v9;
	v9 =	vor.u32 v0, v10;
	_ =	sdelay $0x1  }
0x223: {  	v7 =	vsub.f32 v7, v8;
	_ =	sdelay $0x1  }
0x224: {  	[tilespmem:s1+$0x15650] =	vst v7;
	v7 =	vld [tilespmem:s1+$0x146C0]  }
0x225: {  	v8 =	vld.idx.msk [tilespmem:v9+s29+$0x0], $0xffff  }
0x226: {  	v10 =	vld.idx.msk [tilespmem:v9+s25+$0x0], $0xffff;
	_ =	sdelay $0x4  }
0x227: {  	v7 =	vadd.f32 v7, v8;
	v8 =	vor.u32 $0x1, v9;
	_ =	sdelay $0x1  }
0x228: {  	v7 =	vsub.f32 v7, v10;
	_ =	sdelay $0x1  }
0x229: {  	[tilespmem:s1+$0x15020] =	vst v7;
	v7 =	vld [tilespmem:s1+$0x149E0]  }
0x22a: {  	v10 =	vld.idx.msk [tilespmem:v8+s29+$0x0], $0xffff  }
0x22b: {  	v8 =	vld.idx.msk [tilespmem:v8+s25+$0x0], $0xffff;
	_ =	sdelay $0x4  }
0x22c: {  	v9 =	vor.u32 $0x2, v9;
	v7 =	vadd.f32 v7, v10;
	_ =	sdelay $0x1  }
0x22d: {  	v7 =	vsub.f32 v7, v8;
	_ =	sdelay $0x1  }
0x22e: {  	[tilespmem:s1+$0x15340] =	vst v7;
	v8 =	vld [tilespmem:s1+$0x14D00]  }
0x22f: {  	v10 =	vld.idx.msk [tilespmem:v9+s29+$0x0], $0xffff  }
0x230: {  	v9 =	vld.idx.msk [tilespmem:v9+s25+$0x0], $0xffff;
	_ =	sdelay $0x1  }
0x231: {  	s2 =	sadd.s32 $0x40, s2  }
.Ltmp1:
0x232: {  	v7 =	vmov s2;
	(pc) =	sbr.rel @p2 .LBB2_5-.Ltmp1, $3  }
0x233: {  	v7 =	vshll.u32 v7, $0x3  }
0x234: {  	v7 =	vor.u32 v0, v7;
	v8 =	vadd.f32 v8, v10;
	_ =	sdelay $0x1  }
0x235: {  	v8 =	vsub.f32 v8, v9  }
0x236: {  	_ =	sdelay $0x2  }
0x237: {  	s7 =	sadd.s32 $0x100, s16;
	[tilespmem:s1+$0x15660] =	vst v8  }
0x238: {  	s1 =	sshra.s32 s7, $0x2;
	v8 =	vld.idx.msk [tilespmem:v7+s29+$0x0], $0xffff  }
0x239: {  	v9 =	vld [tilespmem:s1+$0x14690];
	_ =	sdelay $0x1  }
0x23a: {  	v10 =	vld.idx.msk [tilespmem:v7+s25+$0x0], $0xffff;
	_ =	sdelay $0x2  }
0x23b: {  	v8 =	vadd.f32 v9, v8;
	v9 =	vor.u32 $0x1, v7;
	_ =	sdelay $0x1  }
0x23c: {  	v8 =	vsub.f32 v8, v10;
	_ =	sdelay $0x1  }
0x23d: {  	v10 =	vld [tilespmem:s1+$0x149B0];
	[tilespmem:s1+$0x14FF0] =	vst v8  }
0x23e: {  	v8 =	vld.idx.msk [tilespmem:v9+s29+$0x0], $0xffff;
	_ =	sdelay $0x1  }
0x23f: {  	v9 =	vld.idx.msk [tilespmem:v9+s25+$0x0], $0xffff;
	_ =	sdelay $0x2  }
0x240: {  	v7 =	vor.u32 $0x2, v7;
	v8 =	vadd.f32 v10, v8;
	_ =	sdelay $0x1  }
0x241: {  	v8 =	vsub.f32 v8, v9;
	_ =	sdelay $0x1  }
0x242: {  	v9 =	vld [tilespmem:s1+$0x14CD0];
	[tilespmem:s1+$0x15310] =	vst v8  }
0x243: {  	v8 =	vld.idx.msk [tilespmem:v7+s29+$0x0], $0xffff;
	_ =	sdelay $0x1  }
0x244: {  	s3 =	sadd.s32 $0x10, s2;
	v7 =	vld.idx.msk [tilespmem:v7+s25+$0x0], $0xffff  }
0x245: {  	v10 =	vmov s3  }
0x246: {  	v10 =	vshll.u32 v10, $0x3  }
0x247: {  	v8 =	vadd.f32 v9, v8;
	v9 =	vor.u32 v0, v10;
	_ =	sdelay $0x1  }
0x248: {  	v7 =	vsub.f32 v8, v7;
	_ =	sdelay $0x1  }
0x249: {  	v8 =	vld [tilespmem:s1+$0x146A0];
	[tilespmem:s1+$0x15630] =	vst v7  }
0x24a: {  	v7 =	vld.idx.msk [tilespmem:v9+s29+$0x0], $0xffff;
	_ =	sdelay $0x1  }
0x24b: {  	v10 =	vld.idx.msk [tilespmem:v9+s25+$0x0], $0xffff;
	_ =	sdelay $0x2  }
0x24c: {  	v7 =	vadd.f32 v8, v7;
	v8 =	vor.u32 $0x1, v9;
	_ =	sdelay $0x1  }
0x24d: {  	v7 =	vsub.f32 v7, v10;
	_ =	sdelay $0x1  }
0x24e: {  	v10 =	vld [tilespmem:s1+$0x149C0];
	[tilespmem:s1+$0x15000] =	vst v7  }
0x24f: {  	v7 =	vld.idx.msk [tilespmem:v8+s29+$0x0], $0xffff;
	_ =	sdelay $0x1  }
0x250: {  	v8 =	vld.idx.msk [tilespmem:v8+s25+$0x0], $0xffff;
	_ =	sdelay $0x2  }
0x251: {  	v9 =	vor.u32 $0x2, v9;
	v7 =	vadd.f32 v10, v7;
	_ =	sdelay $0x1  }
0x252: {  	v7 =	vsub.f32 v7, v8;
	_ =	sdelay $0x1  }
0x253: {  	v8 =	vld [tilespmem:s1+$0x14CE0];
	[tilespmem:s1+$0x15320] =	vst v7  }
0x254: {  	v7 =	vld.idx.msk [tilespmem:v9+s29+$0x0], $0xffff;
	_ =	sdelay $0x1  }
0x255: {  	s16 =	sadd.s32 $0x20, s2;
	v9 =	vld.idx.msk [tilespmem:v9+s25+$0x0], $0xffff  }
0x256: {  	v10 =	vmov s16  }
0x257: {  	v10 =	vshll.u32 v10, $0x3  }
0x258: {  	v7 =	vadd.f32 v8, v7;
	v8 =	vor.u32 v0, v10;
	_ =	sdelay $0x1  }
0x259: {  	v7 =	vsub.f32 v7, v9;
	_ =	sdelay $0x1  }
0x25a: {  	v9 =	vld [tilespmem:s1+$0x146B0];
	[tilespmem:s1+$0x15640] =	vst v7  }
0x25b: {  	v7 =	vld.idx.msk [tilespmem:v8+s29+$0x0], $0xffff;
	_ =	sdelay $0x1  }
0x25c: {  	v10 =	vld.idx.msk [tilespmem:v8+s25+$0x0], $0xffff;
	_ =	sdelay $0x2  }
0x25d: {  	v7 =	vadd.f32 v9, v7;
	v9 =	vor.u32 $0x1, v8;
	_ =	sdelay $0x1  }
0x25e: {  	v7 =	vsub.f32 v7, v10;
	_ =	sdelay $0x1  }
0x25f: {  	[tilespmem:s1+$0x15010] =	vst v7;
	v7 =	vld [tilespmem:s1+$0x149D0]  }
0x260: {  	v10 =	vld.idx.msk [tilespmem:v9+s29+$0x0], $0xffff;
	_ =	sdelay $0x1  }
0x261: {  	v9 =	vld.idx.msk [tilespmem:v9+s25+$0x0], $0xffff;
	_ =	sdelay $0x2  }
0x262: {  	v8 =	vor.u32 $0x2, v8;
	v7 =	vadd.f32 v7, v10;
	_ =	sdelay $0x1  }
0x263: {  	v7 =	vsub.f32 v7, v9;
	_ =	sdelay $0x1  }
0x264: {  	[tilespmem:s1+$0x15330] =	vst v7;
	v7 =	vld [tilespmem:s1+$0x14CF0]  }
0x265: {  	v9 =	vld.idx.msk [tilespmem:v8+s29+$0x0], $0xffff;
	_ =	sdelay $0x1  }
0x266: {  	s3 =	sadd.s32 $0x30, s2;
	v8 =	vld.idx.msk [tilespmem:v8+s25+$0x0], $0xffff  }
0x267: {  	v10 =	vmov s3  }
0x268: {  	v10 =	vshll.u32 v10, $0x3  }
0x269: {  	v7 =	vadd.f32 v7, v9;
	v9 =	vor.u32 v0, v10;
	_ =	sdelay $0x1  }
0x26a: {  	v7 =	vsub.f32 v7, v8;
	_ =	sdelay $0x1  }
0x26b: {  	[tilespmem:s1+$0x15650] =	vst v7;
	v7 =	vld [tilespmem:s1+$0x146C0]  }
0x26c: {  	v8 =	vld.idx.msk [tilespmem:v9+s29+$0x0], $0xffff;
	_ =	sdelay $0x1  }
0x26d: {  	v10 =	vld.idx.msk [tilespmem:v9+s25+$0x0], $0xffff;
	_ =	sdelay $0x2  }
0x26e: {  	v7 =	vadd.f32 v7, v8;
	v8 =	vor.u32 $0x1, v9;
	_ =	sdelay $0x1  }
0x26f: {  	v7 =	vsub.f32 v7, v10;
	_ =	sdelay $0x1  }
0x270: {  	[tilespmem:s1+$0x15020] =	vst v7;
	v7 =	vld [tilespmem:s1+$0x149E0]  }
0x271: {  	v10 =	vld.idx.msk [tilespmem:v8+s29+$0x0], $0xffff;
	_ =	sdelay $0x1  }
0x272: {  	v8 =	vld.idx.msk [tilespmem:v8+s25+$0x0], $0xffff;
	_ =	sdelay $0x2  }
0x273: {  	v9 =	vor.u32 $0x2, v9;
	v7 =	vadd.f32 v7, v10;
	_ =	sdelay $0x1  }
0x274: {  	v7 =	vsub.f32 v7, v8;
	_ =	sdelay $0x1  }
0x275: {  	[tilespmem:s1+$0x15340] =	vst v7;
	v7 =	vld [tilespmem:s1+$0x14D00]  }
0x276: {  	v8 =	vld.idx.msk [tilespmem:v9+s29+$0x0], $0xffff;
	_ =	sdelay $0x1  }
0x277: {  	v9 =	vld.idx.msk [tilespmem:v9+s25+$0x0], $0xffff;
	_ =	sdelay $0x2  }
0x278: {  	v7 =	vadd.f32 v7, v8;
	_ =	sdelay $0x1  }
0x279: {  	v7 =	vsub.f32 v7, v9;
	_ =	sdelay $0x1  }
0x27a: {  	[tilespmem:s1+$0x15660] =	vst v7  }
0x27b: {  	v7 =	vld.idx.msk [tilespmem:v1+s29+$0x0], $0xffff  }
0x27c: {  	v8 =	vld [tilespmem:$0x14990];
	_ =	sdelay $0x1  }
0x27d: {  	v9 =	vld.idx.msk [tilespmem:v1+s25+$0x0], $0xffff;
	_ =	sdelay $0x2  }
0x27e: {  	v7 =	vadd.f32 v8, v7;
	_ =	sdelay $0x1  }
0x27f: {  	v7 =	vsub.f32 v7, v9;
	_ =	sdelay $0x1  }
0x280: {  	v8 =	vld [tilespmem:$0x14CB0];
	[tilespmem:$0x152F0] =	vst v7  }
0x281: {  	v7 =	vld.idx.msk [tilespmem:v2+s29+$0x0], $0xffff;
	_ =	sdelay $0x1  }
0x282: {  	v9 =	vld.idx.msk [tilespmem:v2+s25+$0x0], $0xffff;
	_ =	sdelay $0x2  }
0x283: {  	v7 =	vadd.f32 v8, v7;
	_ =	sdelay $0x1  }
0x284: {  	v7 =	vsub.f32 v7, v9;
	_ =	sdelay $0x1  }
0x285: {  	v8 =	vld [tilespmem:$0x14FD0];
	[tilespmem:$0x15610] =	vst v7  }
0x286: {  	v7 =	vld.idx.msk [tilespmem:v3+s29+$0x0], $0xffff;
	_ =	sdelay $0x1  }
0x287: {  	v9 =	vld.idx.msk [tilespmem:v3+s25+$0x0], $0xffff;
	_ =	sdelay $0x2  }
0x288: {  	v7 =	vadd.f32 v8, v7;
	_ =	sdelay $0x1  }
0x289: {  	v7 =	vsub.f32 v7, v9;
	_ =	sdelay $0x1  }
0x28a: {  	v8 =	vld [tilespmem:$0x149A0];
	[tilespmem:$0x15930] =	vst v7  }
0x28b: {  	v7 =	vld.idx.msk [tilespmem:v4+s29+$0x0], $0xffff;
	_ =	sdelay $0x1  }
0x28c: {  	v9 =	vld.idx.msk [tilespmem:v4+s25+$0x0], $0xffff;
	_ =	sdelay $0x2  }
0x28d: {  	v7 =	vadd.f32 v8, v7;
	_ =	sdelay $0x1  }
0x28e: {  	v7 =	vsub.f32 v7, v9;
	_ =	sdelay $0x1  }
0x28f: {  	v8 =	vld [tilespmem:$0x14CC0];
	[tilespmem:$0x15300] =	vst v7  }
0x290: {  	v7 =	vld.idx.msk [tilespmem:v5+s29+$0x0], $0xffff;
	_ =	sdelay $0x1  }
0x291: {  	v9 =	vld.idx.msk [tilespmem:v5+s25+$0x0], $0xffff;
	_ =	sdelay $0x2  }
0x292: {  	v7 =	vadd.f32 v8, v7;
	_ =	sdelay $0x1  }
0x293: {  	v7 =	vsub.f32 v7, v9;
	_ =	sdelay $0x1  }
0x294: {  	v8 =	vld [tilespmem:$0x14FE0];
	[tilespmem:$0x15620] =	vst v7  }
0x295: {  	v7 =	vld.idx.msk [tilespmem:v6+s29+$0x0], $0xffff;
	_ =	sdelay $0x1  }
0x296: {  	v9 =	vld.idx.msk [tilespmem:v6+s25+$0x0], $0xffff;
	_ =	sdelay $0x2  }
0x297: {  	v7 =	vadd.f32 v8, v7;
	_ =	sdelay $0x1  }
0x298: {  	v7 =	vsub.f32 v7, v9  }
0x299: {  	s7 =	rddreg [dreg:$0x8];
	s1 =	sshrl.u32 s28, $0x3  }
0x29a: {  	s16 =	simm.s32 $0x14FF0;
	s3 =	smin.u32 s26, $0xF5;
	s2 =	sadd.s32 s7, s1;
	[tilespmem:$0x15940] =	vst v7  }
0x29b: {  	[hbm4b:s2+s5] =	stream.linear.scatter [tilespmem:s16], [sflag:$0x8], $0x320, $0x38;
	[tilespmem:$0x1A450] =	vst v63  }
0x29c: {  	s7 =	sadd.s32 s11, s1;
	s1 =	sadd.s32 s12, s1;
	s16 =	simm.s32 $0x15310  }
0x29d: {  	[hbm4b:s7+s5] =	stream.linear.scatter [tilespmem:s16], [sflag:$0x8], $0x320, $0x38;
	[tilespmem:$0x1A450] =	vst v63  }
0x29e: {  	s2 =	smul.u32 $0x320, s3;
	s7 =	simm.s32 $0x15630;
	s16 =	rddreg [dreg:$0x1c]  }
0x29f: {  	[hbm4b:s1+s5] =	stream.linear.scatter [tilespmem:s7], [sflag:$0x8], $0x320, $0x38;
	[tilespmem:$0x1A450] =	vst v63  }
0x2a0: {  	s1 =	sadd.s32 s2, s16  }
0x2a1: {  	s3 =	rddreg [dreg:$0x1];
	s1 =	sshrl.u32 s1, $0x3  }
0x2a2: {  	s28 =	simm.s32 $0x10E50;
	s7 =	rddreg [dreg:$0x2];
	s2 =	sadd.s32 s3, s1  }
0x2a3: {  	[tilespmem:s28], [sflag:$0x5] =	stream.linear.gather [hbm4b:s2+s5], $0x320, $0x38;
	[tilespmem:$0x1A450] =	vst v63  }
0x2a4: {  	s16 =	simm.s32 $0x11170;
	s2 =	sadd.s32 s7, s1  }
0x2a5: {  	[tilespmem:s16], [sflag:$0x5] =	stream.linear.gather [hbm4b:s2+s5], $0x320, $0x38;
	[tilespmem:$0x1A450] =	vst v63  }
0x2a6: {  	s7 =	sadd.s32 s8, s1;
	s16 =	simm.s32 $0x14690  }
0x2a7: {  	[tilespmem:s16], [sflag:$0x6] =	stream.linear.gather [hbm4b:s7+s5], $0x320, $0x38;
	[tilespmem:$0x1A450] =	vst v63  }
0x2a8: {  	s7 =	sadd.s32 s10, s1;
	s16 =	simm.s32 $0x149B0  }
0x2a9: {  	[tilespmem:s16], [sflag:$0x6] =	stream.linear.gather [hbm4b:s7+s5], $0x320, $0x38;
	[tilespmem:$0x1A450] =	vst v63  }
0x2aa: {  	s7 =	rddreg [dreg:$0x3]  }
0x2ab: {  	s16 =	simm.s32 $0x14CD0;
	s1 =	sadd.s32 s7, s1  }
0x2ac: {  	[tilespmem:s16], [sflag:$0x6] =	stream.linear.gather [hbm4b:s1+s5], $0x320, $0x38;
	[tilespmem:$0x1A450] =	vst v63  }
0x2ad: {  	_ =	swait.ge [sflag:s17], $0x320  }
0x2ae: {  	[sflag:s17] =	ssyncset.done $0x0  }
0x2af: {  	[sflag:s17] =	ssyncadd.s32 $0xFFFFFCE0  }
0x2b0: {  	_ =	swait.ge [sflag:s17], $0x320  }
0x2b1: {  	[sflag:s17] =	ssyncset.done $0x0  }
0x2b2: {  	s2 =	simm.s32 $0xC350;
	[sflag:s17] =	ssyncadd.s32 $0xFFFFFCE0  }
0x2b3: {  	[tilespmem:s19], [sflag:$0x3] =	stream.indirect.gather [spmem:s4], $0x8, s2, s18, $0xb8;
	[tilespmem:$0x1A450] =	vst v63  }
0x2b4: {  	s3 =	simm.s32 $0xC670  }
0x2b5: {  	[tilespmem:s23], [sflag:$0x3] =	stream.indirect.gather [spmem:s4], $0x8, s3, s18, $0xb8;
	[tilespmem:$0x1A450] =	vst v63  }
0x2b6: {  	_ =	swait.ge [sflag:s13], $0x1900  }
0x2b7: {  	[sflag:s13] =	ssyncset.done $0x0  }
0x2b8: {  	[sflag:s13] =	ssyncadd.s32 $0xFFFFE700  }
0x2b9: {  	_ =	swait.ge [sflag:s13], $0x1900  }
0x2ba: {  	[sflag:s13] =	ssyncset.done $0x0  }
0x2bb: {  	[sflag:s13] =	ssyncadd.s32 $0xFFFFE700  }
0x2bc: {  	_ =	swait.ge [sflag:s20], $0x320  }
0x2bd: {  	[sflag:s20] =	ssyncset.done $0x0  }
0x2be: {  	[sflag:s20] =	ssyncadd.s32 $0xFFFFFCE0  }
0x2bf: {  	_ =	swait.ge [sflag:s20], $0x320  }
0x2c0: {  	[sflag:s20] =	ssyncset.done $0x0  }
0x2c1: {  	[sflag:s20] =	ssyncadd.s32 $0xFFFFFCE0  }
0x2c2: {  	_ =	swait.ge [sflag:s20], $0x320  }
0x2c3: {  	[sflag:s20] =	ssyncset.done $0x0  }
0x2c4: {  	s1 =	simm.s32 @!p1 $0xC;
	[sflag:s20] =	ssyncadd.s32 $0xFFFFFCE0  }
0x2c5: {  	_ =	swait.ge @!p1 [sflag:s1], $0x320  }
0x2c6: {  	s16 =	simm.s32 $0x0;
	[sflag:s1] =	ssyncset.done @!p1 $0x0  }
0x2c7: {  	v7 =	vmov s16;
	[sflag:s1] =	ssyncadd.s32 @!p1 $0xFFFFFCE0  }
0x2c8: {  	v7 =	vshll.u32 v7, $0x3;
	_ =	swait.ge @!p1 [sflag:s1], $0x320  }
0x2c9: {  	v7 =	vor.u32 v0, v7;
	[sflag:s1] =	ssyncset.done @!p1 $0x0  }
0x2ca: {  	[sflag:s1] =	ssyncadd.s32 @!p1 $0xFFFFFCE0  }
0x2cb: {  	_ =	swait.ge @!p1 [sflag:s1], $0x320  }
0x2cc: {  	[sflag:s1] =	ssyncset.done @!p1 $0x0  }
0x2cd: {  	[sflag:s1] =	ssyncadd.s32 @!p1 $0xFFFFFCE0  }
0x2ce: {  	s1 =	simm.s32 $0x0;
	v8 =	vld.idx.msk [tilespmem:v7+s22+$0x0], $0xffff  }
0x2cf: {  	v9 =	vld [tilespmem:s1+$0x19190];
	_ =	sdelay $0x1  }
0x2d0: {  	v10 =	vld.idx.msk [tilespmem:v7+s14+$0x0], $0xffff;
	_ =	sdelay $0x2  }
0x2d1: {  	v8 =	vadd.f32 v9, v8;
	v9 =	vor.u32 $0x1, v7;
	_ =	sdelay $0x1  }
0x2d2: {  	v8 =	vsub.f32 v8, v10;
	_ =	sdelay $0x1  }
0x2d3: {  	v10 =	vld [tilespmem:s1+$0x194B0];
	[tilespmem:s1+$0x19AF0] =	vst v8  }
0x2d4: {  	v8 =	vld.idx.msk [tilespmem:v9+s22+$0x0], $0xffff;
	_ =	sdelay $0x1  }
0x2d5: {  	v9 =	vld.idx.msk [tilespmem:v9+s14+$0x0], $0xffff;
	_ =	sdelay $0x2  }
0x2d6: {  	v7 =	vor.u32 $0x2, v7;
	v8 =	vadd.f32 v10, v8;
	_ =	sdelay $0x1  }
0x2d7: {  	v8 =	vsub.f32 v8, v9;
	_ =	sdelay $0x1  }
0x2d8: {  	v9 =	vld [tilespmem:s1+$0x197D0];
	[tilespmem:s1+$0x19E10] =	vst v8  }
0x2d9: {  	v8 =	vld.idx.msk [tilespmem:v7+s22+$0x0], $0xffff;
	_ =	sdelay $0x1  }
0x2da: {  	s7 =	simm.s32 $0x10;
	v7 =	vld.idx.msk [tilespmem:v7+s14+$0x0], $0xffff  }
0x2db: {  	v10 =	vmov s7  }
0x2dc: {  	v10 =	vshll.u32 v10, $0x3  }
0x2dd: {  	v8 =	vadd.f32 v9, v8;
	v9 =	vor.u32 v0, v10;
	_ =	sdelay $0x1  }
0x2de: {  	v7 =	vsub.f32 v8, v7;
	_ =	sdelay $0x1  }
0x2df: {  	v8 =	vld [tilespmem:s1+$0x191A0];
	[tilespmem:s1+$0x1A130] =	vst v7  }
0x2e0: {  	v7 =	vld.idx.msk [tilespmem:v9+s22+$0x0], $0xffff;
	_ =	sdelay $0x1  }
0x2e1: {  	v10 =	vld.idx.msk [tilespmem:v9+s14+$0x0], $0xffff;
	_ =	sdelay $0x2  }
0x2e2: {  	v7 =	vadd.f32 v8, v7;
	v8 =	vor.u32 $0x1, v9;
	_ =	sdelay $0x1  }
0x2e3: {  	v7 =	vsub.f32 v7, v10;
	_ =	sdelay $0x1  }
0x2e4: {  	v10 =	vld [tilespmem:s1+$0x194C0];
	[tilespmem:s1+$0x19B00] =	vst v7  }
0x2e5: {  	v7 =	vld.idx.msk [tilespmem:v8+s22+$0x0], $0xffff;
	_ =	sdelay $0x1  }
0x2e6: {  	v8 =	vld.idx.msk [tilespmem:v8+s14+$0x0], $0xffff;
	_ =	sdelay $0x2  }
0x2e7: {  	v9 =	vor.u32 $0x2, v9;
	v7 =	vadd.f32 v10, v7;
	_ =	sdelay $0x1  }
0x2e8: {  	v7 =	vsub.f32 v7, v8;
	_ =	sdelay $0x1  }
0x2e9: {  	v8 =	vld [tilespmem:s1+$0x197E0];
	[tilespmem:s1+$0x19E20] =	vst v7  }
0x2ea: {  	v7 =	vld.idx.msk [tilespmem:v9+s22+$0x0], $0xffff;
	_ =	sdelay $0x1  }
0x2eb: {  	s3 =	simm.s32 $0x20;
	v9 =	vld.idx.msk [tilespmem:v9+s14+$0x0], $0xffff  }
0x2ec: {  	v10 =	vmov s3  }
0x2ed: {  	v10 =	vshll.u32 v10, $0x3  }
0x2ee: {  	v7 =	vadd.f32 v8, v7;
	v8 =	vor.u32 v0, v10;
	_ =	sdelay $0x1  }
0x2ef: {  	v7 =	vsub.f32 v7, v9;
	_ =	sdelay $0x1  }
0x2f0: {  	v9 =	vld [tilespmem:s1+$0x191B0];
	[tilespmem:s1+$0x1A140] =	vst v7  }
0x2f1: {  	v7 =	vld.idx.msk [tilespmem:v8+s22+$0x0], $0xffff;
	_ =	sdelay $0x1  }
0x2f2: {  	v10 =	vld.idx.msk [tilespmem:v8+s14+$0x0], $0xffff;
	_ =	sdelay $0x2  }
0x2f3: {  	v7 =	vadd.f32 v9, v7;
	v9 =	vor.u32 $0x1, v8;
	_ =	sdelay $0x1  }
0x2f4: {  	v7 =	vsub.f32 v7, v10;
	_ =	sdelay $0x1  }
0x2f5: {  	[tilespmem:s1+$0x19B10] =	vst v7;
	v7 =	vld [tilespmem:s1+$0x194D0]  }
0x2f6: {  	v10 =	vld.idx.msk [tilespmem:v9+s22+$0x0], $0xffff;
	_ =	sdelay $0x1  }
0x2f7: {  	v9 =	vld.idx.msk [tilespmem:v9+s14+$0x0], $0xffff;
	_ =	sdelay $0x2  }
0x2f8: {  	v8 =	vor.u32 $0x2, v8;
	v7 =	vadd.f32 v7, v10;
	_ =	sdelay $0x1  }
0x2f9: {  	v7 =	vsub.f32 v7, v9;
	_ =	sdelay $0x1  }
0x2fa: {  	[tilespmem:s1+$0x19E30] =	vst v7;
	v7 =	vld [tilespmem:s1+$0x197F0]  }
0x2fb: {  	v9 =	vld.idx.msk [tilespmem:v8+s22+$0x0], $0xffff;
	_ =	sdelay $0x1  }
0x2fc: {  	s7 =	simm.s32 $0x30;
	v8 =	vld.idx.msk [tilespmem:v8+s14+$0x0], $0xffff  }
0x2fd: {  	v10 =	vmov s7  }
0x2fe: {  	v10 =	vshll.u32 v10, $0x3  }
0x2ff: {  	v7 =	vadd.f32 v7, v9;
	v9 =	vor.u32 v0, v10;
	_ =	sdelay $0x1  }
0x300: {  	v7 =	vsub.f32 v7, v8;
	_ =	sdelay $0x1  }
0x301: {  	[tilespmem:s1+$0x1A150] =	vst v7;
	v7 =	vld [tilespmem:s1+$0x191C0]  }
0x302: {  	v8 =	vld.idx.msk [tilespmem:v9+s22+$0x0], $0xffff;
	_ =	sdelay $0x1  }
0x303: {  	v10 =	vld.idx.msk [tilespmem:v9+s14+$0x0], $0xffff;
	_ =	sdelay $0x2  }
0x304: {  	v7 =	vadd.f32 v7, v8;
	v8 =	vor.u32 $0x1, v9;
	_ =	sdelay $0x1  }
0x305: {  	v7 =	vsub.f32 v7, v10;
	_ =	sdelay $0x1  }
0x306: {  	[tilespmem:s1+$0x19B20] =	vst v7;
	v7 =	vld [tilespmem:s1+$0x194E0]  }
0x307: {  	v10 =	vld.idx.msk [tilespmem:v8+s22+$0x0], $0xffff;
	_ =	sdelay $0x1  }
0x308: {  	v8 =	vld.idx.msk [tilespmem:v8+s14+$0x0], $0xffff;
	_ =	sdelay $0x2  }
0x309: {  	v9 =	vor.u32 $0x2, v9;
	v7 =	vadd.f32 v7, v10;
	_ =	sdelay $0x1  }
0x30a: {  	v7 =	vsub.f32 v7, v8;
	_ =	sdelay $0x1  }
0x30b: {  	[tilespmem:s1+$0x19E40] =	vst v7;
	v7 =	vld [tilespmem:s1+$0x19800]  }
0x30c: {  	v8 =	vld.idx.msk [tilespmem:v9+s22+$0x0], $0xffff;
	_ =	sdelay $0x2  }
0x30d: {  	s2 =	simm.s32 $0x40;
	v9 =	vld.idx.msk [tilespmem:v9+s14+$0x0], $0xffff  }
0x30e: {  	v10 =	vmov s2  }
0x30f: {  	v8 =	vadd.f32 v7, v8;
	v7 =	vshll.u32 v10, $0x3  }
0x310: {  	v7 =	vor.u32 v0, v7;
	_ =	sdelay $0x1  }
0x311: {  	s3 =	simm.s32 $0x4;
	v8 =	vsub.f32 v8, v9  }
.LBB2_7:
0x312: {  	_ = 	snop  }
0x313: {  	s3 =	sadd.s32 $0x4, s3;
	s16 =	sadd.s32 $0x100, s16;
	[tilespmem:s1+$0x1A160] =	vst v8  }
0x314: {  	p1 =	slt.u32 s3, $0x2C;
	s1 =	sshra.s32 s16, $0x2;
	v8 =	vld.idx.msk [tilespmem:v7+s22+$0x0], $0xffff  }
0x315: {  	v9 =	vld [tilespmem:s1+$0x19190]  }
0x316: {  	v10 =	vld.idx.msk [tilespmem:v7+s14+$0x0], $0xffff;
	_ =	sdelay $0x3  }
0x317: {  	v8 =	vadd.f32 v9, v8;
	v9 =	vor.u32 $0x1, v7;
	_ =	sdelay $0x1  }
0x318: {  	v8 =	vsub.f32 v8, v10;
	_ =	sdelay $0x1  }
0x319: {  	[tilespmem:s1+$0x19AF0] =	vst v8  }
0x31a: {  	v8 =	vld.idx.msk [tilespmem:v9+s22+$0x0], $0xffff  }
0x31b: {  	v10 =	vld [tilespmem:s1+$0x194B0]  }
0x31c: {  	v9 =	vld.idx.msk [tilespmem:v9+s14+$0x0], $0xffff;
	_ =	sdelay $0x3  }
0x31d: {  	v7 =	vor.u32 $0x2, v7;
	v8 =	vadd.f32 v10, v8;
	_ =	sdelay $0x1  }
0x31e: {  	v8 =	vsub.f32 v8, v9;
	_ =	sdelay $0x1  }
0x31f: {  	[tilespmem:s1+$0x19E10] =	vst v8  }
0x320: {  	v8 =	vld.idx.msk [tilespmem:v7+s22+$0x0], $0xffff  }
0x321: {  	v9 =	vld [tilespmem:s1+$0x197D0]  }
0x322: {  	v7 =	vld.idx.msk [tilespmem:v7+s14+$0x0], $0xffff  }
0x323: {  	s7 =	sadd.s32 $0x10, s2  }
0x324: {  	v10 =	vmov s7  }
0x325: {  	v10 =	vshll.u32 v10, $0x3  }
0x326: {  	v8 =	vadd.f32 v9, v8;
	v9 =	vor.u32 v0, v10;
	_ =	sdelay $0x1  }
0x327: {  	v7 =	vsub.f32 v8, v7;
	_ =	sdelay $0x1  }
0x328: {  	[tilespmem:s1+$0x1A130] =	vst v7  }
0x329: {  	v7 =	vld.idx.msk [tilespmem:v9+s22+$0x0], $0xffff  }
0x32a: {  	v8 =	vld [tilespmem:s1+$0x191A0]  }
0x32b: {  	v10 =	vld.idx.msk [tilespmem:v9+s14+$0x0], $0xffff;
	_ =	sdelay $0x3  }
0x32c: {  	v7 =	vadd.f32 v8, v7;
	v8 =	vor.u32 $0x1, v9;
	_ =	sdelay $0x1  }
0x32d: {  	v7 =	vsub.f32 v7, v10;
	_ =	sdelay $0x1  }
0x32e: {  	[tilespmem:s1+$0x19B00] =	vst v7  }
0x32f: {  	v7 =	vld.idx.msk [tilespmem:v8+s22+$0x0], $0xffff  }
0x330: {  	v10 =	vld [tilespmem:s1+$0x194C0]  }
0x331: {  	v8 =	vld.idx.msk [tilespmem:v8+s14+$0x0], $0xffff;
	_ =	sdelay $0x3  }
0x332: {  	v9 =	vor.u32 $0x2, v9;
	v7 =	vadd.f32 v10, v7;
	_ =	sdelay $0x1  }
0x333: {  	v7 =	vsub.f32 v7, v8;
	_ =	sdelay $0x1  }
0x334: {  	[tilespmem:s1+$0x19E20] =	vst v7  }
0x335: {  	v7 =	vld.idx.msk [tilespmem:v9+s22+$0x0], $0xffff  }
0x336: {  	v8 =	vld [tilespmem:s1+$0x197E0]  }
0x337: {  	v9 =	vld.idx.msk [tilespmem:v9+s14+$0x0], $0xffff  }
0x338: {  	s7 =	sadd.s32 $0x20, s2  }
0x339: {  	v10 =	vmov s7  }
0x33a: {  	v10 =	vshll.u32 v10, $0x3  }
0x33b: {  	v7 =	vadd.f32 v8, v7;
	v8 =	vor.u32 v0, v10;
	_ =	sdelay $0x1  }
0x33c: {  	v7 =	vsub.f32 v7, v9;
	_ =	sdelay $0x1  }
0x33d: {  	[tilespmem:s1+$0x1A140] =	vst v7  }
0x33e: {  	v7 =	vld.idx.msk [tilespmem:v8+s22+$0x0], $0xffff  }
0x33f: {  	v9 =	vld [tilespmem:s1+$0x191B0]  }
0x340: {  	v10 =	vld.idx.msk [tilespmem:v8+s14+$0x0], $0xffff;
	_ =	sdelay $0x3  }
0x341: {  	v7 =	vadd.f32 v9, v7;
	v9 =	vor.u32 $0x1, v8;
	_ =	sdelay $0x1  }
0x342: {  	v7 =	vsub.f32 v7, v10;
	_ =	sdelay $0x1  }
0x343: {  	[tilespmem:s1+$0x19B10] =	vst v7;
	v7 =	vld [tilespmem:s1+$0x194D0]  }
0x344: {  	v10 =	vld.idx.msk [tilespmem:v9+s22+$0x0], $0xffff  }
0x345: {  	v9 =	vld.idx.msk [tilespmem:v9+s14+$0x0], $0xffff;
	_ =	sdelay $0x4  }
0x346: {  	v8 =	vor.u32 $0x2, v8;
	v7 =	vadd.f32 v7, v10;
	_ =	sdelay $0x1  }
0x347: {  	v7 =	vsub.f32 v7, v9;
	_ =	sdelay $0x1  }
0x348: {  	[tilespmem:s1+$0x19E30] =	vst v7;
	v7 =	vld [tilespmem:s1+$0x197F0]  }
0x349: {  	v9 =	vld.idx.msk [tilespmem:v8+s22+$0x0], $0xffff  }
0x34a: {  	v8 =	vld.idx.msk [tilespmem:v8+s14+$0x0], $0xffff;
	_ =	sdelay $0x1  }
0x34b: {  	s7 =	sadd.s32 $0x30, s2  }
0x34c: {  	v10 =	vmov s7  }
0x34d: {  	v10 =	vshll.u32 v10, $0x3  }
0x34e: {  	v7 =	vadd.f32 v7, v9;
	v9 =	vor.u32 v0, v10;
	_ =	sdelay $0x1  }
0x34f: {  	v7 =	vsub.f32 v7, v8;
	_ =	sdelay $0x1  }
0x350: {  	[tilespmem:s1+$0x1A150] =	vst v7;
	v7 =	vld [tilespmem:s1+$0x191C0]  }
0x351: {  	v8 =	vld.idx.msk [tilespmem:v9+s22+$0x0], $0xffff  }
0x352: {  	v10 =	vld.idx.msk [tilespmem:v9+s14+$0x0], $0xffff;
	_ =	sdelay $0x4  }
0x353: {  	v7 =	vadd.f32 v7, v8;
	v8 =	vor.u32 $0x1, v9;
	_ =	sdelay $0x1  }
0x354: {  	v7 =	vsub.f32 v7, v10;
	_ =	sdelay $0x1  }
0x355: {  	[tilespmem:s1+$0x19B20] =	vst v7;
	v7 =	vld [tilespmem:s1+$0x194E0]  }
0x356: {  	v10 =	vld.idx.msk [tilespmem:v8+s22+$0x0], $0xffff  }
0x357: {  	v8 =	vld.idx.msk [tilespmem:v8+s14+$0x0], $0xffff;
	_ =	sdelay $0x4  }
0x358: {  	v9 =	vor.u32 $0x2, v9;
	v7 =	vadd.f32 v7, v10;
	_ =	sdelay $0x1  }
0x359: {  	v7 =	vsub.f32 v7, v8;
	_ =	sdelay $0x1  }
0x35a: {  	[tilespmem:s1+$0x19E40] =	vst v7;
	v8 =	vld [tilespmem:s1+$0x19800]  }
0x35b: {  	v10 =	vld.idx.msk [tilespmem:v9+s22+$0x0], $0xffff  }
0x35c: {  	v9 =	vld.idx.msk [tilespmem:v9+s14+$0x0], $0xffff;
	_ =	sdelay $0x1  }
0x35d: {  	s2 =	sadd.s32 $0x40, s2  }
.Ltmp2:
0x35e: {  	v7 =	vmov s2;
	(pc) =	sbr.rel @p1 .LBB2_7-.Ltmp2, $3  }
0x35f: {  	v7 =	vshll.u32 v7, $0x3  }
0x360: {  	v7 =	vor.u32 v0, v7;
	v8 =	vadd.f32 v8, v10;
	_ =	sdelay $0x1  }
0x361: {  	v8 =	vsub.f32 v8, v9  }
0x362: {  	_ =	sdelay $0x2  }
0x363: {  	s3 =	sadd.s32 $0x100, s16;
	[tilespmem:s1+$0x1A160] =	vst v8  }
0x364: {  	s1 =	sshra.s32 s3, $0x2;
	v8 =	vld.idx.msk [tilespmem:v7+s22+$0x0], $0xffff  }
0x365: {  	v9 =	vld [tilespmem:s1+$0x19190];
	_ =	sdelay $0x1  }
0x366: {  	v10 =	vld.idx.msk [tilespmem:v7+s14+$0x0], $0xffff;
	_ =	sdelay $0x2  }
0x367: {  	v44 =	vor.u32 $0x1, v7;
	v8 =	vadd.f32 v9, v8;
	_ =	sdelay $0x1  }
0x368: {  	v8 =	vsub.f32 v8, v10;
	_ =	sdelay $0x1  }
0x369: {  	v45 =	vld [tilespmem:s1+$0x194B0];
	[tilespmem:s1+$0x19AF0] =	vst v8  }
0x36a: {  	v8 =	vld.idx.msk [tilespmem:v44+s22+$0x0], $0xffff;
	_ =	sdelay $0x1  }
0x36b: {  	v9 =	vld.idx.msk [tilespmem:v44+s14+$0x0], $0xffff;
	_ =	sdelay $0x2  }
0x36c: {  	v7 =	vor.u32 $0x2, v7;
	v8 =	vadd.f32 v45, v8;
	_ =	sdelay $0x1  }
0x36d: {  	v8 =	vsub.f32 v8, v9;
	_ =	sdelay $0x1  }
0x36e: {  	v46 =	vld [tilespmem:s1+$0x197D0];
	[tilespmem:s1+$0x19E10] =	vst v8  }
0x36f: {  	v8 =	vld.idx.msk [tilespmem:v7+s22+$0x0], $0xffff;
	_ =	sdelay $0x1  }
0x370: {  	s3 =	sadd.s32 $0x10, s2;
	v7 =	vld.idx.msk [tilespmem:v7+s14+$0x0], $0xffff  }
0x371: {  	v47 =	vmov s3  }
0x372: {  	v10 =	vshll.u32 v47, $0x3  }
0x373: {  	v48 =	vor.u32 v0, v10;
	v8 =	vadd.f32 v46, v8;
	_ =	sdelay $0x1  }
0x374: {  	v7 =	vsub.f32 v8, v7;
	_ =	sdelay $0x1  }
0x375: {  	v8 =	vld [tilespmem:s1+$0x191A0];
	[tilespmem:s1+$0x1A130] =	vst v7  }
0x376: {  	v7 =	vld.idx.msk [tilespmem:v48+s22+$0x0], $0xffff;
	_ =	sdelay $0x1  }
0x377: {  	v10 =	vld.idx.msk [tilespmem:v48+s14+$0x0], $0xffff;
	_ =	sdelay $0x2  }
0x378: {  	v7 =	vadd.f32 v8, v7;
	v8 =	vor.u32 $0x1, v48;
	_ =	sdelay $0x1  }
0x379: {  	v7 =	vsub.f32 v7, v10;
	_ =	sdelay $0x1  }
0x37a: {  	v49 =	vld [tilespmem:s1+$0x194C0];
	[tilespmem:s1+$0x19B00] =	vst v7  }
0x37b: {  	v7 =	vld.idx.msk [tilespmem:v8+s22+$0x0], $0xffff;
	_ =	sdelay $0x1  }
0x37c: {  	v8 =	vld.idx.msk [tilespmem:v8+s14+$0x0], $0xffff;
	_ =	sdelay $0x2  }
0x37d: {  	v9 =	vor.u32 $0x2, v48;
	v7 =	vadd.f32 v49, v7;
	_ =	sdelay $0x1  }
0x37e: {  	v7 =	vsub.f32 v7, v8;
	_ =	sdelay $0x1  }
0x37f: {  	v8 =	vld [tilespmem:s1+$0x197E0];
	[tilespmem:s1+$0x19E20] =	vst v7  }
0x380: {  	v7 =	vld.idx.msk [tilespmem:v9+s22+$0x0], $0xffff;
	_ =	sdelay $0x1  }
0x381: {  	s7 =	sadd.s32 $0x20, s2;
	v9 =	vld.idx.msk [tilespmem:v9+s14+$0x0], $0xffff  }
0x382: {  	v50 =	vmov s7  }
0x383: {  	v10 =	vshll.u32 v50, $0x3  }
0x384: {  	v7 =	vadd.f32 v8, v7;
	v8 =	vor.u32 v0, v10;
	_ =	sdelay $0x1  }
0x385: {  	v7 =	vsub.f32 v7, v9;
	_ =	sdelay $0x1  }
0x386: {  	v51 =	vld [tilespmem:s1+$0x191B0];
	[tilespmem:s1+$0x1A140] =	vst v7  }
0x387: {  	v7 =	vld.idx.msk [tilespmem:v8+s22+$0x0], $0xffff;
	_ =	sdelay $0x1  }
0x388: {  	v10 =	vld.idx.msk [tilespmem:v8+s14+$0x0], $0xffff;
	_ =	sdelay $0x2  }
0x389: {  	v52 =	vor.u32 $0x1, v8;
	v7 =	vadd.f32 v51, v7;
	_ =	sdelay $0x1  }
0x38a: {  	v7 =	vsub.f32 v7, v10;
	_ =	sdelay $0x1  }
0x38b: {  	[tilespmem:s1+$0x19B10] =	vst v7;
	v7 =	vld [tilespmem:s1+$0x194D0]  }
0x38c: {  	v53 =	vld.idx.msk [tilespmem:v52+s22+$0x0], $0xffff;
	_ =	sdelay $0x1  }
0x38d: {  	v9 =	vld.idx.msk [tilespmem:v52+s14+$0x0], $0xffff;
	_ =	sdelay $0x2  }
0x38e: {  	v8 =	vor.u32 $0x2, v8;
	v7 =	vadd.f32 v7, v53;
	_ =	sdelay $0x1  }
0x38f: {  	v7 =	vsub.f32 v7, v9;
	_ =	sdelay $0x1  }
0x390: {  	[tilespmem:s1+$0x19E30] =	vst v7;
	v7 =	vld [tilespmem:s1+$0x197F0]  }
0x391: {  	v54 =	vld.idx.msk [tilespmem:v8+s22+$0x0], $0xffff;
	_ =	sdelay $0x1  }
0x392: {  	s16 =	sadd.s32 $0x30, s2;
	v8 =	vld.idx.msk [tilespmem:v8+s14+$0x0], $0xffff  }
0x393: {  	v55 =	vmov s16  }
0x394: {  	v10 =	vshll.u32 v55, $0x3  }
0x395: {  	v56 =	vor.u32 v0, v10;
	v7 =	vadd.f32 v7, v54;
	_ =	sdelay $0x1  }
0x396: {  	v7 =	vsub.f32 v7, v8;
	_ =	sdelay $0x1  }
0x397: {  	[tilespmem:s1+$0x1A150] =	vst v7;
	v7 =	vld [tilespmem:s1+$0x191C0]  }
0x398: {  	v8 =	vld.idx.msk [tilespmem:v56+s22+$0x0], $0xffff;
	_ =	sdelay $0x1  }
0x399: {  	v10 =	vld.idx.msk [tilespmem:v56+s14+$0x0], $0xffff;
	_ =	sdelay $0x2  }
0x39a: {  	v7 =	vadd.f32 v7, v8;
	v8 =	vor.u32 $0x1, v56;
	_ =	sdelay $0x1  }
0x39b: {  	v7 =	vsub.f32 v7, v10;
	_ =	sdelay $0x1  }
0x39c: {  	[tilespmem:s1+$0x19B20] =	vst v7;
	v7 =	vld [tilespmem:s1+$0x194E0]  }
0x39d: {  	v57 =	vld.idx.msk [tilespmem:v8+s22+$0x0], $0xffff;
	_ =	sdelay $0x1  }
0x39e: {  	v8 =	vld.idx.msk [tilespmem:v8+s14+$0x0], $0xffff;
	_ =	sdelay $0x2  }
0x39f: {  	v9 =	vor.u32 $0x2, v56;
	v7 =	vadd.f32 v7, v57;
	_ =	sdelay $0x1  }
0x3a0: {  	v7 =	vsub.f32 v7, v8;
	_ =	sdelay $0x1  }
0x3a1: {  	[tilespmem:s1+$0x19E40] =	vst v7;
	v7 =	vld [tilespmem:s1+$0x19800]  }
0x3a2: {  	v8 =	vld.idx.msk [tilespmem:v9+s22+$0x0], $0xffff;
	_ =	sdelay $0x1  }
0x3a3: {  	v9 =	vld.idx.msk [tilespmem:v9+s14+$0x0], $0xffff;
	_ =	sdelay $0x2  }
0x3a4: {  	v7 =	vadd.f32 v7, v8;
	_ =	sdelay $0x1  }
0x3a5: {  	v7 =	vsub.f32 v7, v9;
	_ =	sdelay $0x1  }
0x3a6: {  	[tilespmem:s1+$0x1A160] =	vst v7  }
0x3a7: {  	v7 =	vld.idx.msk [tilespmem:v1+s22+$0x0], $0xffff  }
0x3a8: {  	v8 =	vld [tilespmem:$0x19490];
	_ =	sdelay $0x1  }
0x3a9: {  	v58 =	vld.idx.msk [tilespmem:v1+s14+$0x0], $0xffff;
	_ =	sdelay $0x2  }
0x3aa: {  	v7 =	vadd.f32 v8, v7;
	_ =	sdelay $0x1  }
0x3ab: {  	v7 =	vsub.f32 v7, v58;
	_ =	sdelay $0x1  }
0x3ac: {  	v8 =	vld [tilespmem:$0x197B0];
	[tilespmem:$0x19DF0] =	vst v7  }
0x3ad: {  	v7 =	vld.idx.msk [tilespmem:v2+s22+$0x0], $0xffff;
	_ =	sdelay $0x1  }
0x3ae: {  	v59 =	vld.idx.msk [tilespmem:v2+s14+$0x0], $0xffff;
	_ =	sdelay $0x2  }
0x3af: {  	v7 =	vadd.f32 v8, v7;
	_ =	sdelay $0x1  }
0x3b0: {  	v7 =	vsub.f32 v7, v59;
	_ =	sdelay $0x1  }
0x3b1: {  	v8 =	vld [tilespmem:$0x19AD0];
	[tilespmem:$0x1A110] =	vst v7  }
0x3b2: {  	v7 =	vld.idx.msk [tilespmem:v3+s22+$0x0], $0xffff;
	_ =	sdelay $0x1  }
0x3b3: {  	v60 =	vld.idx.msk [tilespmem:v3+s14+$0x0], $0xffff;
	_ =	sdelay $0x2  }
0x3b4: {  	v7 =	vadd.f32 v8, v7;
	_ =	sdelay $0x1  }
0x3b5: {  	v7 =	vsub.f32 v7, v60;
	_ =	sdelay $0x1  }
0x3b6: {  	v8 =	vld [tilespmem:$0x194A0];
	[tilespmem:$0x1A430] =	vst v7  }
0x3b7: {  	v7 =	vld.idx.msk [tilespmem:v4+s22+$0x0], $0xffff;
	_ =	sdelay $0x1  }
0x3b8: {  	v61 =	vld.idx.msk [tilespmem:v4+s14+$0x0], $0xffff;
	_ =	sdelay $0x2  }
0x3b9: {  	v7 =	vadd.f32 v8, v7;
	_ =	sdelay $0x1  }
0x3ba: {  	v7 =	vsub.f32 v7, v61;
	_ =	sdelay $0x1  }
0x3bb: {  	v8 =	vld [tilespmem:$0x197C0];
	[tilespmem:$0x19E00] =	vst v7  }
0x3bc: {  	v7 =	vld.idx.msk [tilespmem:v5+s22+$0x0], $0xffff;
	_ =	sdelay $0x1  }
0x3bd: {  	v62 =	vld.idx.msk [tilespmem:v5+s14+$0x0], $0xffff;
	_ =	sdelay $0x2  }
0x3be: {  	v7 =	vadd.f32 v8, v7;
	_ =	sdelay $0x1  }
0x3bf: {  	v7 =	vsub.f32 v7, v62;
	_ =	sdelay $0x1  }
0x3c0: {  	v8 =	vld [tilespmem:$0x19AE0];
	[tilespmem:$0x1A120] =	vst v7  }
0x3c1: {  	v7 =	vld.idx.msk [tilespmem:v6+s22+$0x0], $0xffff;
	_ =	sdelay $0x1  }
0x3c2: {  	v63 =	vld.idx.msk [tilespmem:v6+s14+$0x0], $0xffff;
	_ =	sdelay $0x2  }
0x3c3: {  	v7 =	vadd.f32 v8, v7;
	_ =	sdelay $0x1  }
0x3c4: {  	v7 =	vsub.f32 v7, v63  }
0x3c5: {  	s3 =	rddreg [dreg:$0x8];
	s1 =	sshrl.u32 s15, $0x3  }
0x3c6: {  	s7 =	simm.s32 $0x19AF0;
	s16 =	simm.s32 $0x19E10;
	s2 =	sadd.s32 s3, s1;
	[tilespmem:$0x1A440] =	vst v7  }
0x3c7: {  	[hbm4b:s2+s5] =	stream.linear.scatter [tilespmem:s7], [sflag:$0xC], $0x320, $0x38;
	[tilespmem:$0x1A450] =	vst v63  }
0x3c8: {  	s15 =	sadd.s32 s11, s1;
	s3 =	smin.u32 s26, $0xF4;
	s1 =	sadd.s32 s12, s1  }
0x3c9: {  	[hbm4b:s15+s5] =	stream.linear.scatter [tilespmem:s16], [sflag:$0xC], $0x320, $0x38;
	[tilespmem:$0x1A450] =	vst v63  }
0x3ca: {  	s2 =	smul.u32 $0x320, s3;
	s7 =	simm.s32 $0x1A130;
	s15 =	rddreg [dreg:$0x1d]  }
0x3cb: {  	[hbm4b:s1+s5] =	stream.linear.scatter [tilespmem:s7], [sflag:$0xC], $0x320, $0x38;
	[tilespmem:$0x1A450] =	vst v63  }
0x3cc: {  	s1 =	sadd.s32 s2, s15  }
0x3cd: {  	s16 =	rddreg [dreg:$0x1];
	s1 =	sshrl.u32 s1, $0x3  }
0x3ce: {  	s26 =	simm.s32 $0x15950;
	s7 =	rddreg [dreg:$0x2];
	s2 =	sadd.s32 s16, s1  }
0x3cf: {  	[tilespmem:s26], [sflag:$0x9] =	stream.linear.gather [hbm4b:s2+s5], $0x320, $0x38;
	[tilespmem:$0x1A450] =	vst v63  }
0x3d0: {  	s21 =	sadd.s32 $0x1, s21;
	s15 =	simm.s32 $0x15C70;
	s2 =	sadd.s32 s7, s1  }
0x3d1: {  	[tilespmem:s15], [sflag:$0x9] =	stream.linear.gather [hbm4b:s2+s5], $0x320, $0x38;
	[tilespmem:$0x1A450] =	vst v63  }
0x3d2: {  	p1 =	sne.s32 s21, $0x54;
	s16 =	sadd.s32 s8, s1;
	s26 =	simm.s32 $0x19190  }
0x3d3: {  	[tilespmem:s26], [sflag:$0xA] =	stream.linear.gather [hbm4b:s16+s5], $0x320, $0x38;
	[tilespmem:$0x1A450] =	vst v63  }
.Ltmp3:
0x3d4: {  	_ = 	snop;
	(pc) =	sbr.rel @p1 .LBB2_2-.Ltmp3, $4  }
0x3d5: {  	s7 =	sadd.s32 s10, s1;
	s15 =	simm.s32 $0x194B0;
	s16 =	rddreg [dreg:$0x3]  }
0x3d6: {  	[tilespmem:s15], [sflag:$0xA] =	stream.linear.gather [hbm4b:s7+s5], $0x320, $0x38;
	[tilespmem:$0x1A450] =	vst v63  }
0x3d7: {  	s26 =	simm.s32 $0x197D0;
	s1 =	sadd.s32 s16, s1  }
0x3d8: {  	[tilespmem:s26], [sflag:$0xA] =	stream.linear.gather [hbm4b:s1+s5], $0x320, $0x38;
	[tilespmem:$0x1A450] =	vst v63  }
0x3d9: {  	_ =	swait.ge [sflag:s30], $0x1900  }
0x3da: {  	[sflag:s30] =	ssyncset.done $0x0  }
0x3db: {  	[sflag:s30] =	ssyncadd.s32 $0xFFFFE700  }
0x3dc: {  	_ =	swait.ge [sflag:s30], $0x1900  }
0x3dd: {  	[sflag:s30] =	ssyncset.done $0x0  }
0x3de: {  	[sflag:s30] =	ssyncadd.s32 $0xFFFFE700  }
0x3df: {  	_ =	swait.ge [sflag:s31], $0x320  }
0x3e0: {  	[sflag:s31] =	ssyncset.done $0x0  }
0x3e1: {  	[sflag:s31] =	ssyncadd.s32 $0xFFFFFCE0  }
0x3e2: {  	_ =	swait.ge [sflag:s31], $0x320  }
0x3e3: {  	[sflag:s31] =	ssyncset.done $0x0  }
0x3e4: {  	[sflag:s31] =	ssyncadd.s32 $0xFFFFFCE0  }
0x3e5: {  	_ =	swait.ge [sflag:s31], $0x320  }
0x3e6: {  	[sflag:s31] =	ssyncset.done $0x0  }
0x3e7: {  	[sflag:s31] =	ssyncadd.s32 $0xFFFFFCE0  }
0x3e8: {  	_ =	swait.ge [sflag:s24], $0x320  }
0x3e9: {  	[sflag:s24] =	ssyncset.done $0x0  }
0x3ea: {  	[sflag:s24] =	ssyncadd.s32 $0xFFFFFCE0  }
0x3eb: {  	_ =	swait.ge [sflag:s24], $0x320  }
0x3ec: {  	[sflag:s24] =	ssyncset.done $0x0  }
0x3ed: {  	[sflag:s24] =	ssyncadd.s32 $0xFFFFFCE0  }
0x3ee: {  	_ =	swait.ge [sflag:s6], $0x320  }
0x3ef: {  	[sflag:s6] =	ssyncset.done $0x0  }
0x3f0: {  	[sflag:s6] =	ssyncadd.s32 $0xFFFFFCE0  }
0x3f1: {  	_ =	swait.ge [sflag:s6], $0x320  }
0x3f2: {  	[sflag:s6] =	ssyncset.done $0x0  }
0x3f3: {  	[sflag:s6] =	ssyncadd.s32 $0xFFFFFCE0  }
0x3f4: {  	_ =	swait.ge [sflag:s6], $0x320  }
0x3f5: {  	[sflag:s6] =	ssyncset.done $0x0  }
0x3f6: {  	[sflag:s6] =	ssyncadd.s32 $0xFFFFFCE0  }
0x3f7: {  	_ =	swait.ge [sflag:s9], $0x320  }
0x3f8: {  	[sflag:s9] =	ssyncset.done $0x0  }
0x3f9: {  	[sflag:s9] =	ssyncadd.s32 $0xFFFFFCE0  }
0x3fa: {  	_ =	swait.ge [sflag:s9], $0x320  }
0x3fb: {  	[sflag:s9] =	ssyncset.done $0x0  }
0x3fc: {  	[sflag:s9] =	ssyncadd.s32 $0xFFFFFCE0  }
0x3fd: {  	_ =	swait.ge [sflag:s20], $0x320  }
0x3fe: {  	[sflag:s20] =	ssyncset.done $0x0  }
0x3ff: {  	[sflag:s20] =	ssyncadd.s32 $0xFFFFFCE0  }
0x400: {  	_ =	swait.ge [sflag:s20], $0x320  }
0x401: {  	[sflag:s20] =	ssyncset.done $0x0  }
0x402: {  	[sflag:s20] =	ssyncadd.s32 $0xFFFFFCE0  }
0x403: {  	_ =	swait.ge [sflag:s20], $0x320  }
0x404: {  	[sflag:s20] =	ssyncset.done $0x0  }
0x405: {  	s1 =	simm.s32 $0x4;
	[sflag:s20] =	ssyncadd.s32 $0xFFFFFCE0  }
0x406: {  	_ =	swait.ge [sflag:s1], $0x320  }
0x407: {  	[sflag:s1] =	ssyncset.done $0x0  }
0x408: {  	[sflag:s1] =	ssyncadd.s32 $0xFFFFFCE0  }
0x409: {  	_ =	swait.ge [sflag:s1], $0x320  }
0x40a: {  	[sflag:s1] =	ssyncset.done $0x0  }
0x40b: {  	[sflag:s1] =	ssyncadd.s32 $0xFFFFFCE0  }
0x40c: {  	_ =	swait.ge [sflag:s1], $0x320  }
0x40d: {  	[sflag:s1] =	ssyncset.done $0x0  }
0x40e: {  	s21 =	simm.s32 $0x8;
	[sflag:s1] =	ssyncadd.s32 $0xFFFFFCE0  }
0x40f: {  	_ =	swait.ge [sflag:s21], $0x320  }
0x410: {  	[sflag:s21] =	ssyncset.done $0x0  }
0x411: {  	[sflag:s21] =	ssyncadd.s32 $0xFFFFFCE0  }
0x412: {  	_ =	swait.ge [sflag:s21], $0x320  }
0x413: {  	[sflag:s21] =	ssyncset.done $0x0  }
0x414: {  	[sflag:s21] =	ssyncadd.s32 $0xFFFFFCE0  }
0x415: {  	_ =	swait.ge [sflag:s21], $0x320  }
0x416: {  	[sflag:s21] =	ssyncset.done $0x0  }
0x417: {  	s2 =	simm.s32 $0xC;
	[sflag:s21] =	ssyncadd.s32 $0xFFFFFCE0  }
0x418: {  	_ =	swait.ge [sflag:s2], $0x320  }
0x419: {  	[sflag:s2] =	ssyncset.done $0x0  }
0x41a: {  	[sflag:s2] =	ssyncadd.s32 $0xFFFFFCE0  }
0x41b: {  	_ =	swait.ge [sflag:s2], $0x320  }
0x41c: {  	[sflag:s2] =	ssyncset.done $0x0  }
0x41d: {  	[sflag:s2] =	ssyncadd.s32 $0xFFFFFCE0  }
0x41e: {  	_ =	swait.ge [sflag:s2], $0x320  }
0x41f: {  	s3 =	rddreg [dreg:$0x1e]  }
0x420: {  	s26 =	rddreg [dreg:$0x1a];
	s3 =	sadd.s32 $0x1, s3  }
0x421: {  	p1 =	sne.s32 s3, s26  }
.Ltmp4:
0x422: {  	_ = 	snop;
	(pc) =	sbr.rel @p1 .LBB2_1-.Ltmp4, $3  }
0x423: {  	_ =	sdelay $0x1  }
0x424: {  	[sflag:s2] =	ssyncset.done $0x0  }
0x425: {  	[sflag:s2] =	ssyncadd.s32 $0xFFFFFCE0  }
0x426: {  	_ =	sfence.sel $0x180000  }
0x427: {  	[bflag:$0x0] =	sbarrier.arrive $0xFFFF  }
0x428: {  	_ =	strace $0x90000047  }
0x429: {  	[bflag:$0x2] =	sbarrier.arrive $0xFFFF  }
0x42a: {  	s0 =	rddreg [dreg:$0x5]  }
0x42b: {  	s0 =	sadd.s32 @!p0 $0x100000, s0  }
0x42c: {  	[sflag:s0] =	ssyncadd.tile.s32 @!p0 $0x1;
	_ =	shalt  }
.Lfunc_end2:
_tile_overlayer_lowered:
.L_overlay_start_2:
0x42d: {  	(tag) =	ssettag $0x2  }
0x42e: {  	s0 =	rddreg [dreg:$0x0];
	s2 =	stileid.u32  }
0x42f: {  	s1 =	rddreg [dreg:$0x1];
	p0 =	sne.s32 s2, $0x0  }
0x430: {  	s3 =	rddreg [dreg:$0x2];
	[bflag:$0x3] =	sbarrier.arrive $0xFFFF;
	s2 =	simm.s32 @!p0 $0x1C0D  }
0x431: {  	[timem:s3], [sflag:s2] =	dma.local @!p0 [hbm:s0], s1  }
0x432: {  	s0 =	simm.s32 @!p0 $0xD  }
0x433: {  	_ =	swait.ge @!p0 [sflag:s0], s1  }
0x434: {  	s1 =	ssub.s32 @!p0 $0x0, s1;
	[sflag:s0] =	ssyncset.done @!p0 $0x0  }
0x435: {  	[sflag:s0] =	ssyncadd.s32 @!p0 s1  }
0x436: {  	[bflag:$0x3] =	sbarrier.arrive $0xFFFF  }
0x437: {  	_ =	shalt  }

</sc_bundles>
